<compile_context>
chip_gen: v7x
topology: tpu7x:2x2x1
jax: 0.10.2.dev20260603
libtpu: 0.0.44.dev20260713+nightly
codegen_flags: <defaults>
</compile_context>

<pallas_src>
import functools

import jax
import jax.numpy as jnp
from jax import lax
from jax.experimental import pallas as pl
from jax.experimental.pallas import tpu as pltpu
from jax.experimental.pallas import tpu_sc as plsc

_B = 16
_P = 8732
_C = 21
_O = 5
_R = 69
_L = 128
_PP = _R * _L
_H = _PP // 2
_NV = _H // 16
_THRESHOLD = 0.5
_NEGPOS = 3
_V0 = 0.1
_V1 = 0.2
_NPIX = _B * (2500 + 625 + 169)


def _sc_match_kernel(pri_hbm, tw_hbm, conf_hbm, bti_hbm,
                     pri_v, tw_v, bto_v, bti_v, conf_s, btio_s,
                     shm, shi):
    c = lax.axis_index("c")
    s = lax.axis_index("s")
    img = c * 8 + s // 2
    half = s % 2
    base = half * _H

    pltpu.sync_copy(pri_hbm.at[pl.ds(half * 5 * _H, 5 * _H)], pri_v)
    pltpu.sync_copy(tw_hbm.at[pl.ds(img * 400, 400)], tw_v)

    lane = lax.iota(jnp.int32, 16)
    NEG = jnp.full((16,), -1.0, jnp.float32)
    BIG = jnp.full((16,), _PP, jnp.int32)

    def body(i, carry):
        m0, m1, m2, m3, m4, i0, i1, i2, i3, i4 = carry
        off = i * 16
        pxmin = pri_v[pl.ds(off, 16)]
        pymin = pri_v[pl.ds(_H + off, 16)]
        pxmax = pri_v[pl.ds(2 * _H + off, 16)]
        pymax = pri_v[pl.ds(3 * _H + off, 16)]
        area_p = pri_v[pl.ds(4 * _H + off, 16)]
        gidx = base + off + lane
        bto = NEG
        bti = jnp.zeros((16,), jnp.int32)
        ms = [m0, m1, m2, m3, m4]
        ia = [i0, i1, i2, i3, i4]
        for j in range(_O):
            tx0 = tw_v[pl.ds((j * 5 + 0) * 16, 16)]
            ty0 = tw_v[pl.ds((j * 5 + 1) * 16, 16)]
            tx1 = tw_v[pl.ds((j * 5 + 2) * 16, 16)]
            ty1 = tw_v[pl.ds((j * 5 + 3) * 16, 16)]
            ix = jnp.maximum(
                jnp.minimum(tx1, pxmax) - jnp.maximum(tx0, pxmin), 0.0)
            iy = jnp.maximum(
                jnp.minimum(ty1, pymax) - jnp.maximum(ty0, pymin), 0.0)
            inter = ix * iy
            area_t = (tx1 - tx0) * (ty1 - ty0)
            iou = inter / (area_t + area_p - inter)
            upd = iou > bto
            bti = jnp.where(upd, j, bti)
            bto = jnp.where(upd, iou, bto)
            updm = iou > ms[j]
            ia[j] = jnp.where(updm, gidx, ia[j])
            ms[j] = jnp.where(updm, iou, ms[j])
        bto_v[pl.ds(off, 16)] = bto
        bti_v[pl.ds(off, 16)] = bti
        return (ms[0], ms[1], ms[2], ms[3], ms[4],
                ia[0], ia[1], ia[2], ia[3], ia[4])

    init = (NEG, NEG, NEG, NEG, NEG, BIG, BIG, BIG, BIG, BIG)
    out = lax.fori_loop(0, _NV, body, init)
    ms = out[0:5]
    ia = out[5:10]

    mvec = jnp.full((16,), -1.0, jnp.float32)
    ivec = BIG
    for j in range(_O):
        mj = ms[j]
        ij = ia[j]
        for k in (1, 2, 4, 8):
            pm = jnp.take(mj, lane ^ k)
            pi = jnp.take(ij, lane ^ k)
            better = (pm > mj) | ((pm == mj) & (pi < ij))
            mj = jnp.where(better, pm, mj)
            ij = jnp.where(better, pi, ij)
        mvec = jnp.where(lane == j, mj, mvec)
        ivec = jnp.where(lane == j, ij, ivec)

    conf_s[pl.ds(0, 16)] = mvec
    btio_s[pl.ds(0, 16)] = ivec
    pltpu.sync_copy(conf_s.at[pl.ds(0, 16)], shm.at[pl.ds(s * 16, 16)])
    pltpu.sync_copy(btio_s.at[pl.ds(0, 16)], shi.at[pl.ds(s * 16, 16)])
    plsc.subcore_barrier()
    sib = jnp.where(half == 0, s + 1, s - 1)
    pltpu.sync_copy(shm.at[pl.ds(sib * 16, 16)], conf_s.at[pl.ds(0, 16)])
    pltpu.sync_copy(shi.at[pl.ds(sib * 16, 16)], btio_s.at[pl.ds(0, 16)])
    m_o = conf_s[pl.ds(0, 16)]
    i_o = btio_s[pl.ds(0, 16)]

    better = (m_o > mvec) | ((m_o == mvec) & (i_o < ivec))
    bp = jnp.where(better, i_o, ivec)

    bps = [jnp.take(bp, jnp.full((16,), j, jnp.int32)) for j in range(_O)]
    tl = [tw_v[pl.ds((j * 5 + 4) * 16, 16)] for j in range(_O)]

    def body2(i, carry):
        off = i * 16
        bto = bto_v[pl.ds(off, 16)]
        bti = bti_v[pl.ds(off, 16)]
        gidx = base + off + lane
        for j in range(_O):
            cond = gidx == bps[j]
            bti = jnp.where(cond, j, bti)
            bto = jnp.where(cond, 2.0, bto)
        lab = jnp.zeros((16,), jnp.float32)
        for j in range(_O):
            lab = jnp.where(bti == j, tl[j], lab)
        conf = jnp.where((bto < _THRESHOLD) | (gidx >= _P), 0.0, lab + 1.0)
        conf_s[pl.ds(off, 16)] = conf
        btio_s[pl.ds(off, 16)] = bti
        return carry

    lax.fori_loop(0, _NV, body2, 0)
    pltpu.sync_copy(conf_s, conf_hbm.at[pl.ds(img * _PP + base, _H)])
    pltpu.sync_copy(btio_s, bti_hbm.at[pl.ds(img * _PP + base, _H)])


def _sc_match(priors_sc, targets_wide):
    mesh = plsc.VectorSubcoreMesh(core_axis_name="c", subcore_axis_name="s")
    f = functools.partial(
        pl.kernel,
        mesh=mesh,
        out_type=[
            jax.ShapeDtypeStruct((_B * _PP,), jnp.float32),
            jax.ShapeDtypeStruct((_B * _PP,), jnp.int32),
        ],
        scratch_types=[
            pltpu.VMEM((5 * _H,), jnp.float32),
            pltpu.VMEM((400,), jnp.float32),
            pltpu.VMEM((_H,), jnp.float32),
            pltpu.VMEM((_H,), jnp.int32),
            pltpu.VMEM((_H,), jnp.float32),
            pltpu.VMEM((_H,), jnp.int32),
            pltpu.VMEM_SHARED((256,), jnp.float32),
            pltpu.VMEM_SHARED((256,), jnp.int32),
        ],
    )(_sc_match_kernel)
    return f(priors_sc, targets_wide)


def _fused_kernel(tg_ref,
                  ys1_ref, xs1_ref, m1_ref,
                  ys2_ref, xs2_ref, m2_ref,
                  ys3_ref, xs3_ref, m3_ref,
                  pri_ref, loc_ref, conf_ref, ct_ref, bti_ref,
                  ll_ref, lc_ref, lm_ref,
                  v_scr, np_scr, acc_ref):
    b = pl.program_id(0)

    @pl.when(b == 0)
    def _():
        acc_ref[0] = 0.0
        acc_ref[1] = 0.0
        acc_ref[2] = 0.0
        acc_ref[3] = 0.0

    mpart = 0.0
    for ys_ref, xs_ref, m_ref, S in ((ys1_ref, xs1_ref, m1_ref, 50),
                                     (ys2_ref, xs2_ref, m2_ref, 25),
                                     (ys3_ref, xs3_ref, m3_ref, 13)):
        S2 = S * S
        x = m_ref[0]
        ys = ys_ref[...]
        xs = xs_ref[...]
        label = jnp.zeros((1, S2), jnp.float32)
        for j in range(_O):
            tx0 = tg_ref[b, j, 0]
            ty0 = tg_ref[b, j, 1]
            tx1 = tg_ref[b, j, 2]
            ty1 = tg_ref[b, j, 3]
            tl = tg_ref[b, j, 4]
            xmin = jnp.maximum(jnp.floor(S * tx0), 0.0)
            ymin = jnp.maximum(jnp.floor(S * ty0), 0.0)
            xmax = jnp.minimum(jnp.ceil(S * tx1 + 1.0), float(S))
            ymax = jnp.minimum(jnp.ceil(S * ty1 + 1.0), float(S))
            cond = ((ys >= ymin) & (ys < ymax) & (xs >= xmin) & (xs < xmax))
            label = jnp.where(cond, tl + 1.0, label)
        m = jnp.max(x, axis=0, keepdims=True)
        s = jnp.sum(jnp.exp(x - m), axis=0, keepdims=True)
        lse = jnp.log(s) + m
        ci = lax.broadcasted_iota(jnp.int32, (_C, S2), 0).astype(jnp.float32)
        picked = jnp.sum(jnp.where(ci == label, x, 0.0), axis=0, keepdims=True)
        mpart = mpart + jnp.sum(lse - picked)
    acc_ref[0] += mpart

    cx = pri_ref[0]
    cy = pri_ref[1]
    w = pri_ref[2]
    h = pri_ref[3]
    conf_t = ct_ref[0]
    bti = bti_ref[0]
    posb = conf_t > 0.0
    posf = jnp.where(posb, 1.0, 0.0)

    mt0 = jnp.zeros((_R, _L), jnp.float32)
    mt1 = jnp.zeros((_R, _L), jnp.float32)
    mt2 = jnp.zeros((_R, _L), jnp.float32)
    mt3 = jnp.zeros((_R, _L), jnp.float32)
    for j in range(_O):
        sel = bti == j
        mt0 = jnp.where(sel, tg_ref[b, j, 0], mt0)
        mt1 = jnp.where(sel, tg_ref[b, j, 1], mt1)
        mt2 = jnp.where(sel, tg_ref[b, j, 2], mt2)
        mt3 = jnp.where(sel, tg_ref[b, j, 3], mt3)

    g0 = ((mt0 + mt2) * 0.5 - cx) / (_V0 * w)
    g1 = ((mt1 + mt3) * 0.5 - cy) / (_V0 * h)
    g2 = jnp.log(jnp.maximum(mt2 - mt0, 1e-10) / w) / _V1
    g3 = jnp.log(jnp.maximum(mt3 - mt1, 1e-10) / h) / _V1
    sl = 0.0
    for k, g in ((0, g0), (1, g1), (2, g2), (3, g3)):
        d = loc_ref[0, k] - g
        ad = jnp.abs(d)
        sl = sl + jnp.where(ad < 1.0, 0.5 * d * d, ad - 0.5)
    acc_ref[1] += jnp.sum(jnp.where(posb, sl, 0.0))
    npsum = jnp.sum(posf)
    acc_ref[2] += npsum

    pidx = (lax.broadcasted_iota(jnp.int32, (_R, _L), 0) * _L
            + lax.broadcasted_iota(jnp.int32, (_R, _L), 1))
    valid = pidx < _P
    x = conf_ref[0]
    m = jnp.max(x, axis=0)
    s = jnp.sum(jnp.exp(x - m[None]), axis=0)
    lse = jnp.log(s) + m
    ci = lax.broadcasted_iota(jnp.int32, (_C, _R, _L), 0).astype(jnp.float32)
    picked = jnp.sum(jnp.where(ci == conf_t[None], x, 0.0), axis=0)
    ce = jnp.where(valid, lse - picked, 0.0)
    acc_ref[3] += jnp.sum(jnp.where(posb, ce, 0.0))
    v_scr[b] = jnp.where(posb, 0.0, ce)
    np_scr[b] = jnp.zeros((_L,), jnp.float32) + npsum

    @pl.when(b == _B - 1)
    def _():
        v = v_scr[...]
        bits = lax.bitcast_convert_type(v, jnp.int32)
        pidx3 = (lax.broadcasted_iota(jnp.int32, (_B, _R, _L), 1) * _L
                 + lax.broadcasted_iota(jnp.int32, (_B, _R, _L), 2))
        num_pos = np_scr[...][:, 0:1].reshape(_B, 1, 1)
        kk = jnp.minimum(_NEGPOS * num_pos, float(_P - 1))

        def srch(i, carry):
            lo, hi = carry
            mid = lo + (hi - lo + 1) // 2
            cnt = jnp.sum(jnp.where(bits >= mid, 1.0, 0.0), axis=(1, 2),
                          keepdims=True)
            ok = cnt >= kk
            return jnp.where(ok, mid, lo), jnp.where(ok, hi, mid - 1)

        lo0 = jnp.zeros((_B, 1, 1), jnp.int32)
        hi0 = jnp.full((_B, 1, 1), 0x7f800000, jnp.int32)
        t, _u1 = lax.fori_loop(0, 31, srch, (lo0, hi0))

        gt = bits > t
        eq = bits == t
        need = kk - jnp.sum(jnp.where(gt, 1.0, 0.0), axis=(1, 2),
                            keepdims=True)

        def srch2(i, carry):
            lo, hi = carry
            mid = (lo + hi) // 2
            cnt = jnp.sum(jnp.where(eq & (pidx3 <= mid), 1.0, 0.0),
                          axis=(1, 2), keepdims=True)
            ok = cnt >= need
            return jnp.where(ok, lo, mid + 1), jnp.where(ok, mid, hi)

        lo0 = jnp.zeros((_B, 1, 1), jnp.int32)
        hi0 = jnp.full((_B, 1, 1), _PP - 1, jnp.int32)
        idx_t, _u2 = lax.fori_loop(0, 14, srch2, (lo0, hi0))

        neg = gt | (eq & (pidx3 <= idx_t))
        negsum = jnp.sum(jnp.where(neg, v, 0.0))
        n = acc_ref[2]
        ll_ref[0, 0] = acc_ref[1] / n * 2.0
        lc_ref[0, 0] = (acc_ref[3] + negsum) / n * 2.0
        lm_ref[0, 0] = acc_ref[0] / float(_NPIX)


def _coords(S):
    p = jnp.arange(S * S, dtype=jnp.int32)
    return ((p // S).astype(jnp.float32).reshape(1, S * S),
            (p % S).astype(jnp.float32).reshape(1, S * S))


def kernel(loc_data, conf_data, priors, mask1, mask2, mask3, targets):
    pt = jnp.transpose(priors, (1, 0))
    cxr, cyr, wr, hr = pt[0], pt[1], pt[2], pt[3]
    rows = jnp.stack([cxr - wr * 0.5, cyr - hr * 0.5,
                      cxr + wr * 0.5, cyr + hr * 0.5, wr * hr], 0)
    padrow = jnp.tile(jnp.array([[2.5], [2.5], [3.0], [3.0], [0.25]],
                                jnp.float32), (1, _PP - _P))
    rows = jnp.concatenate([rows, padrow], axis=1)
    priors_sc = rows.reshape(5, 2, _H).transpose(1, 0, 2).reshape(-1)
    targets_wide = jnp.broadcast_to(
        targets.reshape(_B, 25)[:, :, None], (_B, 25, 16)).reshape(-1)

    conf_sc, bti_sc = _sc_match(priors_sc, targets_wide)
    ct = conf_sc.reshape(_B, _R, _L)
    bt = bti_sc.reshape(_B, _R, _L)

    conf_t = jnp.transpose(conf_data, (0, 2, 1))
    conf_t = jnp.pad(conf_t, ((0, 0), (0, 0), (0, _PP - _P)))
    conf_t = conf_t.reshape(_B, _C, _R, _L)
    loc_t = jnp.transpose(loc_data, (0, 2, 1))
    loc_t = jnp.pad(loc_t, ((0, 0), (0, 0), (0, _PP - _P)))
    loc_t = loc_t.reshape(_B, 4, _R, _L)
    pad_vals = jnp.tile(jnp.array([[3.0], [3.0], [1.0], [1.0]], jnp.float32),
                        (1, _PP - _P))
    pri_t = jnp.concatenate([pt, pad_vals], axis=1).reshape(4, _R, _L)
    m1 = mask1.reshape(_B, _C, 2500)
    m2 = mask2.reshape(_B, _C, 625)
    m3 = mask3.reshape(_B, _C, 169)
    ys1, xs1 = _coords(50)
    ys2, xs2 = _coords(25)
    ys3, xs3 = _coords(13)

    smem = pl.BlockSpec(memory_space=pltpu.SMEM)

    def cspec(shape):
        return pl.BlockSpec(shape, lambda b: tuple(0 for _ in shape))

    ll, lc, lm = pl.pallas_call(
        _fused_kernel,
        grid=(_B,),
        in_specs=[
            smem,
            cspec((1, 2500)), cspec((1, 2500)),
            pl.BlockSpec((1, _C, 2500), lambda b: (b, 0, 0)),
            cspec((1, 625)), cspec((1, 625)),
            pl.BlockSpec((1, _C, 625), lambda b: (b, 0, 0)),
            cspec((1, 169)), cspec((1, 169)),
            pl.BlockSpec((1, _C, 169), lambda b: (b, 0, 0)),
            cspec((4, _R, _L)),
            pl.BlockSpec((1, 4, _R, _L), lambda b: (b, 0, 0, 0)),
            pl.BlockSpec((1, _C, _R, _L), lambda b: (b, 0, 0, 0)),
            pl.BlockSpec((1, _R, _L), lambda b: (b, 0, 0)),
            pl.BlockSpec((1, _R, _L), lambda b: (b, 0, 0)),
        ],
        out_specs=[
            pl.BlockSpec(memory_space=pltpu.SMEM),
            pl.BlockSpec(memory_space=pltpu.SMEM),
            pl.BlockSpec(memory_space=pltpu.SMEM),
        ],
        out_shape=[
            jax.ShapeDtypeStruct((1, 1), jnp.float32),
            jax.ShapeDtypeStruct((1, 1), jnp.float32),
            jax.ShapeDtypeStruct((1, 1), jnp.float32),
        ],
        scratch_shapes=[
            pltpu.VMEM((_B, _R, _L), jnp.float32),
            pltpu.VMEM((_B, _L), jnp.float32),
            pltpu.SMEM((4,), jnp.float32),
        ],
    )(targets, ys1, xs1, m1, ys2, xs2, m2, ys3, xs3, m3,
      pri_t, loc_t, conf_t, ct, bt)

    return ll[0, 0], lc[0, 0], lm[0, 0]

# --- scband reference (transcript-rebuilt; emitter-appended) ---
"""Pipeline reference for scband-multi-box-loss-88553635709432 (READ-ONLY COPY).

The authoritative reference and input builder live on the scoring server;
editing this copy changes nothing except your own understanding.
"""

import jax, jax.numpy as jnp
import numpy as np

NUM_CLASSES = 21
THRESHOLD = 0.5
NEGPOS_RATIO = 3
VARIANCES = (0.1, 0.2)


def _generate_mask_scale(targets, S):
    B, O, _ = targets.shape
    ys = jnp.arange(S, dtype=jnp.float32)
    xs = jnp.arange(S, dtype=jnp.float32)
    mask = jnp.zeros((B, S, S), dtype=jnp.float32)
    for j in range(O):
        xmin = jnp.maximum(jnp.floor(S * targets[:, j, 0]), 0.0)
        ymin = jnp.maximum(jnp.floor(S * targets[:, j, 1]), 0.0)
        xmax = jnp.minimum(jnp.ceil(S * targets[:, j, 2] + 1.0), float(S))
        ymax = jnp.minimum(jnp.ceil(S * targets[:, j, 3] + 1.0), float(S))
        label = targets[:, j, 4] + 1.0
        cond = ((ys[None, :, None] >= ymin[:, None, None]) & (ys[None, :, None] < ymax[:, None, None]) &
                (xs[None, None, :] >= xmin[:, None, None]) & (xs[None, None, :] < xmax[:, None, None]))
        mask = jnp.where(cond, label[:, None, None], mask)
    return mask


def _match_one(truths, labels, priors):
    pt = jnp.concatenate([priors[:, :2] - priors[:, 2:] / 2.0, priors[:, :2] + priors[:, 2:] / 2.0], axis=1)
    ixy_min = jnp.maximum(truths[:, None, :2], pt[None, :, :2])
    ixy_max = jnp.minimum(truths[:, None, 2:], pt[None, :, 2:])
    inter = jnp.maximum(ixy_max - ixy_min, 0.0)
    inter_area = inter[..., 0] * inter[..., 1]
    area_t = (truths[:, 2] - truths[:, 0]) * (truths[:, 3] - truths[:, 1])
    area_p = (pt[:, 2] - pt[:, 0]) * (pt[:, 3] - pt[:, 1])
    overlaps = inter_area / (area_t[:, None] + area_p[None, :] - inter_area)
    best_prior_idx = jnp.argmax(overlaps, axis=1)
    best_truth_overlap = jnp.max(overlaps, axis=0)
    best_truth_idx = jnp.argmax(overlaps, axis=0)
    best_truth_overlap = best_truth_overlap.at[best_prior_idx].set(2.0)
    best_truth_idx = best_truth_idx.at[best_prior_idx].set(jnp.arange(truths.shape[0]))
    matches = truths[best_truth_idx]
    conf = labels[best_truth_idx] + 1.0
    conf = jnp.where(best_truth_overlap < THRESHOLD, 0.0, conf)
    g_cxcy = ((matches[:, :2] + matches[:, 2:]) / 2.0 - priors[:, :2]) / (VARIANCES[0] * priors[:, 2:])
    g_wh = jnp.log((matches[:, 2:] - matches[:, :2]) / priors[:, 2:]) / VARIANCES[1]
    return jnp.concatenate([g_cxcy, g_wh], axis=1), conf.astype(jnp.int32)


def _forward(loc_data, conf_data, priors, mask1, mask2, mask3, targets):
    B, P, _ = loc_data.shape
    C = NUM_CLASSES
    # ---- mask (segmentation) loss ----
    pix, mg = [], []
    for m, S in ((mask1, 50), (mask2, 25), (mask3, 13)):
        pix.append(jnp.transpose(m.reshape(B, C, -1), (0, 2, 1)).reshape(-1, C))
        mg.append(_generate_mask_scale(targets, S).reshape(-1))
    total_pixel = jnp.concatenate(pix, 0)
    total_mask = jnp.concatenate(mg, 0).astype(jnp.int32)
    lse_pix = jax.scipy.special.logsumexp(total_pixel, axis=1)
    picked_pix = jnp.take_along_axis(total_pixel, total_mask[:, None], axis=1)[:, 0]
    loss_m = jnp.mean(lse_pix - picked_pix)
    # ---- matching (detached targets, like requires_grad=False) ----
    loc_list, conf_list = [], []
    for i in range(B):
        l, c = _match_one(targets[i, :, :4], targets[i, :, 4], priors)
        loc_list.append(l)
        conf_list.append(c)
    loc_t = jax.lax.stop_gradient(jnp.stack(loc_list, 0))
    conf_t = jax.lax.stop_gradient(jnp.stack(conf_list, 0))
    pos = conf_t > 0
    # ---- localization loss: smooth L1 summed over positives ----
    diff = loc_data - loc_t
    ad = jnp.abs(diff)
    sl1 = jnp.where(ad < 1.0, 0.5 * diff * diff, ad - 0.5)
    loss_l = jnp.sum(sl1 * pos[:, :, None].astype(sl1.dtype))
    # ---- hard negative mining ----
    batch_conf = conf_data.reshape(-1, C)
    x_max = jnp.max(batch_conf)
    lse = jnp.log(jnp.sum(jnp.exp(batch_conf - x_max), axis=1)) + x_max
    gathered = jnp.take_along_axis(batch_conf, conf_t.reshape(-1, 1), axis=1)[:, 0]
    loss_c = (lse - gathered).reshape(B, P)
    loss_c = jnp.where(pos, 0.0, loss_c)
    loss_idx = jnp.argsort(-loss_c, axis=1)
    idx_rank = jnp.argsort(loss_idx, axis=1)
    num_pos = jnp.sum(pos.astype(jnp.int32), axis=1, keepdims=True)
    num_neg = jnp.minimum(NEGPOS_RATIO * num_pos, P - 1)
    neg = idx_rank < num_neg
    sel = (pos | neg).astype(conf_data.dtype)
    lse_row = jax.scipy.special.logsumexp(conf_data, axis=2)
    picked_row = jnp.take_along_axis(conf_data, conf_t[:, :, None], axis=2)[:, :, 0]
    ce = lse_row - picked_row
    loss_c_final = jnp.sum(ce * sel)
    N = jnp.sum(num_pos).astype(jnp.float32)
    loss_l = loss_l / N * 2.0
    loss_c_final = loss_c_final / N * 2.0
    return loss_l, loss_c_final, loss_m


def setup_inputs(seed: int = 0):
    key = jax.random.key(seed)
    ks = jax.random.split(key, 10)
    B, P, C, O = 16, 8732, 21, 5
    loc_data = jax.random.normal(ks[0], (B, P, 4), dtype=jnp.float32)
    conf_data = jax.random.normal(ks[1], (B, P, C), dtype=jnp.float32)
    cxy = jax.random.uniform(ks[2], (P, 2), minval=0.0, maxval=1.0)
    wh = jax.random.uniform(ks[3], (P, 2), minval=0.05, maxval=0.5)
    priors = jnp.concatenate([cxy, wh], axis=1).astype(jnp.float32)
    mask1 = jax.random.normal(ks[4], (B, C, 50, 50), dtype=jnp.float32)
    mask2 = jax.random.normal(ks[5], (B, C, 25, 25), dtype=jnp.float32)
    mask3 = jax.random.normal(ks[6], (B, C, 13, 13), dtype=jnp.float32)
    tc = jax.random.uniform(ks[7], (B, O, 2), minval=0.2, maxval=0.8)
    tw = jax.random.uniform(ks[8], (B, O, 2), minval=0.1, maxval=0.3)
    tmin = jnp.clip(tc - tw / 2.0, 0.0, 1.0)
    tmax = jnp.clip(tc + tw / 2.0, 0.0, 1.0)
    labels = jax.random.randint(ks[9], (B, O, 1), 0, C - 1).astype(jnp.float32)
    targets = jnp.concatenate([tmin, tmax, labels], axis=2)
    return {"loc_data": loc_data, "conf_data": conf_data, "priors": priors,
            "mask1": mask1, "mask2": mask2, "mask3": mask3, "targets": targets}


def reference(loc_data, conf_data, priors, mask1, mask2, mask3, targets):
    return _forward(loc_data, conf_data, priors, mask1, mask2, mask3, targets)

if __name__ == "__main__":
    import jax
    _d = setup_inputs()
    print(jax.jit(kernel)(*tuple(_d.values())))

</pallas_src>

<mosaic_0001>
#map = affine_map<(d0, d1) -> (0)>
module attributes {stable_mosaic.version = 14 : i64} {
  func.func @_sc_match_kernel(%arg0: i32, %arg1: i32, %arg2: memref<44160xf32, #tpu.memory_space<hbm>>, %arg3: memref<6400xf32, #tpu.memory_space<hbm>>, %arg4: memref<141312xf32, #tpu.memory_space<hbm>>, %arg5: memref<141312xi32, #tpu.memory_space<hbm>>, %arg6: memref<22080xf32, #tpu.memory_space<vmem>>, %arg7: memref<400xf32, #tpu.memory_space<vmem>>, %arg8: memref<4416xf32, #tpu.memory_space<vmem>>, %arg9: memref<4416xi32, #tpu.memory_space<vmem>>, %arg10: memref<4416xf32, #tpu.memory_space<vmem>>, %arg11: memref<4416xi32, #tpu.memory_space<vmem>>, %arg12: memref<256xf32, #tpu.memory_space<vmem_shared>>, %arg13: memref<256xi32, #tpu.memory_space<vmem_shared>>) attributes {dimension_semantics = [#tpu.dimension_semantics<core_parallel>, #tpu.dimension_semantics<subcore_parallel>], iteration_bounds = array<i64: 2, 16>, scalar_prefetch = 0 : i64, scratch_operands = 8 : i64, tpu.core_type = #tpu.core_type<sc_vector_subcore>, window_params = [{transform_indices = #map}, {transform_indices = #map}, {transform_indices = #map}, {transform_indices = #map}]} {
    %mul3A = arith.constant 8 : i32
    %mul3A_0 = arith.muli %arg0, %mul3A : i32
    %jit3A = arith.constant 2 : i32
    %div3A = arith.divsi %arg1, %jit3A : i32
    %sign3A = arith.constant 0 : i32
    %sign3A_1 = arith.cmpi sgt, %arg1, %sign3A : i32
    %sign3A_2 = arith.extui %sign3A_1 : i1 to i32
    %sign3A_3 = arith.constant 0 : i32
    %sign3A_4 = arith.cmpi slt, %arg1, %sign3A_3 : i32
    %sign3A_5 = arith.extui %sign3A_4 : i1 to i32
    %sign3A_6 = arith.subi %sign3A_2, %sign3A_5 : i32
    %sign3A_7 = arith.constant 0 : i32
    %sign3A_8 = arith.cmpi sgt, %jit3A, %sign3A_7 : i32
    %sign3A_9 = arith.extui %sign3A_8 : i1 to i32
    %sign3A_10 = arith.constant 0 : i32
    %sign3A_11 = arith.cmpi slt, %jit3A, %sign3A_10 : i32
    %sign3A_12 = arith.extui %sign3A_11 : i1 to i32
    %sign3A_13 = arith.subi %sign3A_9, %sign3A_12 : i32
    %ne3A = arith.cmpi ne, %sign3A_6, %sign3A_13 : i32
    %rem3A = arith.remsi %arg1, %jit3A : i32
    %ne3A_14 = arith.constant 0 : i32
    %ne3A_15 = arith.cmpi ne, %rem3A, %ne3A_14 : i32
    %and3A = arith.andi %ne3A, %ne3A_15 : i1
    %sub3A = arith.constant 1 : i32
    %sub3A_16 = arith.subi %div3A, %sub3A : i32
    %select_n3A = arith.select %and3A, %sub3A_16, %div3A : i32
    %add3A = arith.addi %mul3A_0, %select_n3A : i32
    %jit3A_17 = arith.constant 2 : i32
    %eq3A = arith.constant 0 : i32
    %eq3A_18 = arith.cmpi eq, %jit3A_17, %eq3A : i32
    %jit3A_19 = arith.constant 1 : i32
    %select_n3A_20 = arith.select %eq3A_18, %jit3A_19, %jit3A_17 : i32
    %rem3A_21 = arith.remsi %arg1, %select_n3A_20 : i32
    %ne3A_22 = arith.constant 0 : i32
    %ne3A_23 = arith.cmpi ne, %rem3A_21, %ne3A_22 : i32
    %lt3A = arith.constant 0 : i32
    %lt3A_24 = arith.cmpi slt, %rem3A_21, %lt3A : i32
    %lt3A_25 = arith.constant 0 : i32
    %lt3A_26 = arith.cmpi slt, %select_n3A_20, %lt3A_25 : i32
    %ne3A_27 = arith.xori %lt3A_24, %lt3A_26 : i1
    %and3A_28 = arith.andi %ne3A_27, %ne3A_23 : i1
    %add3A_29 = arith.addi %rem3A_21, %select_n3A_20 : i32
    %select_n3A_30 = arith.select %and3A_28, %add3A_29, %rem3A_21 : i32
    %mul3A_31 = arith.constant 4416 : i32
    %mul3A_32 = arith.muli %select_n3A_30, %mul3A_31 : i32
    %mul3A_33 = arith.constant 5 : i32
    %mul3A_34 = arith.muli %select_n3A_30, %mul3A_33 : i32
    %mul3A_35 = arith.constant 4416 : i32
    %mul3A_36 = arith.muli %mul3A_34, %mul3A_35 : i32
    "tpu.region"() ({
      %run_scoped3A = tpu.sem_alloc : memref<!tpu.dma_semaphore, #tpu.memory_space<semaphore_mem>>
      %dma_start3A = tpu.memref_slice %arg2[%mul3A_36] : memref<44160xf32, #tpu.memory_space<hbm>> -> memref<22080xf32, #tpu.memory_space<hbm>>
      %dma_start3A_865 = tpu.memref_slice %arg2[%mul3A_36] : memref<44160xf32, #tpu.memory_space<hbm>> -> memref<22080xf32, #tpu.memory_space<hbm>>
      tpu.enqueue_dma source(%dma_start3A_865 : memref<22080xf32, #tpu.memory_space<hbm>>) target(%arg6 : memref<22080xf32, #tpu.memory_space<vmem>>) target_semaphore(%run_scoped3A : memref<!tpu.dma_semaphore, #tpu.memory_space<semaphore_mem>>)
      %dma_wait3A = tpu.memref_slice %arg2[%mul3A_36] : memref<44160xf32, #tpu.memory_space<hbm>> -> memref<22080xf32, #tpu.memory_space<hbm>>
      %dma_wait3A_866 = tpu.memref_slice %arg2[%mul3A_36] : memref<44160xf32, #tpu.memory_space<hbm>> -> memref<22080xf32, #tpu.memory_space<hbm>>
      tpu.wait_dma2 semaphore(%run_scoped3A : memref<!tpu.dma_semaphore, #tpu.memory_space<semaphore_mem>>) src(%dma_wait3A_866 : memref<22080xf32, #tpu.memory_space<hbm>>) dst(%arg6 : memref<22080xf32, #tpu.memory_space<vmem>>)
      tpu.yield
    }) : () -> ()
    %mul3A_37 = arith.constant 400 : i32
    %mul3A_38 = arith.muli %add3A, %mul3A_37 : i32
    "tpu.region"() ({
      %run_scoped3A = tpu.sem_alloc : memref<!tpu.dma_semaphore, #tpu.memory_space<semaphore_mem>>
      %dma_start3A = tpu.memref_slice %arg3[%mul3A_38] : memref<6400xf32, #tpu.memory_space<hbm>> -> memref<400xf32, #tpu.memory_space<hbm>>
      %dma_start3A_865 = tpu.memref_slice %arg3[%mul3A_38] : memref<6400xf32, #tpu.memory_space<hbm>> -> memref<400xf32, #tpu.memory_space<hbm>>
      tpu.enqueue_dma source(%dma_start3A_865 : memref<400xf32, #tpu.memory_space<hbm>>) target(%arg7 : memref<400xf32, #tpu.memory_space<vmem>>) target_semaphore(%run_scoped3A : memref<!tpu.dma_semaphore, #tpu.memory_space<semaphore_mem>>)
      %dma_wait3A = tpu.memref_slice %arg3[%mul3A_38] : memref<6400xf32, #tpu.memory_space<hbm>> -> memref<400xf32, #tpu.memory_space<hbm>>
      %dma_wait3A_866 = tpu.memref_slice %arg3[%mul3A_38] : memref<6400xf32, #tpu.memory_space<hbm>> -> memref<400xf32, #tpu.memory_space<hbm>>
      tpu.wait_dma2 semaphore(%run_scoped3A : memref<!tpu.dma_semaphore, #tpu.memory_space<semaphore_mem>>) src(%dma_wait3A_866 : memref<400xf32, #tpu.memory_space<hbm>>) dst(%arg7 : memref<400xf32, #tpu.memory_space<vmem>>)
      tpu.yield
    }) : () -> ()
    %iota3A = tpu.iota {dimensions = array<i32: 0>} : vector<16xi32>
    %broadcast_in_dim3A = arith.constant -1.000000e+00 : f32
    %broadcast_in_dim3A_39 = vector.broadcast %broadcast_in_dim3A : f32 to vector<16xf32>
    %broadcast_in_dim3A_40 = arith.constant 8832 : i32
    %broadcast_in_dim3A_41 = vector.broadcast %broadcast_in_dim3A_40 : i32 to vector<16xi32>
    %scan3A = arith.constant 0 : i32
    %scan3A_42 = arith.constant 276 : i32
    %scan3A_43 = arith.addi %scan3A, %scan3A_42 : i32
    %scan3A_44 = arith.constant 1 : i32
    %scan3A_45:10 = scf.for %scan3A_865 = %scan3A to %scan3A_43 step %scan3A_44 iter_args(%scan3A_866 = %broadcast_in_dim3A_39, %scan3A_867 = %broadcast_in_dim3A_39, %scan3A_868 = %broadcast_in_dim3A_39, %scan3A_869 = %broadcast_in_dim3A_39, %scan3A_870 = %broadcast_in_dim3A_39, %scan3A_871 = %broadcast_in_dim3A_41, %scan3A_872 = %broadcast_in_dim3A_41, %scan3A_873 = %broadcast_in_dim3A_41, %scan3A_874 = %broadcast_in_dim3A_41, %scan3A_875 = %broadcast_in_dim3A_41) -> (vector<16xf32>, vector<16xf32>, vector<16xf32>, vector<16xf32>, vector<16xf32>, vector<16xi32>, vector<16xi32>, vector<16xi32>, vector<16xi32>, vector<16xi32>)  : i32 {
      %mul3A_876 = arith.constant 16 : i32
      %mul3A_877 = arith.muli %scan3A_865, %mul3A_876 : i32
      %get3A_878 = arith.index_cast %mul3A_877 : i32 to index
      %get3A_879 = tpu.vector_load %arg6[%get3A_878] {strides = array<i32>} : memref<22080xf32, #tpu.memory_space<vmem>>, vector<16xf32>,
      %get3A_880 = vector.shape_cast %get3A_879 : vector<16xf32> to vector<16xf32>
      %add3A_881 = arith.constant 4416 : i32
      %add3A_882 = arith.addi %add3A_881, %mul3A_877 : i32
      %get3A_883 = arith.index_cast %add3A_882 : i32 to index
      %get3A_884 = tpu.vector_load %arg6[%get3A_883] {strides = array<i32>} : memref<22080xf32, #tpu.memory_space<vmem>>, vector<16xf32>,
      %get3A_885 = vector.shape_cast %get3A_884 : vector<16xf32> to vector<16xf32>
      %add3A_886 = arith.constant 8832 : i32
      %add3A_887 = arith.addi %add3A_886, %mul3A_877 : i32
      %get3A_888 = arith.index_cast %add3A_887 : i32 to index
      %get3A_889 = tpu.vector_load %arg6[%get3A_888] {strides = array<i32>} : memref<22080xf32, #tpu.memory_space<vmem>>, vector<16xf32>,
      %get3A_890 = vector.shape_cast %get3A_889 : vector<16xf32> to vector<16xf32>
      %add3A_891 = arith.constant 13248 : i32
      %add3A_892 = arith.addi %add3A_891, %mul3A_877 : i32
      %get3A_893 = arith.index_cast %add3A_892 : i32 to index
      %get3A_894 = tpu.vector_load %arg6[%get3A_893] {strides = array<i32>} : memref<22080xf32, #tpu.memory_space<vmem>>, vector<16xf32>,
      %get3A_895 = vector.shape_cast %get3A_894 : vector<16xf32> to vector<16xf32>
      %add3A_896 = arith.constant 17664 : i32
      %add3A_897 = arith.addi %add3A_896, %mul3A_877 : i32
      %get3A_898 = arith.index_cast %add3A_897 : i32 to index
      %get3A_899 = tpu.vector_load %arg6[%get3A_898] {strides = array<i32>} : memref<22080xf32, #tpu.memory_space<vmem>>, vector<16xf32>,
      %get3A_900 = vector.shape_cast %get3A_899 : vector<16xf32> to vector<16xf32>
      %add3A_901 = arith.addi %mul3A_32, %mul3A_877 : i32
      %add3A_902 = vector.broadcast %add3A_901 : i32 to vector<16xi32>
      %add3A_903 = arith.addi %add3A_902, %iota3A : vector<16xi32>
      %broadcast_in_dim3A_904 = arith.constant 0 : i32
      %broadcast_in_dim3A_905 = vector.broadcast %broadcast_in_dim3A_904 : i32 to vector<16xi32>
      %get3A_906 = arith.constant 0 : index
      %get3A_907 = tpu.vector_load %arg7[%get3A_906] {strides = array<i32>} : memref<400xf32, #tpu.memory_space<vmem>>, vector<16xf32>,
      %get3A_908 = vector.shape_cast %get3A_907 : vector<16xf32> to vector<16xf32>
      %get3A_909 = arith.constant 16 : index
      %get3A_910 = tpu.vector_load %arg7[%get3A_909] {strides = array<i32>} : memref<400xf32, #tpu.memory_space<vmem>>, vector<16xf32>,
      %get3A_911 = vector.shape_cast %get3A_910 : vector<16xf32> to vector<16xf32>
      %get3A_912 = arith.constant 32 : index
      %get3A_913 = tpu.vector_load %arg7[%get3A_912] {strides = array<i32>} : memref<400xf32, #tpu.memory_space<vmem>>, vector<16xf32>,
      %get3A_914 = vector.shape_cast %get3A_913 : vector<16xf32> to vector<16xf32>
      %get3A_915 = arith.constant 48 : index
      %get3A_916 = tpu.vector_load %arg7[%get3A_915] {strides = array<i32>} : memref<400xf32, #tpu.memory_space<vmem>>, vector<16xf32>,
      %get3A_917 = vector.shape_cast %get3A_916 : vector<16xf32> to vector<16xf32>
      %min3A = arith.minimumf %get3A_914, %get3A_890 : vector<16xf32>
      %max3A = arith.maximumf %get3A_908, %get3A_880 : vector<16xf32>
      %sub3A_918 = arith.subf %min3A, %max3A : vector<16xf32>
      %max3A_919 = arith.constant 0.000000e+00 : f32
      %max3A_920 = vector.broadcast %max3A_919 : f32 to vector<16xf32>
      %max3A_921 = arith.maximumf %sub3A_918, %max3A_920 : vector<16xf32>
      %min3A_922 = arith.minimumf %get3A_917, %get3A_895 : vector<16xf32>
      %max3A_923 = arith.maximumf %get3A_911, %get3A_885 : vector<16xf32>
      %sub3A_924 = arith.subf %min3A_922, %max3A_923 : vector<16xf32>
      %max3A_925 = arith.constant 0.000000e+00 : f32
      %max3A_926 = vector.broadcast %max3A_925 : f32 to vector<16xf32>
      %max3A_927 = arith.maximumf %sub3A_924, %max3A_926 : vector<16xf32>
      %mul3A_928 = arith.mulf %max3A_921, %max3A_927 : vector<16xf32>
      %sub3A_929 = arith.subf %get3A_914, %get3A_908 : vector<16xf32>
      %sub3A_930 = arith.subf %get3A_917, %get3A_911 : vector<16xf32>
      %mul3A_931 = arith.mulf %sub3A_929, %sub3A_930 : vector<16xf32>
      %add3A_932 = arith.addf %mul3A_931, %get3A_900 : vector<16xf32>
      %sub3A_933 = arith.subf %add3A_932, %mul3A_928 : vector<16xf32>
      %div3A_934 = arith.divf %mul3A_928, %sub3A_933 : vector<16xf32>
      %gt3A_935 = arith.cmpf ogt, %div3A_934, %broadcast_in_dim3A_39 : vector<16xf32>
      %jit3A_936 = arith.constant 0 : i32
      %broadcast_in_dim3A_937 = vector.broadcast %jit3A_936 : i32 to vector<16xi32>
      %select_n3A_938 = arith.select %gt3A_935, %broadcast_in_dim3A_937, %broadcast_in_dim3A_905 : vector<16xi1>, vector<16xi32>
      %select_n3A_939 = arith.select %gt3A_935, %div3A_934, %broadcast_in_dim3A_39 : vector<16xi1>, vector<16xf32>
      %gt3A_940 = arith.cmpf ogt, %div3A_934, %scan3A_866 : vector<16xf32>
      %select_n3A_941 = arith.select %gt3A_940, %add3A_903, %scan3A_871 : vector<16xi1>, vector<16xi32>
      %select_n3A_942 = arith.select %gt3A_940, %div3A_934, %scan3A_866 : vector<16xi1>, vector<16xf32>
      %get3A_943 = arith.constant 80 : index
      %get3A_944 = tpu.vector_load %arg7[%get3A_943] {strides = array<i32>} : memref<400xf32, #tpu.memory_space<vmem>>, vector<16xf32>,
      %get3A_945 = vector.shape_cast %get3A_944 : vector<16xf32> to vector<16xf32>
      %get3A_946 = arith.constant 96 : index
      %get3A_947 = tpu.vector_load %arg7[%get3A_946] {strides = array<i32>} : memref<400xf32, #tpu.memory_space<vmem>>, vector<16xf32>,
      %get3A_948 = vector.shape_cast %get3A_947 : vector<16xf32> to vector<16xf32>
      %get3A_949 = arith.constant 112 : index
      %get3A_950 = tpu.vector_load %arg7[%get3A_949] {strides = array<i32>} : memref<400xf32, #tpu.memory_space<vmem>>, vector<16xf32>,
      %get3A_951 = vector.shape_cast %get3A_950 : vector<16xf32> to vector<16xf32>
      %get3A_952 = arith.constant 128 : index
      %get3A_953 = tpu.vector_load %arg7[%get3A_952] {strides = array<i32>} : memref<400xf32, #tpu.memory_space<vmem>>, vector<16xf32>,
      %get3A_954 = vector.shape_cast %get3A_953 : vector<16xf32> to vector<16xf32>
      %min3A_955 = arith.minimumf %get3A_951, %get3A_890 : vector<16xf32>
      %max3A_956 = arith.maximumf %get3A_945, %get3A_880 : vector<16xf32>
      %sub3A_957 = arith.subf %min3A_955, %max3A_956 : vector<16xf32>
      %max3A_958 = arith.constant 0.000000e+00 : f32
      %max3A_959 = vector.broadcast %max3A_958 : f32 to vector<16xf32>
      %max3A_960 = arith.maximumf %sub3A_957, %max3A_959 : vector<16xf32>
      %min3A_961 = arith.minimumf %get3A_954, %get3A_895 : vector<16xf32>
      %max3A_962 = arith.maximumf %get3A_948, %get3A_885 : vector<16xf32>
      %sub3A_963 = arith.subf %min3A_961, %max3A_962 : vector<16xf32>
      %max3A_964 = arith.constant 0.000000e+00 : f32
      %max3A_965 = vector.broadcast %max3A_964 : f32 to vector<16xf32>
      %max3A_966 = arith.maximumf %sub3A_963, %max3A_965 : vector<16xf32>
      %mul3A_967 = arith.mulf %max3A_960, %max3A_966 : vector<16xf32>
      %sub3A_968 = arith.subf %get3A_951, %get3A_945 : vector<16xf32>
      %sub3A_969 = arith.subf %get3A_954, %get3A_948 : vector<16xf32>
      %mul3A_970 = arith.mulf %sub3A_968, %sub3A_969 : vector<16xf32>
      %add3A_971 = arith.addf %mul3A_970, %get3A_900 : vector<16xf32>
      %sub3A_972 = arith.subf %add3A_971, %mul3A_967 : vector<16xf32>
      %div3A_973 = arith.divf %mul3A_967, %sub3A_972 : vector<16xf32>
      %gt3A_974 = arith.cmpf ogt, %div3A_973, %select_n3A_939 : vector<16xf32>
      %jit3A_975 = arith.constant 1 : i32
      %broadcast_in_dim3A_976 = vector.broadcast %jit3A_975 : i32 to vector<16xi32>
      %select_n3A_977 = arith.select %gt3A_974, %broadcast_in_dim3A_976, %select_n3A_938 : vector<16xi1>, vector<16xi32>
      %select_n3A_978 = arith.select %gt3A_974, %div3A_973, %select_n3A_939 : vector<16xi1>, vector<16xf32>
      %gt3A_979 = arith.cmpf ogt, %div3A_973, %scan3A_867 : vector<16xf32>
      %select_n3A_980 = arith.select %gt3A_979, %add3A_903, %scan3A_872 : vector<16xi1>, vector<16xi32>
      %select_n3A_981 = arith.select %gt3A_979, %div3A_973, %scan3A_867 : vector<16xi1>, vector<16xf32>
      %get3A_982 = arith.constant 160 : index
      %get3A_983 = tpu.vector_load %arg7[%get3A_982] {strides = array<i32>} : memref<400xf32, #tpu.memory_space<vmem>>, vector<16xf32>,
      %get3A_984 = vector.shape_cast %get3A_983 : vector<16xf32> to vector<16xf32>
      %get3A_985 = arith.constant 176 : index
      %get3A_986 = tpu.vector_load %arg7[%get3A_985] {strides = array<i32>} : memref<400xf32, #tpu.memory_space<vmem>>, vector<16xf32>,
      %get3A_987 = vector.shape_cast %get3A_986 : vector<16xf32> to vector<16xf32>
      %get3A_988 = arith.constant 192 : index
      %get3A_989 = tpu.vector_load %arg7[%get3A_988] {strides = array<i32>} : memref<400xf32, #tpu.memory_space<vmem>>, vector<16xf32>,
      %get3A_990 = vector.shape_cast %get3A_989 : vector<16xf32> to vector<16xf32>
      %get3A_991 = arith.constant 208 : index
      %get3A_992 = tpu.vector_load %arg7[%get3A_991] {strides = array<i32>} : memref<400xf32, #tpu.memory_space<vmem>>, vector<16xf32>,
      %get3A_993 = vector.shape_cast %get3A_992 : vector<16xf32> to vector<16xf32>
      %min3A_994 = arith.minimumf %get3A_990, %get3A_890 : vector<16xf32>
      %max3A_995 = arith.maximumf %get3A_984, %get3A_880 : vector<16xf32>
      %sub3A_996 = arith.subf %min3A_994, %max3A_995 : vector<16xf32>
      %max3A_997 = arith.constant 0.000000e+00 : f32
      %max3A_998 = vector.broadcast %max3A_997 : f32 to vector<16xf32>
      %max3A_999 = arith.maximumf %sub3A_996, %max3A_998 : vector<16xf32>
      %min3A_1000 = arith.minimumf %get3A_993, %get3A_895 : vector<16xf32>
      %max3A_1001 = arith.maximumf %get3A_987, %get3A_885 : vector<16xf32>
      %sub3A_1002 = arith.subf %min3A_1000, %max3A_1001 : vector<16xf32>
      %max3A_1003 = arith.constant 0.000000e+00 : f32
      %max3A_1004 = vector.broadcast %max3A_1003 : f32 to vector<16xf32>
      %max3A_1005 = arith.maximumf %sub3A_1002, %max3A_1004 : vector<16xf32>
      %mul3A_1006 = arith.mulf %max3A_999, %max3A_1005 : vector<16xf32>
      %sub3A_1007 = arith.subf %get3A_990, %get3A_984 : vector<16xf32>
      %sub3A_1008 = arith.subf %get3A_993, %get3A_987 : vector<16xf32>
      %mul3A_1009 = arith.mulf %sub3A_1007, %sub3A_1008 : vector<16xf32>
      %add3A_1010 = arith.addf %mul3A_1009, %get3A_900 : vector<16xf32>
      %sub3A_1011 = arith.subf %add3A_1010, %mul3A_1006 : vector<16xf32>
      %div3A_1012 = arith.divf %mul3A_1006, %sub3A_1011 : vector<16xf32>
      %gt3A_1013 = arith.cmpf ogt, %div3A_1012, %select_n3A_978 : vector<16xf32>
      %jit3A_1014 = arith.constant 2 : i32
      %broadcast_in_dim3A_1015 = vector.broadcast %jit3A_1014 : i32 to vector<16xi32>
      %select_n3A_1016 = arith.select %gt3A_1013, %broadcast_in_dim3A_1015, %select_n3A_977 : vector<16xi1>, vector<16xi32>
      %select_n3A_1017 = arith.select %gt3A_1013, %div3A_1012, %select_n3A_978 : vector<16xi1>, vector<16xf32>
      %gt3A_1018 = arith.cmpf ogt, %div3A_1012, %scan3A_868 : vector<16xf32>
      %select_n3A_1019 = arith.select %gt3A_1018, %add3A_903, %scan3A_873 : vector<16xi1>, vector<16xi32>
      %select_n3A_1020 = arith.select %gt3A_1018, %div3A_1012, %scan3A_868 : vector<16xi1>, vector<16xf32>
      %get3A_1021 = arith.constant 240 : index
      %get3A_1022 = tpu.vector_load %arg7[%get3A_1021] {strides = array<i32>} : memref<400xf32, #tpu.memory_space<vmem>>, vector<16xf32>,
      %get3A_1023 = vector.shape_cast %get3A_1022 : vector<16xf32> to vector<16xf32>
      %get3A_1024 = arith.constant 256 : index
      %get3A_1025 = tpu.vector_load %arg7[%get3A_1024] {strides = array<i32>} : memref<400xf32, #tpu.memory_space<vmem>>, vector<16xf32>,
      %get3A_1026 = vector.shape_cast %get3A_1025 : vector<16xf32> to vector<16xf32>
      %get3A_1027 = arith.constant 272 : index
      %get3A_1028 = tpu.vector_load %arg7[%get3A_1027] {strides = array<i32>} : memref<400xf32, #tpu.memory_space<vmem>>, vector<16xf32>,
      %get3A_1029 = vector.shape_cast %get3A_1028 : vector<16xf32> to vector<16xf32>
      %get3A_1030 = arith.constant 288 : index
      %get3A_1031 = tpu.vector_load %arg7[%get3A_1030] {strides = array<i32>} : memref<400xf32, #tpu.memory_space<vmem>>, vector<16xf32>,
      %get3A_1032 = vector.shape_cast %get3A_1031 : vector<16xf32> to vector<16xf32>
      %min3A_1033 = arith.minimumf %get3A_1029, %get3A_890 : vector<16xf32>
      %max3A_1034 = arith.maximumf %get3A_1023, %get3A_880 : vector<16xf32>
      %sub3A_1035 = arith.subf %min3A_1033, %max3A_1034 : vector<16xf32>
      %max3A_1036 = arith.constant 0.000000e+00 : f32
      %max3A_1037 = vector.broadcast %max3A_1036 : f32 to vector<16xf32>
      %max3A_1038 = arith.maximumf %sub3A_1035, %max3A_1037 : vector<16xf32>
      %min3A_1039 = arith.minimumf %get3A_1032, %get3A_895 : vector<16xf32>
      %max3A_1040 = arith.maximumf %get3A_1026, %get3A_885 : vector<16xf32>
      %sub3A_1041 = arith.subf %min3A_1039, %max3A_1040 : vector<16xf32>
      %max3A_1042 = arith.constant 0.000000e+00 : f32
      %max3A_1043 = vector.broadcast %max3A_1042 : f32 to vector<16xf32>
      %max3A_1044 = arith.maximumf %sub3A_1041, %max3A_1043 : vector<16xf32>
      %mul3A_1045 = arith.mulf %max3A_1038, %max3A_1044 : vector<16xf32>
      %sub3A_1046 = arith.subf %get3A_1029, %get3A_1023 : vector<16xf32>
      %sub3A_1047 = arith.subf %get3A_1032, %get3A_1026 : vector<16xf32>
      %mul3A_1048 = arith.mulf %sub3A_1046, %sub3A_1047 : vector<16xf32>
      %add3A_1049 = arith.addf %mul3A_1048, %get3A_900 : vector<16xf32>
      %sub3A_1050 = arith.subf %add3A_1049, %mul3A_1045 : vector<16xf32>
      %div3A_1051 = arith.divf %mul3A_1045, %sub3A_1050 : vector<16xf32>
      %gt3A_1052 = arith.cmpf ogt, %div3A_1051, %select_n3A_1017 : vector<16xf32>
      %jit3A_1053 = arith.constant 3 : i32
      %broadcast_in_dim3A_1054 = vector.broadcast %jit3A_1053 : i32 to vector<16xi32>
      %select_n3A_1055 = arith.select %gt3A_1052, %broadcast_in_dim3A_1054, %select_n3A_1016 : vector<16xi1>, vector<16xi32>
      %select_n3A_1056 = arith.select %gt3A_1052, %div3A_1051, %select_n3A_1017 : vector<16xi1>, vector<16xf32>
      %gt3A_1057 = arith.cmpf ogt, %div3A_1051, %scan3A_869 : vector<16xf32>
      %select_n3A_1058 = arith.select %gt3A_1057, %add3A_903, %scan3A_874 : vector<16xi1>, vector<16xi32>
      %select_n3A_1059 = arith.select %gt3A_1057, %div3A_1051, %scan3A_869 : vector<16xi1>, vector<16xf32>
      %get3A_1060 = arith.constant 320 : index
      %get3A_1061 = tpu.vector_load %arg7[%get3A_1060] {strides = array<i32>} : memref<400xf32, #tpu.memory_space<vmem>>, vector<16xf32>,
      %get3A_1062 = vector.shape_cast %get3A_1061 : vector<16xf32> to vector<16xf32>
      %get3A_1063 = arith.constant 336 : index
      %get3A_1064 = tpu.vector_load %arg7[%get3A_1063] {strides = array<i32>} : memref<400xf32, #tpu.memory_space<vmem>>, vector<16xf32>,
      %get3A_1065 = vector.shape_cast %get3A_1064 : vector<16xf32> to vector<16xf32>
      %get3A_1066 = arith.constant 352 : index
      %get3A_1067 = tpu.vector_load %arg7[%get3A_1066] {strides = array<i32>} : memref<400xf32, #tpu.memory_space<vmem>>, vector<16xf32>,
      %get3A_1068 = vector.shape_cast %get3A_1067 : vector<16xf32> to vector<16xf32>
      %get3A_1069 = arith.constant 368 : index
      %get3A_1070 = tpu.vector_load %arg7[%get3A_1069] {strides = array<i32>} : memref<400xf32, #tpu.memory_space<vmem>>, vector<16xf32>,
      %get3A_1071 = vector.shape_cast %get3A_1070 : vector<16xf32> to vector<16xf32>
      %min3A_1072 = arith.minimumf %get3A_1068, %get3A_890 : vector<16xf32>
      %max3A_1073 = arith.maximumf %get3A_1062, %get3A_880 : vector<16xf32>
      %sub3A_1074 = arith.subf %min3A_1072, %max3A_1073 : vector<16xf32>
      %max3A_1075 = arith.constant 0.000000e+00 : f32
      %max3A_1076 = vector.broadcast %max3A_1075 : f32 to vector<16xf32>
      %max3A_1077 = arith.maximumf %sub3A_1074, %max3A_1076 : vector<16xf32>
      %min3A_1078 = arith.minimumf %get3A_1071, %get3A_895 : vector<16xf32>
      %max3A_1079 = arith.maximumf %get3A_1065, %get3A_885 : vector<16xf32>
      %sub3A_1080 = arith.subf %min3A_1078, %max3A_1079 : vector<16xf32>
      %max3A_1081 = arith.constant 0.000000e+00 : f32
      %max3A_1082 = vector.broadcast %max3A_1081 : f32 to vector<16xf32>
      %max3A_1083 = arith.maximumf %sub3A_1080, %max3A_1082 : vector<16xf32>
      %mul3A_1084 = arith.mulf %max3A_1077, %max3A_1083 : vector<16xf32>
      %sub3A_1085 = arith.subf %get3A_1068, %get3A_1062 : vector<16xf32>
      %sub3A_1086 = arith.subf %get3A_1071, %get3A_1065 : vector<16xf32>
      %mul3A_1087 = arith.mulf %sub3A_1085, %sub3A_1086 : vector<16xf32>
      %add3A_1088 = arith.addf %mul3A_1087, %get3A_900 : vector<16xf32>
      %sub3A_1089 = arith.subf %add3A_1088, %mul3A_1084 : vector<16xf32>
      %div3A_1090 = arith.divf %mul3A_1084, %sub3A_1089 : vector<16xf32>
      %gt3A_1091 = arith.cmpf ogt, %div3A_1090, %select_n3A_1056 : vector<16xf32>
      %jit3A_1092 = arith.constant 4 : i32
      %broadcast_in_dim3A_1093 = vector.broadcast %jit3A_1092 : i32 to vector<16xi32>
      %select_n3A_1094 = arith.select %gt3A_1091, %broadcast_in_dim3A_1093, %select_n3A_1055 : vector<16xi1>, vector<16xi32>
      %select_n3A_1095 = arith.select %gt3A_1091, %div3A_1090, %select_n3A_1056 : vector<16xi1>, vector<16xf32>
      %gt3A_1096 = arith.cmpf ogt, %div3A_1090, %scan3A_870 : vector<16xf32>
      %select_n3A_1097 = arith.select %gt3A_1096, %add3A_903, %scan3A_875 : vector<16xi1>, vector<16xi32>
      %select_n3A_1098 = arith.select %gt3A_1096, %div3A_1090, %scan3A_870 : vector<16xi1>, vector<16xf32>
      %swap3A_1099 = arith.index_cast %mul3A_877 : i32 to index
      %swap3A_1100 = tpu.vector_load %arg8[%swap3A_1099] {strides = array<i32>} : memref<4416xf32, #tpu.memory_space<vmem>>, vector<16xf32>,
      %swap3A_1101 = vector.shape_cast %swap3A_1100 : vector<16xf32> to vector<16xf32>
      %swap3A_1102 = vector.shape_cast %select_n3A_1095 : vector<16xf32> to vector<16xf32>
      tpu.vector_store %arg8[%swap3A_1099], %swap3A_1102 {strides = array<i32>} : memref<4416xf32, #tpu.memory_space<vmem>>, vector<16xf32>,
      %swap3A_1103 = arith.index_cast %mul3A_877 : i32 to index
      %swap3A_1104 = tpu.vector_load %arg9[%swap3A_1103] {strides = array<i32>} : memref<4416xi32, #tpu.memory_space<vmem>>, vector<16xi32>,
      %swap3A_1105 = vector.shape_cast %swap3A_1104 : vector<16xi32> to vector<16xi32>
      %swap3A_1106 = vector.shape_cast %select_n3A_1094 : vector<16xi32> to vector<16xi32>
      tpu.vector_store %arg9[%swap3A_1103], %swap3A_1106 {strides = array<i32>} : memref<4416xi32, #tpu.memory_space<vmem>>, vector<16xi32>,
      scf.yield %select_n3A_942, %select_n3A_981, %select_n3A_1020, %select_n3A_1059, %select_n3A_1098, %select_n3A_941, %select_n3A_980, %select_n3A_1019, %select_n3A_1058, %select_n3A_1097 : vector<16xf32>, vector<16xf32>, vector<16xf32>, vector<16xf32>, vector<16xf32>, vector<16xi32>, vector<16xi32>, vector<16xi32>, vector<16xi32>, vector<16xi32>
    }
    %scan3A_46 = arith.constant 276 : i32
    %broadcast_in_dim3A_47 = arith.constant -1.000000e+00 : f32
    %broadcast_in_dim3A_48 = vector.broadcast %broadcast_in_dim3A_47 : f32 to vector<16xf32>
    %xor3A = arith.constant 1 : i32
    %xor3A_49 = vector.broadcast %xor3A : i32 to vector<16xi32>
    %xor3A_50 = arith.xori %iota3A, %xor3A_49 : vector<16xi32>
    %lt3A_51 = arith.constant 0 : i32
    %lt3A_52 = vector.broadcast %lt3A_51 : i32 to vector<16xi32>
    %lt3A_53 = arith.cmpi slt, %xor3A_50, %lt3A_52 : vector<16xi32>
    %add3A_54 = arith.constant 16 : i32
    %add3A_55 = vector.broadcast %add3A_54 : i32 to vector<16xi32>
    %add3A_56 = arith.addi %xor3A_50, %add3A_55 : vector<16xi32>
    %select_n3A_57 = arith.select %lt3A_53, %add3A_56, %xor3A_50 : vector<16xi1>, vector<16xi32>
    %broadcast_in_dim3A_58 = vector.shape_cast %select_n3A_57 : vector<16xi32> to vector<16x1xi32>
    %gather3A = vector.shape_cast %broadcast_in_dim3A_58 : vector<16x1xi32> to vector<16xi32>
    %gather3A_59 = tpu.dynamic_gather %scan3A_45#0[%gather3A] in [0] : vector<16xf32>, vector<16xi32> -> vector<16xf32>
    %xor3A_60 = arith.constant 1 : i32
    %xor3A_61 = vector.broadcast %xor3A_60 : i32 to vector<16xi32>
    %xor3A_62 = arith.xori %iota3A, %xor3A_61 : vector<16xi32>
    %lt3A_63 = arith.constant 0 : i32
    %lt3A_64 = vector.broadcast %lt3A_63 : i32 to vector<16xi32>
    %lt3A_65 = arith.cmpi slt, %xor3A_62, %lt3A_64 : vector<16xi32>
    %add3A_66 = arith.constant 16 : i32
    %add3A_67 = vector.broadcast %add3A_66 : i32 to vector<16xi32>
    %add3A_68 = arith.addi %xor3A_62, %add3A_67 : vector<16xi32>
    %select_n3A_69 = arith.select %lt3A_65, %add3A_68, %xor3A_62 : vector<16xi1>, vector<16xi32>
    %broadcast_in_dim3A_70 = vector.shape_cast %select_n3A_69 : vector<16xi32> to vector<16x1xi32>
    %gather3A_71 = vector.shape_cast %broadcast_in_dim3A_70 : vector<16x1xi32> to vector<16xi32>
    %gather3A_72 = tpu.dynamic_gather %scan3A_45#5[%gather3A_71] in [0] : vector<16xi32>, vector<16xi32> -> vector<16xi32>
    %gt3A = arith.cmpf ogt, %gather3A_59, %scan3A_45#0 : vector<16xf32>
    %eq3A_73 = arith.cmpf oeq, %gather3A_59, %scan3A_45#0 : vector<16xf32>
    %lt3A_74 = arith.cmpi slt, %gather3A_72, %scan3A_45#5 : vector<16xi32>
    %and3A_75 = arith.andi %eq3A_73, %lt3A_74 : vector<16xi1>
    %or3A = arith.ori %gt3A, %and3A_75 : vector<16xi1>
    %select_n3A_76 = arith.select %or3A, %gather3A_59, %scan3A_45#0 : vector<16xi1>, vector<16xf32>
    %select_n3A_77 = arith.select %or3A, %gather3A_72, %scan3A_45#5 : vector<16xi1>, vector<16xi32>
    %xor3A_78 = arith.constant 2 : i32
    %xor3A_79 = vector.broadcast %xor3A_78 : i32 to vector<16xi32>
    %xor3A_80 = arith.xori %iota3A, %xor3A_79 : vector<16xi32>
    %lt3A_81 = arith.constant 0 : i32
    %lt3A_82 = vector.broadcast %lt3A_81 : i32 to vector<16xi32>
    %lt3A_83 = arith.cmpi slt, %xor3A_80, %lt3A_82 : vector<16xi32>
    %add3A_84 = arith.constant 16 : i32
    %add3A_85 = vector.broadcast %add3A_84 : i32 to vector<16xi32>
    %add3A_86 = arith.addi %xor3A_80, %add3A_85 : vector<16xi32>
    %select_n3A_87 = arith.select %lt3A_83, %add3A_86, %xor3A_80 : vector<16xi1>, vector<16xi32>
    %broadcast_in_dim3A_88 = vector.shape_cast %select_n3A_87 : vector<16xi32> to vector<16x1xi32>
    %gather3A_89 = vector.shape_cast %broadcast_in_dim3A_88 : vector<16x1xi32> to vector<16xi32>
    %gather3A_90 = tpu.dynamic_gather %select_n3A_76[%gather3A_89] in [0] : vector<16xf32>, vector<16xi32> -> vector<16xf32>
    %xor3A_91 = arith.constant 2 : i32
    %xor3A_92 = vector.broadcast %xor3A_91 : i32 to vector<16xi32>
    %xor3A_93 = arith.xori %iota3A, %xor3A_92 : vector<16xi32>
    %lt3A_94 = arith.constant 0 : i32
    %lt3A_95 = vector.broadcast %lt3A_94 : i32 to vector<16xi32>
    %lt3A_96 = arith.cmpi slt, %xor3A_93, %lt3A_95 : vector<16xi32>
    %add3A_97 = arith.constant 16 : i32
    %add3A_98 = vector.broadcast %add3A_97 : i32 to vector<16xi32>
    %add3A_99 = arith.addi %xor3A_93, %add3A_98 : vector<16xi32>
    %select_n3A_100 = arith.select %lt3A_96, %add3A_99, %xor3A_93 : vector<16xi1>, vector<16xi32>
    %broadcast_in_dim3A_101 = vector.shape_cast %select_n3A_100 : vector<16xi32> to vector<16x1xi32>
    %gather3A_102 = vector.shape_cast %broadcast_in_dim3A_101 : vector<16x1xi32> to vector<16xi32>
    %gather3A_103 = tpu.dynamic_gather %select_n3A_77[%gather3A_102] in [0] : vector<16xi32>, vector<16xi32> -> vector<16xi32>
    %gt3A_104 = arith.cmpf ogt, %gather3A_90, %select_n3A_76 : vector<16xf32>
    %eq3A_105 = arith.cmpf oeq, %gather3A_90, %select_n3A_76 : vector<16xf32>
    %lt3A_106 = arith.cmpi slt, %gather3A_103, %select_n3A_77 : vector<16xi32>
    %and3A_107 = arith.andi %eq3A_105, %lt3A_106 : vector<16xi1>
    %or3A_108 = arith.ori %gt3A_104, %and3A_107 : vector<16xi1>
    %select_n3A_109 = arith.select %or3A_108, %gather3A_90, %select_n3A_76 : vector<16xi1>, vector<16xf32>
    %select_n3A_110 = arith.select %or3A_108, %gather3A_103, %select_n3A_77 : vector<16xi1>, vector<16xi32>
    %xor3A_111 = arith.constant 4 : i32
    %xor3A_112 = vector.broadcast %xor3A_111 : i32 to vector<16xi32>
    %xor3A_113 = arith.xori %iota3A, %xor3A_112 : vector<16xi32>
    %lt3A_114 = arith.constant 0 : i32
    %lt3A_115 = vector.broadcast %lt3A_114 : i32 to vector<16xi32>
    %lt3A_116 = arith.cmpi slt, %xor3A_113, %lt3A_115 : vector<16xi32>
    %add3A_117 = arith.constant 16 : i32
    %add3A_118 = vector.broadcast %add3A_117 : i32 to vector<16xi32>
    %add3A_119 = arith.addi %xor3A_113, %add3A_118 : vector<16xi32>
    %select_n3A_120 = arith.select %lt3A_116, %add3A_119, %xor3A_113 : vector<16xi1>, vector<16xi32>
    %broadcast_in_dim3A_121 = vector.shape_cast %select_n3A_120 : vector<16xi32> to vector<16x1xi32>
    %gather3A_122 = vector.shape_cast %broadcast_in_dim3A_121 : vector<16x1xi32> to vector<16xi32>
    %gather3A_123 = tpu.dynamic_gather %select_n3A_109[%gather3A_122] in [0] : vector<16xf32>, vector<16xi32> -> vector<16xf32>
    %xor3A_124 = arith.constant 4 : i32
    %xor3A_125 = vector.broadcast %xor3A_124 : i32 to vector<16xi32>
    %xor3A_126 = arith.xori %iota3A, %xor3A_125 : vector<16xi32>
    %lt3A_127 = arith.constant 0 : i32
    %lt3A_128 = vector.broadcast %lt3A_127 : i32 to vector<16xi32>
    %lt3A_129 = arith.cmpi slt, %xor3A_126, %lt3A_128 : vector<16xi32>
    %add3A_130 = arith.constant 16 : i32
    %add3A_131 = vector.broadcast %add3A_130 : i32 to vector<16xi32>
    %add3A_132 = arith.addi %xor3A_126, %add3A_131 : vector<16xi32>
    %select_n3A_133 = arith.select %lt3A_129, %add3A_132, %xor3A_126 : vector<16xi1>, vector<16xi32>
    %broadcast_in_dim3A_134 = vector.shape_cast %select_n3A_133 : vector<16xi32> to vector<16x1xi32>
    %gather3A_135 = vector.shape_cast %broadcast_in_dim3A_134 : vector<16x1xi32> to vector<16xi32>
    %gather3A_136 = tpu.dynamic_gather %select_n3A_110[%gather3A_135] in [0] : vector<16xi32>, vector<16xi32> -> vector<16xi32>
    %gt3A_137 = arith.cmpf ogt, %gather3A_123, %select_n3A_109 : vector<16xf32>
    %eq3A_138 = arith.cmpf oeq, %gather3A_123, %select_n3A_109 : vector<16xf32>
    %lt3A_139 = arith.cmpi slt, %gather3A_136, %select_n3A_110 : vector<16xi32>
    %and3A_140 = arith.andi %eq3A_138, %lt3A_139 : vector<16xi1>
    %or3A_141 = arith.ori %gt3A_137, %and3A_140 : vector<16xi1>
    %select_n3A_142 = arith.select %or3A_141, %gather3A_123, %select_n3A_109 : vector<16xi1>, vector<16xf32>
    %select_n3A_143 = arith.select %or3A_141, %gather3A_136, %select_n3A_110 : vector<16xi1>, vector<16xi32>
    %xor3A_144 = arith.constant 8 : i32
    %xor3A_145 = vector.broadcast %xor3A_144 : i32 to vector<16xi32>
    %xor3A_146 = arith.xori %iota3A, %xor3A_145 : vector<16xi32>
    %lt3A_147 = arith.constant 0 : i32
    %lt3A_148 = vector.broadcast %lt3A_147 : i32 to vector<16xi32>
    %lt3A_149 = arith.cmpi slt, %xor3A_146, %lt3A_148 : vector<16xi32>
    %add3A_150 = arith.constant 16 : i32
    %add3A_151 = vector.broadcast %add3A_150 : i32 to vector<16xi32>
    %add3A_152 = arith.addi %xor3A_146, %add3A_151 : vector<16xi32>
    %select_n3A_153 = arith.select %lt3A_149, %add3A_152, %xor3A_146 : vector<16xi1>, vector<16xi32>
    %broadcast_in_dim3A_154 = vector.shape_cast %select_n3A_153 : vector<16xi32> to vector<16x1xi32>
    %gather3A_155 = vector.shape_cast %broadcast_in_dim3A_154 : vector<16x1xi32> to vector<16xi32>
    %gather3A_156 = tpu.dynamic_gather %select_n3A_142[%gather3A_155] in [0] : vector<16xf32>, vector<16xi32> -> vector<16xf32>
    %xor3A_157 = arith.constant 8 : i32
    %xor3A_158 = vector.broadcast %xor3A_157 : i32 to vector<16xi32>
    %xor3A_159 = arith.xori %iota3A, %xor3A_158 : vector<16xi32>
    %lt3A_160 = arith.constant 0 : i32
    %lt3A_161 = vector.broadcast %lt3A_160 : i32 to vector<16xi32>
    %lt3A_162 = arith.cmpi slt, %xor3A_159, %lt3A_161 : vector<16xi32>
    %add3A_163 = arith.constant 16 : i32
    %add3A_164 = vector.broadcast %add3A_163 : i32 to vector<16xi32>
    %add3A_165 = arith.addi %xor3A_159, %add3A_164 : vector<16xi32>
    %select_n3A_166 = arith.select %lt3A_162, %add3A_165, %xor3A_159 : vector<16xi1>, vector<16xi32>
    %broadcast_in_dim3A_167 = vector.shape_cast %select_n3A_166 : vector<16xi32> to vector<16x1xi32>
    %gather3A_168 = vector.shape_cast %broadcast_in_dim3A_167 : vector<16x1xi32> to vector<16xi32>
    %gather3A_169 = tpu.dynamic_gather %select_n3A_143[%gather3A_168] in [0] : vector<16xi32>, vector<16xi32> -> vector<16xi32>
    %gt3A_170 = arith.cmpf ogt, %gather3A_156, %select_n3A_142 : vector<16xf32>
    %eq3A_171 = arith.cmpf oeq, %gather3A_156, %select_n3A_142 : vector<16xf32>
    %lt3A_172 = arith.cmpi slt, %gather3A_169, %select_n3A_143 : vector<16xi32>
    %and3A_173 = arith.andi %eq3A_171, %lt3A_172 : vector<16xi1>
    %or3A_174 = arith.ori %gt3A_170, %and3A_173 : vector<16xi1>
    %select_n3A_175 = arith.select %or3A_174, %gather3A_156, %select_n3A_142 : vector<16xi1>, vector<16xf32>
    %select_n3A_176 = arith.select %or3A_174, %gather3A_169, %select_n3A_143 : vector<16xi1>, vector<16xi32>
    %eq3A_177 = arith.constant 0 : i32
    %eq3A_178 = vector.broadcast %eq3A_177 : i32 to vector<16xi32>
    %eq3A_179 = arith.cmpi eq, %iota3A, %eq3A_178 : vector<16xi32>
    %select_n3A_180 = arith.select %eq3A_179, %select_n3A_175, %broadcast_in_dim3A_48 : vector<16xi1>, vector<16xf32>
    %eq3A_181 = arith.constant 0 : i32
    %eq3A_182 = vector.broadcast %eq3A_181 : i32 to vector<16xi32>
    %eq3A_183 = arith.cmpi eq, %iota3A, %eq3A_182 : vector<16xi32>
    %select_n3A_184 = arith.select %eq3A_183, %select_n3A_176, %broadcast_in_dim3A_41 : vector<16xi1>, vector<16xi32>
    %xor3A_185 = arith.constant 1 : i32
    %xor3A_186 = vector.broadcast %xor3A_185 : i32 to vector<16xi32>
    %xor3A_187 = arith.xori %iota3A, %xor3A_186 : vector<16xi32>
    %lt3A_188 = arith.constant 0 : i32
    %lt3A_189 = vector.broadcast %lt3A_188 : i32 to vector<16xi32>
    %lt3A_190 = arith.cmpi slt, %xor3A_187, %lt3A_189 : vector<16xi32>
    %add3A_191 = arith.constant 16 : i32
    %add3A_192 = vector.broadcast %add3A_191 : i32 to vector<16xi32>
    %add3A_193 = arith.addi %xor3A_187, %add3A_192 : vector<16xi32>
    %select_n3A_194 = arith.select %lt3A_190, %add3A_193, %xor3A_187 : vector<16xi1>, vector<16xi32>
    %broadcast_in_dim3A_195 = vector.shape_cast %select_n3A_194 : vector<16xi32> to vector<16x1xi32>
    %gather3A_196 = vector.shape_cast %broadcast_in_dim3A_195 : vector<16x1xi32> to vector<16xi32>
    %gather3A_197 = tpu.dynamic_gather %scan3A_45#1[%gather3A_196] in [0] : vector<16xf32>, vector<16xi32> -> vector<16xf32>
    %xor3A_198 = arith.constant 1 : i32
    %xor3A_199 = vector.broadcast %xor3A_198 : i32 to vector<16xi32>
    %xor3A_200 = arith.xori %iota3A, %xor3A_199 : vector<16xi32>
    %lt3A_201 = arith.constant 0 : i32
    %lt3A_202 = vector.broadcast %lt3A_201 : i32 to vector<16xi32>
    %lt3A_203 = arith.cmpi slt, %xor3A_200, %lt3A_202 : vector<16xi32>
    %add3A_204 = arith.constant 16 : i32
    %add3A_205 = vector.broadcast %add3A_204 : i32 to vector<16xi32>
    %add3A_206 = arith.addi %xor3A_200, %add3A_205 : vector<16xi32>
    %select_n3A_207 = arith.select %lt3A_203, %add3A_206, %xor3A_200 : vector<16xi1>, vector<16xi32>
    %broadcast_in_dim3A_208 = vector.shape_cast %select_n3A_207 : vector<16xi32> to vector<16x1xi32>
    %gather3A_209 = vector.shape_cast %broadcast_in_dim3A_208 : vector<16x1xi32> to vector<16xi32>
    %gather3A_210 = tpu.dynamic_gather %scan3A_45#6[%gather3A_209] in [0] : vector<16xi32>, vector<16xi32> -> vector<16xi32>
    %gt3A_211 = arith.cmpf ogt, %gather3A_197, %scan3A_45#1 : vector<16xf32>
    %eq3A_212 = arith.cmpf oeq, %gather3A_197, %scan3A_45#1 : vector<16xf32>
    %lt3A_213 = arith.cmpi slt, %gather3A_210, %scan3A_45#6 : vector<16xi32>
    %and3A_214 = arith.andi %eq3A_212, %lt3A_213 : vector<16xi1>
    %or3A_215 = arith.ori %gt3A_211, %and3A_214 : vector<16xi1>
    %select_n3A_216 = arith.select %or3A_215, %gather3A_197, %scan3A_45#1 : vector<16xi1>, vector<16xf32>
    %select_n3A_217 = arith.select %or3A_215, %gather3A_210, %scan3A_45#6 : vector<16xi1>, vector<16xi32>
    %xor3A_218 = arith.constant 2 : i32
    %xor3A_219 = vector.broadcast %xor3A_218 : i32 to vector<16xi32>
    %xor3A_220 = arith.xori %iota3A, %xor3A_219 : vector<16xi32>
    %lt3A_221 = arith.constant 0 : i32
    %lt3A_222 = vector.broadcast %lt3A_221 : i32 to vector<16xi32>
    %lt3A_223 = arith.cmpi slt, %xor3A_220, %lt3A_222 : vector<16xi32>
    %add3A_224 = arith.constant 16 : i32
    %add3A_225 = vector.broadcast %add3A_224 : i32 to vector<16xi32>
    %add3A_226 = arith.addi %xor3A_220, %add3A_225 : vector<16xi32>
    %select_n3A_227 = arith.select %lt3A_223, %add3A_226, %xor3A_220 : vector<16xi1>, vector<16xi32>
    %broadcast_in_dim3A_228 = vector.shape_cast %select_n3A_227 : vector<16xi32> to vector<16x1xi32>
    %gather3A_229 = vector.shape_cast %broadcast_in_dim3A_228 : vector<16x1xi32> to vector<16xi32>
    %gather3A_230 = tpu.dynamic_gather %select_n3A_216[%gather3A_229] in [0] : vector<16xf32>, vector<16xi32> -> vector<16xf32>
    %xor3A_231 = arith.constant 2 : i32
    %xor3A_232 = vector.broadcast %xor3A_231 : i32 to vector<16xi32>
    %xor3A_233 = arith.xori %iota3A, %xor3A_232 : vector<16xi32>
    %lt3A_234 = arith.constant 0 : i32
    %lt3A_235 = vector.broadcast %lt3A_234 : i32 to vector<16xi32>
    %lt3A_236 = arith.cmpi slt, %xor3A_233, %lt3A_235 : vector<16xi32>
    %add3A_237 = arith.constant 16 : i32
    %add3A_238 = vector.broadcast %add3A_237 : i32 to vector<16xi32>
    %add3A_239 = arith.addi %xor3A_233, %add3A_238 : vector<16xi32>
    %select_n3A_240 = arith.select %lt3A_236, %add3A_239, %xor3A_233 : vector<16xi1>, vector<16xi32>
    %broadcast_in_dim3A_241 = vector.shape_cast %select_n3A_240 : vector<16xi32> to vector<16x1xi32>
    %gather3A_242 = vector.shape_cast %broadcast_in_dim3A_241 : vector<16x1xi32> to vector<16xi32>
    %gather3A_243 = tpu.dynamic_gather %select_n3A_217[%gather3A_242] in [0] : vector<16xi32>, vector<16xi32> -> vector<16xi32>
    %gt3A_244 = arith.cmpf ogt, %gather3A_230, %select_n3A_216 : vector<16xf32>
    %eq3A_245 = arith.cmpf oeq, %gather3A_230, %select_n3A_216 : vector<16xf32>
    %lt3A_246 = arith.cmpi slt, %gather3A_243, %select_n3A_217 : vector<16xi32>
    %and3A_247 = arith.andi %eq3A_245, %lt3A_246 : vector<16xi1>
    %or3A_248 = arith.ori %gt3A_244, %and3A_247 : vector<16xi1>
    %select_n3A_249 = arith.select %or3A_248, %gather3A_230, %select_n3A_216 : vector<16xi1>, vector<16xf32>
    %select_n3A_250 = arith.select %or3A_248, %gather3A_243, %select_n3A_217 : vector<16xi1>, vector<16xi32>
    %xor3A_251 = arith.constant 4 : i32
    %xor3A_252 = vector.broadcast %xor3A_251 : i32 to vector<16xi32>
    %xor3A_253 = arith.xori %iota3A, %xor3A_252 : vector<16xi32>
    %lt3A_254 = arith.constant 0 : i32
    %lt3A_255 = vector.broadcast %lt3A_254 : i32 to vector<16xi32>
    %lt3A_256 = arith.cmpi slt, %xor3A_253, %lt3A_255 : vector<16xi32>
    %add3A_257 = arith.constant 16 : i32
    %add3A_258 = vector.broadcast %add3A_257 : i32 to vector<16xi32>
    %add3A_259 = arith.addi %xor3A_253, %add3A_258 : vector<16xi32>
    %select_n3A_260 = arith.select %lt3A_256, %add3A_259, %xor3A_253 : vector<16xi1>, vector<16xi32>
    %broadcast_in_dim3A_261 = vector.shape_cast %select_n3A_260 : vector<16xi32> to vector<16x1xi32>
    %gather3A_262 = vector.shape_cast %broadcast_in_dim3A_261 : vector<16x1xi32> to vector<16xi32>
    %gather3A_263 = tpu.dynamic_gather %select_n3A_249[%gather3A_262] in [0] : vector<16xf32>, vector<16xi32> -> vector<16xf32>
    %xor3A_264 = arith.constant 4 : i32
    %xor3A_265 = vector.broadcast %xor3A_264 : i32 to vector<16xi32>
    %xor3A_266 = arith.xori %iota3A, %xor3A_265 : vector<16xi32>
    %lt3A_267 = arith.constant 0 : i32
    %lt3A_268 = vector.broadcast %lt3A_267 : i32 to vector<16xi32>
    %lt3A_269 = arith.cmpi slt, %xor3A_266, %lt3A_268 : vector<16xi32>
    %add3A_270 = arith.constant 16 : i32
    %add3A_271 = vector.broadcast %add3A_270 : i32 to vector<16xi32>
    %add3A_272 = arith.addi %xor3A_266, %add3A_271 : vector<16xi32>
    %select_n3A_273 = arith.select %lt3A_269, %add3A_272, %xor3A_266 : vector<16xi1>, vector<16xi32>
    %broadcast_in_dim3A_274 = vector.shape_cast %select_n3A_273 : vector<16xi32> to vector<16x1xi32>
    %gather3A_275 = vector.shape_cast %broadcast_in_dim3A_274 : vector<16x1xi32> to vector<16xi32>
    %gather3A_276 = tpu.dynamic_gather %select_n3A_250[%gather3A_275] in [0] : vector<16xi32>, vector<16xi32> -> vector<16xi32>
    %gt3A_277 = arith.cmpf ogt, %gather3A_263, %select_n3A_249 : vector<16xf32>
    %eq3A_278 = arith.cmpf oeq, %gather3A_263, %select_n3A_249 : vector<16xf32>
    %lt3A_279 = arith.cmpi slt, %gather3A_276, %select_n3A_250 : vector<16xi32>
    %and3A_280 = arith.andi %eq3A_278, %lt3A_279 : vector<16xi1>
    %or3A_281 = arith.ori %gt3A_277, %and3A_280 : vector<16xi1>
    %select_n3A_282 = arith.select %or3A_281, %gather3A_263, %select_n3A_249 : vector<16xi1>, vector<16xf32>
    %select_n3A_283 = arith.select %or3A_281, %gather3A_276, %select_n3A_250 : vector<16xi1>, vector<16xi32>
    %xor3A_284 = arith.constant 8 : i32
    %xor3A_285 = vector.broadcast %xor3A_284 : i32 to vector<16xi32>
    %xor3A_286 = arith.xori %iota3A, %xor3A_285 : vector<16xi32>
    %lt3A_287 = arith.constant 0 : i32
    %lt3A_288 = vector.broadcast %lt3A_287 : i32 to vector<16xi32>
    %lt3A_289 = arith.cmpi slt, %xor3A_286, %lt3A_288 : vector<16xi32>
    %add3A_290 = arith.constant 16 : i32
    %add3A_291 = vector.broadcast %add3A_290 : i32 to vector<16xi32>
    %add3A_292 = arith.addi %xor3A_286, %add3A_291 : vector<16xi32>
    %select_n3A_293 = arith.select %lt3A_289, %add3A_292, %xor3A_286 : vector<16xi1>, vector<16xi32>
    %broadcast_in_dim3A_294 = vector.shape_cast %select_n3A_293 : vector<16xi32> to vector<16x1xi32>
    %gather3A_295 = vector.shape_cast %broadcast_in_dim3A_294 : vector<16x1xi32> to vector<16xi32>
    %gather3A_296 = tpu.dynamic_gather %select_n3A_282[%gather3A_295] in [0] : vector<16xf32>, vector<16xi32> -> vector<16xf32>
    %xor3A_297 = arith.constant 8 : i32
    %xor3A_298 = vector.broadcast %xor3A_297 : i32 to vector<16xi32>
    %xor3A_299 = arith.xori %iota3A, %xor3A_298 : vector<16xi32>
    %lt3A_300 = arith.constant 0 : i32
    %lt3A_301 = vector.broadcast %lt3A_300 : i32 to vector<16xi32>
    %lt3A_302 = arith.cmpi slt, %xor3A_299, %lt3A_301 : vector<16xi32>
    %add3A_303 = arith.constant 16 : i32
    %add3A_304 = vector.broadcast %add3A_303 : i32 to vector<16xi32>
    %add3A_305 = arith.addi %xor3A_299, %add3A_304 : vector<16xi32>
    %select_n3A_306 = arith.select %lt3A_302, %add3A_305, %xor3A_299 : vector<16xi1>, vector<16xi32>
    %broadcast_in_dim3A_307 = vector.shape_cast %select_n3A_306 : vector<16xi32> to vector<16x1xi32>
    %gather3A_308 = vector.shape_cast %broadcast_in_dim3A_307 : vector<16x1xi32> to vector<16xi32>
    %gather3A_309 = tpu.dynamic_gather %select_n3A_283[%gather3A_308] in [0] : vector<16xi32>, vector<16xi32> -> vector<16xi32>
    %gt3A_310 = arith.cmpf ogt, %gather3A_296, %select_n3A_282 : vector<16xf32>
    %eq3A_311 = arith.cmpf oeq, %gather3A_296, %select_n3A_282 : vector<16xf32>
    %lt3A_312 = arith.cmpi slt, %gather3A_309, %select_n3A_283 : vector<16xi32>
    %and3A_313 = arith.andi %eq3A_311, %lt3A_312 : vector<16xi1>
    %or3A_314 = arith.ori %gt3A_310, %and3A_313 : vector<16xi1>
    %select_n3A_315 = arith.select %or3A_314, %gather3A_296, %select_n3A_282 : vector<16xi1>, vector<16xf32>
    %select_n3A_316 = arith.select %or3A_314, %gather3A_309, %select_n3A_283 : vector<16xi1>, vector<16xi32>
    %eq3A_317 = arith.constant 1 : i32
    %eq3A_318 = vector.broadcast %eq3A_317 : i32 to vector<16xi32>
    %eq3A_319 = arith.cmpi eq, %iota3A, %eq3A_318 : vector<16xi32>
    %select_n3A_320 = arith.select %eq3A_319, %select_n3A_315, %select_n3A_180 : vector<16xi1>, vector<16xf32>
    %eq3A_321 = arith.constant 1 : i32
    %eq3A_322 = vector.broadcast %eq3A_321 : i32 to vector<16xi32>
    %eq3A_323 = arith.cmpi eq, %iota3A, %eq3A_322 : vector<16xi32>
    %select_n3A_324 = arith.select %eq3A_323, %select_n3A_316, %select_n3A_184 : vector<16xi1>, vector<16xi32>
    %xor3A_325 = arith.constant 1 : i32
    %xor3A_326 = vector.broadcast %xor3A_325 : i32 to vector<16xi32>
    %xor3A_327 = arith.xori %iota3A, %xor3A_326 : vector<16xi32>
    %lt3A_328 = arith.constant 0 : i32
    %lt3A_329 = vector.broadcast %lt3A_328 : i32 to vector<16xi32>
    %lt3A_330 = arith.cmpi slt, %xor3A_327, %lt3A_329 : vector<16xi32>
    %add3A_331 = arith.constant 16 : i32
    %add3A_332 = vector.broadcast %add3A_331 : i32 to vector<16xi32>
    %add3A_333 = arith.addi %xor3A_327, %add3A_332 : vector<16xi32>
    %select_n3A_334 = arith.select %lt3A_330, %add3A_333, %xor3A_327 : vector<16xi1>, vector<16xi32>
    %broadcast_in_dim3A_335 = vector.shape_cast %select_n3A_334 : vector<16xi32> to vector<16x1xi32>
    %gather3A_336 = vector.shape_cast %broadcast_in_dim3A_335 : vector<16x1xi32> to vector<16xi32>
    %gather3A_337 = tpu.dynamic_gather %scan3A_45#2[%gather3A_336] in [0] : vector<16xf32>, vector<16xi32> -> vector<16xf32>
    %xor3A_338 = arith.constant 1 : i32
    %xor3A_339 = vector.broadcast %xor3A_338 : i32 to vector<16xi32>
    %xor3A_340 = arith.xori %iota3A, %xor3A_339 : vector<16xi32>
    %lt3A_341 = arith.constant 0 : i32
    %lt3A_342 = vector.broadcast %lt3A_341 : i32 to vector<16xi32>
    %lt3A_343 = arith.cmpi slt, %xor3A_340, %lt3A_342 : vector<16xi32>
    %add3A_344 = arith.constant 16 : i32
    %add3A_345 = vector.broadcast %add3A_344 : i32 to vector<16xi32>
    %add3A_346 = arith.addi %xor3A_340, %add3A_345 : vector<16xi32>
    %select_n3A_347 = arith.select %lt3A_343, %add3A_346, %xor3A_340 : vector<16xi1>, vector<16xi32>
    %broadcast_in_dim3A_348 = vector.shape_cast %select_n3A_347 : vector<16xi32> to vector<16x1xi32>
    %gather3A_349 = vector.shape_cast %broadcast_in_dim3A_348 : vector<16x1xi32> to vector<16xi32>
    %gather3A_350 = tpu.dynamic_gather %scan3A_45#7[%gather3A_349] in [0] : vector<16xi32>, vector<16xi32> -> vector<16xi32>
    %gt3A_351 = arith.cmpf ogt, %gather3A_337, %scan3A_45#2 : vector<16xf32>
    %eq3A_352 = arith.cmpf oeq, %gather3A_337, %scan3A_45#2 : vector<16xf32>
    %lt3A_353 = arith.cmpi slt, %gather3A_350, %scan3A_45#7 : vector<16xi32>
    %and3A_354 = arith.andi %eq3A_352, %lt3A_353 : vector<16xi1>
    %or3A_355 = arith.ori %gt3A_351, %and3A_354 : vector<16xi1>
    %select_n3A_356 = arith.select %or3A_355, %gather3A_337, %scan3A_45#2 : vector<16xi1>, vector<16xf32>
    %select_n3A_357 = arith.select %or3A_355, %gather3A_350, %scan3A_45#7 : vector<16xi1>, vector<16xi32>
    %xor3A_358 = arith.constant 2 : i32
    %xor3A_359 = vector.broadcast %xor3A_358 : i32 to vector<16xi32>
    %xor3A_360 = arith.xori %iota3A, %xor3A_359 : vector<16xi32>
    %lt3A_361 = arith.constant 0 : i32
    %lt3A_362 = vector.broadcast %lt3A_361 : i32 to vector<16xi32>
    %lt3A_363 = arith.cmpi slt, %xor3A_360, %lt3A_362 : vector<16xi32>
    %add3A_364 = arith.constant 16 : i32
    %add3A_365 = vector.broadcast %add3A_364 : i32 to vector<16xi32>
    %add3A_366 = arith.addi %xor3A_360, %add3A_365 : vector<16xi32>
    %select_n3A_367 = arith.select %lt3A_363, %add3A_366, %xor3A_360 : vector<16xi1>, vector<16xi32>
    %broadcast_in_dim3A_368 = vector.shape_cast %select_n3A_367 : vector<16xi32> to vector<16x1xi32>
    %gather3A_369 = vector.shape_cast %broadcast_in_dim3A_368 : vector<16x1xi32> to vector<16xi32>
    %gather3A_370 = tpu.dynamic_gather %select_n3A_356[%gather3A_369] in [0] : vector<16xf32>, vector<16xi32> -> vector<16xf32>
    %xor3A_371 = arith.constant 2 : i32
    %xor3A_372 = vector.broadcast %xor3A_371 : i32 to vector<16xi32>
    %xor3A_373 = arith.xori %iota3A, %xor3A_372 : vector<16xi32>
    %lt3A_374 = arith.constant 0 : i32
    %lt3A_375 = vector.broadcast %lt3A_374 : i32 to vector<16xi32>
    %lt3A_376 = arith.cmpi slt, %xor3A_373, %lt3A_375 : vector<16xi32>
    %add3A_377 = arith.constant 16 : i32
    %add3A_378 = vector.broadcast %add3A_377 : i32 to vector<16xi32>
    %add3A_379 = arith.addi %xor3A_373, %add3A_378 : vector<16xi32>
    %select_n3A_380 = arith.select %lt3A_376, %add3A_379, %xor3A_373 : vector<16xi1>, vector<16xi32>
    %broadcast_in_dim3A_381 = vector.shape_cast %select_n3A_380 : vector<16xi32> to vector<16x1xi32>
    %gather3A_382 = vector.shape_cast %broadcast_in_dim3A_381 : vector<16x1xi32> to vector<16xi32>
    %gather3A_383 = tpu.dynamic_gather %select_n3A_357[%gather3A_382] in [0] : vector<16xi32>, vector<16xi32> -> vector<16xi32>
    %gt3A_384 = arith.cmpf ogt, %gather3A_370, %select_n3A_356 : vector<16xf32>
    %eq3A_385 = arith.cmpf oeq, %gather3A_370, %select_n3A_356 : vector<16xf32>
    %lt3A_386 = arith.cmpi slt, %gather3A_383, %select_n3A_357 : vector<16xi32>
    %and3A_387 = arith.andi %eq3A_385, %lt3A_386 : vector<16xi1>
    %or3A_388 = arith.ori %gt3A_384, %and3A_387 : vector<16xi1>
    %select_n3A_389 = arith.select %or3A_388, %gather3A_370, %select_n3A_356 : vector<16xi1>, vector<16xf32>
    %select_n3A_390 = arith.select %or3A_388, %gather3A_383, %select_n3A_357 : vector<16xi1>, vector<16xi32>
    %xor3A_391 = arith.constant 4 : i32
    %xor3A_392 = vector.broadcast %xor3A_391 : i32 to vector<16xi32>
    %xor3A_393 = arith.xori %iota3A, %xor3A_392 : vector<16xi32>
    %lt3A_394 = arith.constant 0 : i32
    %lt3A_395 = vector.broadcast %lt3A_394 : i32 to vector<16xi32>
    %lt3A_396 = arith.cmpi slt, %xor3A_393, %lt3A_395 : vector<16xi32>
    %add3A_397 = arith.constant 16 : i32
    %add3A_398 = vector.broadcast %add3A_397 : i32 to vector<16xi32>
    %add3A_399 = arith.addi %xor3A_393, %add3A_398 : vector<16xi32>
    %select_n3A_400 = arith.select %lt3A_396, %add3A_399, %xor3A_393 : vector<16xi1>, vector<16xi32>
    %broadcast_in_dim3A_401 = vector.shape_cast %select_n3A_400 : vector<16xi32> to vector<16x1xi32>
    %gather3A_402 = vector.shape_cast %broadcast_in_dim3A_401 : vector<16x1xi32> to vector<16xi32>
    %gather3A_403 = tpu.dynamic_gather %select_n3A_389[%gather3A_402] in [0] : vector<16xf32>, vector<16xi32> -> vector<16xf32>
    %xor3A_404 = arith.constant 4 : i32
    %xor3A_405 = vector.broadcast %xor3A_404 : i32 to vector<16xi32>
    %xor3A_406 = arith.xori %iota3A, %xor3A_405 : vector<16xi32>
    %lt3A_407 = arith.constant 0 : i32
    %lt3A_408 = vector.broadcast %lt3A_407 : i32 to vector<16xi32>
    %lt3A_409 = arith.cmpi slt, %xor3A_406, %lt3A_408 : vector<16xi32>
    %add3A_410 = arith.constant 16 : i32
    %add3A_411 = vector.broadcast %add3A_410 : i32 to vector<16xi32>
    %add3A_412 = arith.addi %xor3A_406, %add3A_411 : vector<16xi32>
    %select_n3A_413 = arith.select %lt3A_409, %add3A_412, %xor3A_406 : vector<16xi1>, vector<16xi32>
    %broadcast_in_dim3A_414 = vector.shape_cast %select_n3A_413 : vector<16xi32> to vector<16x1xi32>
    %gather3A_415 = vector.shape_cast %broadcast_in_dim3A_414 : vector<16x1xi32> to vector<16xi32>
    %gather3A_416 = tpu.dynamic_gather %select_n3A_390[%gather3A_415] in [0] : vector<16xi32>, vector<16xi32> -> vector<16xi32>
    %gt3A_417 = arith.cmpf ogt, %gather3A_403, %select_n3A_389 : vector<16xf32>
    %eq3A_418 = arith.cmpf oeq, %gather3A_403, %select_n3A_389 : vector<16xf32>
    %lt3A_419 = arith.cmpi slt, %gather3A_416, %select_n3A_390 : vector<16xi32>
    %and3A_420 = arith.andi %eq3A_418, %lt3A_419 : vector<16xi1>
    %or3A_421 = arith.ori %gt3A_417, %and3A_420 : vector<16xi1>
    %select_n3A_422 = arith.select %or3A_421, %gather3A_403, %select_n3A_389 : vector<16xi1>, vector<16xf32>
    %select_n3A_423 = arith.select %or3A_421, %gather3A_416, %select_n3A_390 : vector<16xi1>, vector<16xi32>
    %xor3A_424 = arith.constant 8 : i32
    %xor3A_425 = vector.broadcast %xor3A_424 : i32 to vector<16xi32>
    %xor3A_426 = arith.xori %iota3A, %xor3A_425 : vector<16xi32>
    %lt3A_427 = arith.constant 0 : i32
    %lt3A_428 = vector.broadcast %lt3A_427 : i32 to vector<16xi32>
    %lt3A_429 = arith.cmpi slt, %xor3A_426, %lt3A_428 : vector<16xi32>
    %add3A_430 = arith.constant 16 : i32
    %add3A_431 = vector.broadcast %add3A_430 : i32 to vector<16xi32>
    %add3A_432 = arith.addi %xor3A_426, %add3A_431 : vector<16xi32>
    %select_n3A_433 = arith.select %lt3A_429, %add3A_432, %xor3A_426 : vector<16xi1>, vector<16xi32>
    %broadcast_in_dim3A_434 = vector.shape_cast %select_n3A_433 : vector<16xi32> to vector<16x1xi32>
    %gather3A_435 = vector.shape_cast %broadcast_in_dim3A_434 : vector<16x1xi32> to vector<16xi32>
    %gather3A_436 = tpu.dynamic_gather %select_n3A_422[%gather3A_435] in [0] : vector<16xf32>, vector<16xi32> -> vector<16xf32>
    %xor3A_437 = arith.constant 8 : i32
    %xor3A_438 = vector.broadcast %xor3A_437 : i32 to vector<16xi32>
    %xor3A_439 = arith.xori %iota3A, %xor3A_438 : vector<16xi32>
    %lt3A_440 = arith.constant 0 : i32
    %lt3A_441 = vector.broadcast %lt3A_440 : i32 to vector<16xi32>
    %lt3A_442 = arith.cmpi slt, %xor3A_439, %lt3A_441 : vector<16xi32>
    %add3A_443 = arith.constant 16 : i32
    %add3A_444 = vector.broadcast %add3A_443 : i32 to vector<16xi32>
    %add3A_445 = arith.addi %xor3A_439, %add3A_444 : vector<16xi32>
    %select_n3A_446 = arith.select %lt3A_442, %add3A_445, %xor3A_439 : vector<16xi1>, vector<16xi32>
    %broadcast_in_dim3A_447 = vector.shape_cast %select_n3A_446 : vector<16xi32> to vector<16x1xi32>
    %gather3A_448 = vector.shape_cast %broadcast_in_dim3A_447 : vector<16x1xi32> to vector<16xi32>
    %gather3A_449 = tpu.dynamic_gather %select_n3A_423[%gather3A_448] in [0] : vector<16xi32>, vector<16xi32> -> vector<16xi32>
    %gt3A_450 = arith.cmpf ogt, %gather3A_436, %select_n3A_422 : vector<16xf32>
    %eq3A_451 = arith.cmpf oeq, %gather3A_436, %select_n3A_422 : vector<16xf32>
    %lt3A_452 = arith.cmpi slt, %gather3A_449, %select_n3A_423 : vector<16xi32>
    %and3A_453 = arith.andi %eq3A_451, %lt3A_452 : vector<16xi1>
    %or3A_454 = arith.ori %gt3A_450, %and3A_453 : vector<16xi1>
    %select_n3A_455 = arith.select %or3A_454, %gather3A_436, %select_n3A_422 : vector<16xi1>, vector<16xf32>
    %select_n3A_456 = arith.select %or3A_454, %gather3A_449, %select_n3A_423 : vector<16xi1>, vector<16xi32>
    %eq3A_457 = arith.constant 2 : i32
    %eq3A_458 = vector.broadcast %eq3A_457 : i32 to vector<16xi32>
    %eq3A_459 = arith.cmpi eq, %iota3A, %eq3A_458 : vector<16xi32>
    %select_n3A_460 = arith.select %eq3A_459, %select_n3A_455, %select_n3A_320 : vector<16xi1>, vector<16xf32>
    %eq3A_461 = arith.constant 2 : i32
    %eq3A_462 = vector.broadcast %eq3A_461 : i32 to vector<16xi32>
    %eq3A_463 = arith.cmpi eq, %iota3A, %eq3A_462 : vector<16xi32>
    %select_n3A_464 = arith.select %eq3A_463, %select_n3A_456, %select_n3A_324 : vector<16xi1>, vector<16xi32>
    %xor3A_465 = arith.constant 1 : i32
    %xor3A_466 = vector.broadcast %xor3A_465 : i32 to vector<16xi32>
    %xor3A_467 = arith.xori %iota3A, %xor3A_466 : vector<16xi32>
    %lt3A_468 = arith.constant 0 : i32
    %lt3A_469 = vector.broadcast %lt3A_468 : i32 to vector<16xi32>
    %lt3A_470 = arith.cmpi slt, %xor3A_467, %lt3A_469 : vector<16xi32>
    %add3A_471 = arith.constant 16 : i32
    %add3A_472 = vector.broadcast %add3A_471 : i32 to vector<16xi32>
    %add3A_473 = arith.addi %xor3A_467, %add3A_472 : vector<16xi32>
    %select_n3A_474 = arith.select %lt3A_470, %add3A_473, %xor3A_467 : vector<16xi1>, vector<16xi32>
    %broadcast_in_dim3A_475 = vector.shape_cast %select_n3A_474 : vector<16xi32> to vector<16x1xi32>
    %gather3A_476 = vector.shape_cast %broadcast_in_dim3A_475 : vector<16x1xi32> to vector<16xi32>
    %gather3A_477 = tpu.dynamic_gather %scan3A_45#3[%gather3A_476] in [0] : vector<16xf32>, vector<16xi32> -> vector<16xf32>
    %xor3A_478 = arith.constant 1 : i32
    %xor3A_479 = vector.broadcast %xor3A_478 : i32 to vector<16xi32>
    %xor3A_480 = arith.xori %iota3A, %xor3A_479 : vector<16xi32>
    %lt3A_481 = arith.constant 0 : i32
    %lt3A_482 = vector.broadcast %lt3A_481 : i32 to vector<16xi32>
    %lt3A_483 = arith.cmpi slt, %xor3A_480, %lt3A_482 : vector<16xi32>
    %add3A_484 = arith.constant 16 : i32
    %add3A_485 = vector.broadcast %add3A_484 : i32 to vector<16xi32>
    %add3A_486 = arith.addi %xor3A_480, %add3A_485 : vector<16xi32>
    %select_n3A_487 = arith.select %lt3A_483, %add3A_486, %xor3A_480 : vector<16xi1>, vector<16xi32>
    %broadcast_in_dim3A_488 = vector.shape_cast %select_n3A_487 : vector<16xi32> to vector<16x1xi32>
    %gather3A_489 = vector.shape_cast %broadcast_in_dim3A_488 : vector<16x1xi32> to vector<16xi32>
    %gather3A_490 = tpu.dynamic_gather %scan3A_45#8[%gather3A_489] in [0] : vector<16xi32>, vector<16xi32> -> vector<16xi32>
    %gt3A_491 = arith.cmpf ogt, %gather3A_477, %scan3A_45#3 : vector<16xf32>
    %eq3A_492 = arith.cmpf oeq, %gather3A_477, %scan3A_45#3 : vector<16xf32>
    %lt3A_493 = arith.cmpi slt, %gather3A_490, %scan3A_45#8 : vector<16xi32>
    %and3A_494 = arith.andi %eq3A_492, %lt3A_493 : vector<16xi1>
    %or3A_495 = arith.ori %gt3A_491, %and3A_494 : vector<16xi1>
    %select_n3A_496 = arith.select %or3A_495, %gather3A_477, %scan3A_45#3 : vector<16xi1>, vector<16xf32>
    %select_n3A_497 = arith.select %or3A_495, %gather3A_490, %scan3A_45#8 : vector<16xi1>, vector<16xi32>
    %xor3A_498 = arith.constant 2 : i32
    %xor3A_499 = vector.broadcast %xor3A_498 : i32 to vector<16xi32>
    %xor3A_500 = arith.xori %iota3A, %xor3A_499 : vector<16xi32>
    %lt3A_501 = arith.constant 0 : i32
    %lt3A_502 = vector.broadcast %lt3A_501 : i32 to vector<16xi32>
    %lt3A_503 = arith.cmpi slt, %xor3A_500, %lt3A_502 : vector<16xi32>
    %add3A_504 = arith.constant 16 : i32
    %add3A_505 = vector.broadcast %add3A_504 : i32 to vector<16xi32>
    %add3A_506 = arith.addi %xor3A_500, %add3A_505 : vector<16xi32>
    %select_n3A_507 = arith.select %lt3A_503, %add3A_506, %xor3A_500 : vector<16xi1>, vector<16xi32>
    %broadcast_in_dim3A_508 = vector.shape_cast %select_n3A_507 : vector<16xi32> to vector<16x1xi32>
    %gather3A_509 = vector.shape_cast %broadcast_in_dim3A_508 : vector<16x1xi32> to vector<16xi32>
    %gather3A_510 = tpu.dynamic_gather %select_n3A_496[%gather3A_509] in [0] : vector<16xf32>, vector<16xi32> -> vector<16xf32>
    %xor3A_511 = arith.constant 2 : i32
    %xor3A_512 = vector.broadcast %xor3A_511 : i32 to vector<16xi32>
    %xor3A_513 = arith.xori %iota3A, %xor3A_512 : vector<16xi32>
    %lt3A_514 = arith.constant 0 : i32
    %lt3A_515 = vector.broadcast %lt3A_514 : i32 to vector<16xi32>
    %lt3A_516 = arith.cmpi slt, %xor3A_513, %lt3A_515 : vector<16xi32>
    %add3A_517 = arith.constant 16 : i32
    %add3A_518 = vector.broadcast %add3A_517 : i32 to vector<16xi32>
    %add3A_519 = arith.addi %xor3A_513, %add3A_518 : vector<16xi32>
    %select_n3A_520 = arith.select %lt3A_516, %add3A_519, %xor3A_513 : vector<16xi1>, vector<16xi32>
    %broadcast_in_dim3A_521 = vector.shape_cast %select_n3A_520 : vector<16xi32> to vector<16x1xi32>
    %gather3A_522 = vector.shape_cast %broadcast_in_dim3A_521 : vector<16x1xi32> to vector<16xi32>
    %gather3A_523 = tpu.dynamic_gather %select_n3A_497[%gather3A_522] in [0] : vector<16xi32>, vector<16xi32> -> vector<16xi32>
    %gt3A_524 = arith.cmpf ogt, %gather3A_510, %select_n3A_496 : vector<16xf32>
    %eq3A_525 = arith.cmpf oeq, %gather3A_510, %select_n3A_496 : vector<16xf32>
    %lt3A_526 = arith.cmpi slt, %gather3A_523, %select_n3A_497 : vector<16xi32>
    %and3A_527 = arith.andi %eq3A_525, %lt3A_526 : vector<16xi1>
    %or3A_528 = arith.ori %gt3A_524, %and3A_527 : vector<16xi1>
    %select_n3A_529 = arith.select %or3A_528, %gather3A_510, %select_n3A_496 : vector<16xi1>, vector<16xf32>
    %select_n3A_530 = arith.select %or3A_528, %gather3A_523, %select_n3A_497 : vector<16xi1>, vector<16xi32>
    %xor3A_531 = arith.constant 4 : i32
    %xor3A_532 = vector.broadcast %xor3A_531 : i32 to vector<16xi32>
    %xor3A_533 = arith.xori %iota3A, %xor3A_532 : vector<16xi32>
    %lt3A_534 = arith.constant 0 : i32
    %lt3A_535 = vector.broadcast %lt3A_534 : i32 to vector<16xi32>
    %lt3A_536 = arith.cmpi slt, %xor3A_533, %lt3A_535 : vector<16xi32>
    %add3A_537 = arith.constant 16 : i32
    %add3A_538 = vector.broadcast %add3A_537 : i32 to vector<16xi32>
    %add3A_539 = arith.addi %xor3A_533, %add3A_538 : vector<16xi32>
    %select_n3A_540 = arith.select %lt3A_536, %add3A_539, %xor3A_533 : vector<16xi1>, vector<16xi32>
    %broadcast_in_dim3A_541 = vector.shape_cast %select_n3A_540 : vector<16xi32> to vector<16x1xi32>
    %gather3A_542 = vector.shape_cast %broadcast_in_dim3A_541 : vector<16x1xi32> to vector<16xi32>
    %gather3A_543 = tpu.dynamic_gather %select_n3A_529[%gather3A_542] in [0] : vector<16xf32>, vector<16xi32> -> vector<16xf32>
    %xor3A_544 = arith.constant 4 : i32
    %xor3A_545 = vector.broadcast %xor3A_544 : i32 to vector<16xi32>
    %xor3A_546 = arith.xori %iota3A, %xor3A_545 : vector<16xi32>
    %lt3A_547 = arith.constant 0 : i32
    %lt3A_548 = vector.broadcast %lt3A_547 : i32 to vector<16xi32>
    %lt3A_549 = arith.cmpi slt, %xor3A_546, %lt3A_548 : vector<16xi32>
    %add3A_550 = arith.constant 16 : i32
    %add3A_551 = vector.broadcast %add3A_550 : i32 to vector<16xi32>
    %add3A_552 = arith.addi %xor3A_546, %add3A_551 : vector<16xi32>
    %select_n3A_553 = arith.select %lt3A_549, %add3A_552, %xor3A_546 : vector<16xi1>, vector<16xi32>
    %broadcast_in_dim3A_554 = vector.shape_cast %select_n3A_553 : vector<16xi32> to vector<16x1xi32>
    %gather3A_555 = vector.shape_cast %broadcast_in_dim3A_554 : vector<16x1xi32> to vector<16xi32>
    %gather3A_556 = tpu.dynamic_gather %select_n3A_530[%gather3A_555] in [0] : vector<16xi32>, vector<16xi32> -> vector<16xi32>
    %gt3A_557 = arith.cmpf ogt, %gather3A_543, %select_n3A_529 : vector<16xf32>
    %eq3A_558 = arith.cmpf oeq, %gather3A_543, %select_n3A_529 : vector<16xf32>
    %lt3A_559 = arith.cmpi slt, %gather3A_556, %select_n3A_530 : vector<16xi32>
    %and3A_560 = arith.andi %eq3A_558, %lt3A_559 : vector<16xi1>
    %or3A_561 = arith.ori %gt3A_557, %and3A_560 : vector<16xi1>
    %select_n3A_562 = arith.select %or3A_561, %gather3A_543, %select_n3A_529 : vector<16xi1>, vector<16xf32>
    %select_n3A_563 = arith.select %or3A_561, %gather3A_556, %select_n3A_530 : vector<16xi1>, vector<16xi32>
    %xor3A_564 = arith.constant 8 : i32
    %xor3A_565 = vector.broadcast %xor3A_564 : i32 to vector<16xi32>
    %xor3A_566 = arith.xori %iota3A, %xor3A_565 : vector<16xi32>
    %lt3A_567 = arith.constant 0 : i32
    %lt3A_568 = vector.broadcast %lt3A_567 : i32 to vector<16xi32>
    %lt3A_569 = arith.cmpi slt, %xor3A_566, %lt3A_568 : vector<16xi32>
    %add3A_570 = arith.constant 16 : i32
    %add3A_571 = vector.broadcast %add3A_570 : i32 to vector<16xi32>
    %add3A_572 = arith.addi %xor3A_566, %add3A_571 : vector<16xi32>
    %select_n3A_573 = arith.select %lt3A_569, %add3A_572, %xor3A_566 : vector<16xi1>, vector<16xi32>
    %broadcast_in_dim3A_574 = vector.shape_cast %select_n3A_573 : vector<16xi32> to vector<16x1xi32>
    %gather3A_575 = vector.shape_cast %broadcast_in_dim3A_574 : vector<16x1xi32> to vector<16xi32>
    %gather3A_576 = tpu.dynamic_gather %select_n3A_562[%gather3A_575] in [0] : vector<16xf32>, vector<16xi32> -> vector<16xf32>
    %xor3A_577 = arith.constant 8 : i32
    %xor3A_578 = vector.broadcast %xor3A_577 : i32 to vector<16xi32>
    %xor3A_579 = arith.xori %iota3A, %xor3A_578 : vector<16xi32>
    %lt3A_580 = arith.constant 0 : i32
    %lt3A_581 = vector.broadcast %lt3A_580 : i32 to vector<16xi32>
    %lt3A_582 = arith.cmpi slt, %xor3A_579, %lt3A_581 : vector<16xi32>
    %add3A_583 = arith.constant 16 : i32
    %add3A_584 = vector.broadcast %add3A_583 : i32 to vector<16xi32>
    %add3A_585 = arith.addi %xor3A_579, %add3A_584 : vector<16xi32>
    %select_n3A_586 = arith.select %lt3A_582, %add3A_585, %xor3A_579 : vector<16xi1>, vector<16xi32>
    %broadcast_in_dim3A_587 = vector.shape_cast %select_n3A_586 : vector<16xi32> to vector<16x1xi32>
    %gather3A_588 = vector.shape_cast %broadcast_in_dim3A_587 : vector<16x1xi32> to vector<16xi32>
    %gather3A_589 = tpu.dynamic_gather %select_n3A_563[%gather3A_588] in [0] : vector<16xi32>, vector<16xi32> -> vector<16xi32>
    %gt3A_590 = arith.cmpf ogt, %gather3A_576, %select_n3A_562 : vector<16xf32>
    %eq3A_591 = arith.cmpf oeq, %gather3A_576, %select_n3A_562 : vector<16xf32>
    %lt3A_592 = arith.cmpi slt, %gather3A_589, %select_n3A_563 : vector<16xi32>
    %and3A_593 = arith.andi %eq3A_591, %lt3A_592 : vector<16xi1>
    %or3A_594 = arith.ori %gt3A_590, %and3A_593 : vector<16xi1>
    %select_n3A_595 = arith.select %or3A_594, %gather3A_576, %select_n3A_562 : vector<16xi1>, vector<16xf32>
    %select_n3A_596 = arith.select %or3A_594, %gather3A_589, %select_n3A_563 : vector<16xi1>, vector<16xi32>
    %eq3A_597 = arith.constant 3 : i32
    %eq3A_598 = vector.broadcast %eq3A_597 : i32 to vector<16xi32>
    %eq3A_599 = arith.cmpi eq, %iota3A, %eq3A_598 : vector<16xi32>
    %select_n3A_600 = arith.select %eq3A_599, %select_n3A_595, %select_n3A_460 : vector<16xi1>, vector<16xf32>
    %eq3A_601 = arith.constant 3 : i32
    %eq3A_602 = vector.broadcast %eq3A_601 : i32 to vector<16xi32>
    %eq3A_603 = arith.cmpi eq, %iota3A, %eq3A_602 : vector<16xi32>
    %select_n3A_604 = arith.select %eq3A_603, %select_n3A_596, %select_n3A_464 : vector<16xi1>, vector<16xi32>
    %xor3A_605 = arith.constant 1 : i32
    %xor3A_606 = vector.broadcast %xor3A_605 : i32 to vector<16xi32>
    %xor3A_607 = arith.xori %iota3A, %xor3A_606 : vector<16xi32>
    %lt3A_608 = arith.constant 0 : i32
    %lt3A_609 = vector.broadcast %lt3A_608 : i32 to vector<16xi32>
    %lt3A_610 = arith.cmpi slt, %xor3A_607, %lt3A_609 : vector<16xi32>
    %add3A_611 = arith.constant 16 : i32
    %add3A_612 = vector.broadcast %add3A_611 : i32 to vector<16xi32>
    %add3A_613 = arith.addi %xor3A_607, %add3A_612 : vector<16xi32>
    %select_n3A_614 = arith.select %lt3A_610, %add3A_613, %xor3A_607 : vector<16xi1>, vector<16xi32>
    %broadcast_in_dim3A_615 = vector.shape_cast %select_n3A_614 : vector<16xi32> to vector<16x1xi32>
    %gather3A_616 = vector.shape_cast %broadcast_in_dim3A_615 : vector<16x1xi32> to vector<16xi32>
    %gather3A_617 = tpu.dynamic_gather %scan3A_45#4[%gather3A_616] in [0] : vector<16xf32>, vector<16xi32> -> vector<16xf32>
    %xor3A_618 = arith.constant 1 : i32
    %xor3A_619 = vector.broadcast %xor3A_618 : i32 to vector<16xi32>
    %xor3A_620 = arith.xori %iota3A, %xor3A_619 : vector<16xi32>
    %lt3A_621 = arith.constant 0 : i32
    %lt3A_622 = vector.broadcast %lt3A_621 : i32 to vector<16xi32>
    %lt3A_623 = arith.cmpi slt, %xor3A_620, %lt3A_622 : vector<16xi32>
    %add3A_624 = arith.constant 16 : i32
    %add3A_625 = vector.broadcast %add3A_624 : i32 to vector<16xi32>
    %add3A_626 = arith.addi %xor3A_620, %add3A_625 : vector<16xi32>
    %select_n3A_627 = arith.select %lt3A_623, %add3A_626, %xor3A_620 : vector<16xi1>, vector<16xi32>
    %broadcast_in_dim3A_628 = vector.shape_cast %select_n3A_627 : vector<16xi32> to vector<16x1xi32>
    %gather3A_629 = vector.shape_cast %broadcast_in_dim3A_628 : vector<16x1xi32> to vector<16xi32>
    %gather3A_630 = tpu.dynamic_gather %scan3A_45#9[%gather3A_629] in [0] : vector<16xi32>, vector<16xi32> -> vector<16xi32>
    %gt3A_631 = arith.cmpf ogt, %gather3A_617, %scan3A_45#4 : vector<16xf32>
    %eq3A_632 = arith.cmpf oeq, %gather3A_617, %scan3A_45#4 : vector<16xf32>
    %lt3A_633 = arith.cmpi slt, %gather3A_630, %scan3A_45#9 : vector<16xi32>
    %and3A_634 = arith.andi %eq3A_632, %lt3A_633 : vector<16xi1>
    %or3A_635 = arith.ori %gt3A_631, %and3A_634 : vector<16xi1>
    %select_n3A_636 = arith.select %or3A_635, %gather3A_617, %scan3A_45#4 : vector<16xi1>, vector<16xf32>
    %select_n3A_637 = arith.select %or3A_635, %gather3A_630, %scan3A_45#9 : vector<16xi1>, vector<16xi32>
    %xor3A_638 = arith.constant 2 : i32
    %xor3A_639 = vector.broadcast %xor3A_638 : i32 to vector<16xi32>
    %xor3A_640 = arith.xori %iota3A, %xor3A_639 : vector<16xi32>
    %lt3A_641 = arith.constant 0 : i32
    %lt3A_642 = vector.broadcast %lt3A_641 : i32 to vector<16xi32>
    %lt3A_643 = arith.cmpi slt, %xor3A_640, %lt3A_642 : vector<16xi32>
    %add3A_644 = arith.constant 16 : i32
    %add3A_645 = vector.broadcast %add3A_644 : i32 to vector<16xi32>
    %add3A_646 = arith.addi %xor3A_640, %add3A_645 : vector<16xi32>
    %select_n3A_647 = arith.select %lt3A_643, %add3A_646, %xor3A_640 : vector<16xi1>, vector<16xi32>
    %broadcast_in_dim3A_648 = vector.shape_cast %select_n3A_647 : vector<16xi32> to vector<16x1xi32>
    %gather3A_649 = vector.shape_cast %broadcast_in_dim3A_648 : vector<16x1xi32> to vector<16xi32>
    %gather3A_650 = tpu.dynamic_gather %select_n3A_636[%gather3A_649] in [0] : vector<16xf32>, vector<16xi32> -> vector<16xf32>
    %xor3A_651 = arith.constant 2 : i32
    %xor3A_652 = vector.broadcast %xor3A_651 : i32 to vector<16xi32>
    %xor3A_653 = arith.xori %iota3A, %xor3A_652 : vector<16xi32>
    %lt3A_654 = arith.constant 0 : i32
    %lt3A_655 = vector.broadcast %lt3A_654 : i32 to vector<16xi32>
    %lt3A_656 = arith.cmpi slt, %xor3A_653, %lt3A_655 : vector<16xi32>
    %add3A_657 = arith.constant 16 : i32
    %add3A_658 = vector.broadcast %add3A_657 : i32 to vector<16xi32>
    %add3A_659 = arith.addi %xor3A_653, %add3A_658 : vector<16xi32>
    %select_n3A_660 = arith.select %lt3A_656, %add3A_659, %xor3A_653 : vector<16xi1>, vector<16xi32>
    %broadcast_in_dim3A_661 = vector.shape_cast %select_n3A_660 : vector<16xi32> to vector<16x1xi32>
    %gather3A_662 = vector.shape_cast %broadcast_in_dim3A_661 : vector<16x1xi32> to vector<16xi32>
    %gather3A_663 = tpu.dynamic_gather %select_n3A_637[%gather3A_662] in [0] : vector<16xi32>, vector<16xi32> -> vector<16xi32>
    %gt3A_664 = arith.cmpf ogt, %gather3A_650, %select_n3A_636 : vector<16xf32>
    %eq3A_665 = arith.cmpf oeq, %gather3A_650, %select_n3A_636 : vector<16xf32>
    %lt3A_666 = arith.cmpi slt, %gather3A_663, %select_n3A_637 : vector<16xi32>
    %and3A_667 = arith.andi %eq3A_665, %lt3A_666 : vector<16xi1>
    %or3A_668 = arith.ori %gt3A_664, %and3A_667 : vector<16xi1>
    %select_n3A_669 = arith.select %or3A_668, %gather3A_650, %select_n3A_636 : vector<16xi1>, vector<16xf32>
    %select_n3A_670 = arith.select %or3A_668, %gather3A_663, %select_n3A_637 : vector<16xi1>, vector<16xi32>
    %xor3A_671 = arith.constant 4 : i32
    %xor3A_672 = vector.broadcast %xor3A_671 : i32 to vector<16xi32>
    %xor3A_673 = arith.xori %iota3A, %xor3A_672 : vector<16xi32>
    %lt3A_674 = arith.constant 0 : i32
    %lt3A_675 = vector.broadcast %lt3A_674 : i32 to vector<16xi32>
    %lt3A_676 = arith.cmpi slt, %xor3A_673, %lt3A_675 : vector<16xi32>
    %add3A_677 = arith.constant 16 : i32
    %add3A_678 = vector.broadcast %add3A_677 : i32 to vector<16xi32>
    %add3A_679 = arith.addi %xor3A_673, %add3A_678 : vector<16xi32>
    %select_n3A_680 = arith.select %lt3A_676, %add3A_679, %xor3A_673 : vector<16xi1>, vector<16xi32>
    %broadcast_in_dim3A_681 = vector.shape_cast %select_n3A_680 : vector<16xi32> to vector<16x1xi32>
    %gather3A_682 = vector.shape_cast %broadcast_in_dim3A_681 : vector<16x1xi32> to vector<16xi32>
    %gather3A_683 = tpu.dynamic_gather %select_n3A_669[%gather3A_682] in [0] : vector<16xf32>, vector<16xi32> -> vector<16xf32>
    %xor3A_684 = arith.constant 4 : i32
    %xor3A_685 = vector.broadcast %xor3A_684 : i32 to vector<16xi32>
    %xor3A_686 = arith.xori %iota3A, %xor3A_685 : vector<16xi32>
    %lt3A_687 = arith.constant 0 : i32
    %lt3A_688 = vector.broadcast %lt3A_687 : i32 to vector<16xi32>
    %lt3A_689 = arith.cmpi slt, %xor3A_686, %lt3A_688 : vector<16xi32>
    %add3A_690 = arith.constant 16 : i32
    %add3A_691 = vector.broadcast %add3A_690 : i32 to vector<16xi32>
    %add3A_692 = arith.addi %xor3A_686, %add3A_691 : vector<16xi32>
    %select_n3A_693 = arith.select %lt3A_689, %add3A_692, %xor3A_686 : vector<16xi1>, vector<16xi32>
    %broadcast_in_dim3A_694 = vector.shape_cast %select_n3A_693 : vector<16xi32> to vector<16x1xi32>
    %gather3A_695 = vector.shape_cast %broadcast_in_dim3A_694 : vector<16x1xi32> to vector<16xi32>
    %gather3A_696 = tpu.dynamic_gather %select_n3A_670[%gather3A_695] in [0] : vector<16xi32>, vector<16xi32> -> vector<16xi32>
    %gt3A_697 = arith.cmpf ogt, %gather3A_683, %select_n3A_669 : vector<16xf32>
    %eq3A_698 = arith.cmpf oeq, %gather3A_683, %select_n3A_669 : vector<16xf32>
    %lt3A_699 = arith.cmpi slt, %gather3A_696, %select_n3A_670 : vector<16xi32>
    %and3A_700 = arith.andi %eq3A_698, %lt3A_699 : vector<16xi1>
    %or3A_701 = arith.ori %gt3A_697, %and3A_700 : vector<16xi1>
    %select_n3A_702 = arith.select %or3A_701, %gather3A_683, %select_n3A_669 : vector<16xi1>, vector<16xf32>
    %select_n3A_703 = arith.select %or3A_701, %gather3A_696, %select_n3A_670 : vector<16xi1>, vector<16xi32>
    %xor3A_704 = arith.constant 8 : i32
    %xor3A_705 = vector.broadcast %xor3A_704 : i32 to vector<16xi32>
    %xor3A_706 = arith.xori %iota3A, %xor3A_705 : vector<16xi32>
    %lt3A_707 = arith.constant 0 : i32
    %lt3A_708 = vector.broadcast %lt3A_707 : i32 to vector<16xi32>
    %lt3A_709 = arith.cmpi slt, %xor3A_706, %lt3A_708 : vector<16xi32>
    %add3A_710 = arith.constant 16 : i32
    %add3A_711 = vector.broadcast %add3A_710 : i32 to vector<16xi32>
    %add3A_712 = arith.addi %xor3A_706, %add3A_711 : vector<16xi32>
    %select_n3A_713 = arith.select %lt3A_709, %add3A_712, %xor3A_706 : vector<16xi1>, vector<16xi32>
    %broadcast_in_dim3A_714 = vector.shape_cast %select_n3A_713 : vector<16xi32> to vector<16x1xi32>
    %gather3A_715 = vector.shape_cast %broadcast_in_dim3A_714 : vector<16x1xi32> to vector<16xi32>
    %gather3A_716 = tpu.dynamic_gather %select_n3A_702[%gather3A_715] in [0] : vector<16xf32>, vector<16xi32> -> vector<16xf32>
    %xor3A_717 = arith.constant 8 : i32
    %xor3A_718 = vector.broadcast %xor3A_717 : i32 to vector<16xi32>
    %xor3A_719 = arith.xori %iota3A, %xor3A_718 : vector<16xi32>
    %lt3A_720 = arith.constant 0 : i32
    %lt3A_721 = vector.broadcast %lt3A_720 : i32 to vector<16xi32>
    %lt3A_722 = arith.cmpi slt, %xor3A_719, %lt3A_721 : vector<16xi32>
    %add3A_723 = arith.constant 16 : i32
    %add3A_724 = vector.broadcast %add3A_723 : i32 to vector<16xi32>
    %add3A_725 = arith.addi %xor3A_719, %add3A_724 : vector<16xi32>
    %select_n3A_726 = arith.select %lt3A_722, %add3A_725, %xor3A_719 : vector<16xi1>, vector<16xi32>
    %broadcast_in_dim3A_727 = vector.shape_cast %select_n3A_726 : vector<16xi32> to vector<16x1xi32>
    %gather3A_728 = vector.shape_cast %broadcast_in_dim3A_727 : vector<16x1xi32> to vector<16xi32>
    %gather3A_729 = tpu.dynamic_gather %select_n3A_703[%gather3A_728] in [0] : vector<16xi32>, vector<16xi32> -> vector<16xi32>
    %gt3A_730 = arith.cmpf ogt, %gather3A_716, %select_n3A_702 : vector<16xf32>
    %eq3A_731 = arith.cmpf oeq, %gather3A_716, %select_n3A_702 : vector<16xf32>
    %lt3A_732 = arith.cmpi slt, %gather3A_729, %select_n3A_703 : vector<16xi32>
    %and3A_733 = arith.andi %eq3A_731, %lt3A_732 : vector<16xi1>
    %or3A_734 = arith.ori %gt3A_730, %and3A_733 : vector<16xi1>
    %select_n3A_735 = arith.select %or3A_734, %gather3A_716, %select_n3A_702 : vector<16xi1>, vector<16xf32>
    %select_n3A_736 = arith.select %or3A_734, %gather3A_729, %select_n3A_703 : vector<16xi1>, vector<16xi32>
    %eq3A_737 = arith.constant 4 : i32
    %eq3A_738 = vector.broadcast %eq3A_737 : i32 to vector<16xi32>
    %eq3A_739 = arith.cmpi eq, %iota3A, %eq3A_738 : vector<16xi32>
    %select_n3A_740 = arith.select %eq3A_739, %select_n3A_735, %select_n3A_600 : vector<16xi1>, vector<16xf32>
    %eq3A_741 = arith.constant 4 : i32
    %eq3A_742 = vector.broadcast %eq3A_741 : i32 to vector<16xi32>
    %eq3A_743 = arith.cmpi eq, %iota3A, %eq3A_742 : vector<16xi32>
    %select_n3A_744 = arith.select %eq3A_743, %select_n3A_736, %select_n3A_604 : vector<16xi1>, vector<16xi32>
    %swap3A = arith.constant 0 : index
    %swap3A_745 = tpu.vector_load %arg10[%swap3A] {strides = array<i32>} : memref<4416xf32, #tpu.memory_space<vmem>>, vector<16xf32>,
    %swap3A_746 = vector.shape_cast %swap3A_745 : vector<16xf32> to vector<16xf32>
    %swap3A_747 = vector.shape_cast %select_n3A_740 : vector<16xf32> to vector<16xf32>
    tpu.vector_store %arg10[%swap3A], %swap3A_747 {strides = array<i32>} : memref<4416xf32, #tpu.memory_space<vmem>>, vector<16xf32>,
    %swap3A_748 = arith.constant 0 : index
    %swap3A_749 = tpu.vector_load %arg11[%swap3A_748] {strides = array<i32>} : memref<4416xi32, #tpu.memory_space<vmem>>, vector<16xi32>,
    %swap3A_750 = vector.shape_cast %swap3A_749 : vector<16xi32> to vector<16xi32>
    %swap3A_751 = vector.shape_cast %select_n3A_744 : vector<16xi32> to vector<16xi32>
    tpu.vector_store %arg11[%swap3A_748], %swap3A_751 {strides = array<i32>} : memref<4416xi32, #tpu.memory_space<vmem>>, vector<16xi32>,
    %mul3A_752 = arith.constant 16 : i32
    %mul3A_753 = arith.muli %arg1, %mul3A_752 : i32
    "tpu.region"() ({
      %run_scoped3A = tpu.sem_alloc : memref<!tpu.dma_semaphore, #tpu.memory_space<semaphore_mem>>
      %dma_start3A = arith.constant 0 : i32
      %dma_start3A_865 = tpu.memref_slice %arg10[%dma_start3A] : memref<4416xf32, #tpu.memory_space<vmem>> -> memref<16xf32, #tpu.memory_space<vmem>>
      %dma_start3A_866 = tpu.memref_slice %arg12[%mul3A_753] : memref<256xf32, #tpu.memory_space<vmem_shared>> -> memref<16xf32, #tpu.memory_space<vmem_shared>>
      %dma_start3A_867 = tpu.memref_slice %arg12[%mul3A_753] : memref<256xf32, #tpu.memory_space<vmem_shared>> -> memref<16xf32, #tpu.memory_space<vmem_shared>>
      %dma_start3A_868 = arith.constant 0 : i32
      %dma_start3A_869 = tpu.memref_slice %arg10[%dma_start3A_868] : memref<4416xf32, #tpu.memory_space<vmem>> -> memref<16xf32, #tpu.memory_space<vmem>>
      tpu.enqueue_dma source(%dma_start3A_869 : memref<16xf32, #tpu.memory_space<vmem>>) target(%dma_start3A_867 : memref<16xf32, #tpu.memory_space<vmem_shared>>) target_semaphore(%run_scoped3A : memref<!tpu.dma_semaphore, #tpu.memory_space<semaphore_mem>>)
      %dma_wait3A = arith.constant 0 : i32
      %dma_wait3A_870 = tpu.memref_slice %arg10[%dma_wait3A] : memref<4416xf32, #tpu.memory_space<vmem>> -> memref<16xf32, #tpu.memory_space<vmem>>
      %dma_wait3A_871 = tpu.memref_slice %arg12[%mul3A_753] : memref<256xf32, #tpu.memory_space<vmem_shared>> -> memref<16xf32, #tpu.memory_space<vmem_shared>>
      %dma_wait3A_872 = tpu.memref_slice %arg12[%mul3A_753] : memref<256xf32, #tpu.memory_space<vmem_shared>> -> memref<16xf32, #tpu.memory_space<vmem_shared>>
      %dma_wait3A_873 = arith.constant 0 : i32
      %dma_wait3A_874 = tpu.memref_slice %arg10[%dma_wait3A_873] : memref<4416xf32, #tpu.memory_space<vmem>> -> memref<16xf32, #tpu.memory_space<vmem>>
      tpu.wait_dma2 semaphore(%run_scoped3A : memref<!tpu.dma_semaphore, #tpu.memory_space<semaphore_mem>>) src(%dma_wait3A_874 : memref<16xf32, #tpu.memory_space<vmem>>) dst(%dma_wait3A_872 : memref<16xf32, #tpu.memory_space<vmem_shared>>)
      tpu.yield
    }) : () -> ()
    %mul3A_754 = arith.constant 16 : i32
    %mul3A_755 = arith.muli %arg1, %mul3A_754 : i32
    "tpu.region"() ({
      %run_scoped3A = tpu.sem_alloc : memref<!tpu.dma_semaphore, #tpu.memory_space<semaphore_mem>>
      %dma_start3A = arith.constant 0 : i32
      %dma_start3A_865 = tpu.memref_slice %arg11[%dma_start3A] : memref<4416xi32, #tpu.memory_space<vmem>> -> memref<16xi32, #tpu.memory_space<vmem>>
      %dma_start3A_866 = tpu.memref_slice %arg13[%mul3A_755] : memref<256xi32, #tpu.memory_space<vmem_shared>> -> memref<16xi32, #tpu.memory_space<vmem_shared>>
      %dma_start3A_867 = tpu.memref_slice %arg13[%mul3A_755] : memref<256xi32, #tpu.memory_space<vmem_shared>> -> memref<16xi32, #tpu.memory_space<vmem_shared>>
      %dma_start3A_868 = arith.constant 0 : i32
      %dma_start3A_869 = tpu.memref_slice %arg11[%dma_start3A_868] : memref<4416xi32, #tpu.memory_space<vmem>> -> memref<16xi32, #tpu.memory_space<vmem>>
      tpu.enqueue_dma source(%dma_start3A_869 : memref<16xi32, #tpu.memory_space<vmem>>) target(%dma_start3A_867 : memref<16xi32, #tpu.memory_space<vmem_shared>>) target_semaphore(%run_scoped3A : memref<!tpu.dma_semaphore, #tpu.memory_space<semaphore_mem>>)
      %dma_wait3A = arith.constant 0 : i32
      %dma_wait3A_870 = tpu.memref_slice %arg11[%dma_wait3A] : memref<4416xi32, #tpu.memory_space<vmem>> -> memref<16xi32, #tpu.memory_space<vmem>>
      %dma_wait3A_871 = tpu.memref_slice %arg13[%mul3A_755] : memref<256xi32, #tpu.memory_space<vmem_shared>> -> memref<16xi32, #tpu.memory_space<vmem_shared>>
      %dma_wait3A_872 = tpu.memref_slice %arg13[%mul3A_755] : memref<256xi32, #tpu.memory_space<vmem_shared>> -> memref<16xi32, #tpu.memory_space<vmem_shared>>
      %dma_wait3A_873 = arith.constant 0 : i32
      %dma_wait3A_874 = tpu.memref_slice %arg11[%dma_wait3A_873] : memref<4416xi32, #tpu.memory_space<vmem>> -> memref<16xi32, #tpu.memory_space<vmem>>
      tpu.wait_dma2 semaphore(%run_scoped3A : memref<!tpu.dma_semaphore, #tpu.memory_space<semaphore_mem>>) src(%dma_wait3A_874 : memref<16xi32, #tpu.memory_space<vmem>>) dst(%dma_wait3A_872 : memref<16xi32, #tpu.memory_space<vmem_shared>>)
      tpu.yield
    }) : () -> ()
    %barrier3A = arith.constant 0 : index
    tpu.barrier barrier_id(%barrier3A)
    %eq3A_756 = arith.constant 0 : i32
    %eq3A_757 = arith.cmpi eq, %select_n3A_30, %eq3A_756 : i32
    %add3A_758 = arith.constant 1 : i32
    %add3A_759 = arith.addi %arg1, %add3A_758 : i32
    %sub3A_760 = arith.constant 1 : i32
    %sub3A_761 = arith.subi %arg1, %sub3A_760 : i32
    %select_n3A_762 = arith.select %eq3A_757, %add3A_759, %sub3A_761 : i32
    %mul3A_763 = arith.constant 16 : i32
    %mul3A_764 = arith.muli %select_n3A_762, %mul3A_763 : i32
    "tpu.region"() ({
      %run_scoped3A = tpu.sem_alloc : memref<!tpu.dma_semaphore, #tpu.memory_space<semaphore_mem>>
      %dma_start3A = arith.constant 0 : i32
      %dma_start3A_865 = tpu.memref_slice %arg10[%dma_start3A] : memref<4416xf32, #tpu.memory_space<vmem>> -> memref<16xf32, #tpu.memory_space<vmem>>
      %dma_start3A_866 = tpu.memref_slice %arg12[%mul3A_764] : memref<256xf32, #tpu.memory_space<vmem_shared>> -> memref<16xf32, #tpu.memory_space<vmem_shared>>
      %dma_start3A_867 = arith.constant 0 : i32
      %dma_start3A_868 = tpu.memref_slice %arg10[%dma_start3A_867] : memref<4416xf32, #tpu.memory_space<vmem>> -> memref<16xf32, #tpu.memory_space<vmem>>
      %dma_start3A_869 = tpu.memref_slice %arg12[%mul3A_764] : memref<256xf32, #tpu.memory_space<vmem_shared>> -> memref<16xf32, #tpu.memory_space<vmem_shared>>
      tpu.enqueue_dma source(%dma_start3A_869 : memref<16xf32, #tpu.memory_space<vmem_shared>>) target(%dma_start3A_868 : memref<16xf32, #tpu.memory_space<vmem>>) target_semaphore(%run_scoped3A : memref<!tpu.dma_semaphore, #tpu.memory_space<semaphore_mem>>)
      %dma_wait3A = arith.constant 0 : i32
      %dma_wait3A_870 = tpu.memref_slice %arg10[%dma_wait3A] : memref<4416xf32, #tpu.memory_space<vmem>> -> memref<16xf32, #tpu.memory_space<vmem>>
      %dma_wait3A_871 = tpu.memref_slice %arg12[%mul3A_764] : memref<256xf32, #tpu.memory_space<vmem_shared>> -> memref<16xf32, #tpu.memory_space<vmem_shared>>
      %dma_wait3A_872 = arith.constant 0 : i32
      %dma_wait3A_873 = tpu.memref_slice %arg10[%dma_wait3A_872] : memref<4416xf32, #tpu.memory_space<vmem>> -> memref<16xf32, #tpu.memory_space<vmem>>
      %dma_wait3A_874 = tpu.memref_slice %arg12[%mul3A_764] : memref<256xf32, #tpu.memory_space<vmem_shared>> -> memref<16xf32, #tpu.memory_space<vmem_shared>>
      tpu.wait_dma2 semaphore(%run_scoped3A : memref<!tpu.dma_semaphore, #tpu.memory_space<semaphore_mem>>) src(%dma_wait3A_874 : memref<16xf32, #tpu.memory_space<vmem_shared>>) dst(%dma_wait3A_873 : memref<16xf32, #tpu.memory_space<vmem>>)
      tpu.yield
    }) : () -> ()
    %mul3A_765 = arith.constant 16 : i32
    %mul3A_766 = arith.muli %select_n3A_762, %mul3A_765 : i32
    "tpu.region"() ({
      %run_scoped3A = tpu.sem_alloc : memref<!tpu.dma_semaphore, #tpu.memory_space<semaphore_mem>>
      %dma_start3A = arith.constant 0 : i32
      %dma_start3A_865 = tpu.memref_slice %arg11[%dma_start3A] : memref<4416xi32, #tpu.memory_space<vmem>> -> memref<16xi32, #tpu.memory_space<vmem>>
      %dma_start3A_866 = tpu.memref_slice %arg13[%mul3A_766] : memref<256xi32, #tpu.memory_space<vmem_shared>> -> memref<16xi32, #tpu.memory_space<vmem_shared>>
      %dma_start3A_867 = arith.constant 0 : i32
      %dma_start3A_868 = tpu.memref_slice %arg11[%dma_start3A_867] : memref<4416xi32, #tpu.memory_space<vmem>> -> memref<16xi32, #tpu.memory_space<vmem>>
      %dma_start3A_869 = tpu.memref_slice %arg13[%mul3A_766] : memref<256xi32, #tpu.memory_space<vmem_shared>> -> memref<16xi32, #tpu.memory_space<vmem_shared>>
      tpu.enqueue_dma source(%dma_start3A_869 : memref<16xi32, #tpu.memory_space<vmem_shared>>) target(%dma_start3A_868 : memref<16xi32, #tpu.memory_space<vmem>>) target_semaphore(%run_scoped3A : memref<!tpu.dma_semaphore, #tpu.memory_space<semaphore_mem>>)
      %dma_wait3A = arith.constant 0 : i32
      %dma_wait3A_870 = tpu.memref_slice %arg11[%dma_wait3A] : memref<4416xi32, #tpu.memory_space<vmem>> -> memref<16xi32, #tpu.memory_space<vmem>>
      %dma_wait3A_871 = tpu.memref_slice %arg13[%mul3A_766] : memref<256xi32, #tpu.memory_space<vmem_shared>> -> memref<16xi32, #tpu.memory_space<vmem_shared>>
      %dma_wait3A_872 = arith.constant 0 : i32
      %dma_wait3A_873 = tpu.memref_slice %arg11[%dma_wait3A_872] : memref<4416xi32, #tpu.memory_space<vmem>> -> memref<16xi32, #tpu.memory_space<vmem>>
      %dma_wait3A_874 = tpu.memref_slice %arg13[%mul3A_766] : memref<256xi32, #tpu.memory_space<vmem_shared>> -> memref<16xi32, #tpu.memory_space<vmem_shared>>
      tpu.wait_dma2 semaphore(%run_scoped3A : memref<!tpu.dma_semaphore, #tpu.memory_space<semaphore_mem>>) src(%dma_wait3A_874 : memref<16xi32, #tpu.memory_space<vmem_shared>>) dst(%dma_wait3A_873 : memref<16xi32, #tpu.memory_space<vmem>>)
      tpu.yield
    }) : () -> ()
    %get3A = arith.constant 0 : index
    %get3A_767 = tpu.vector_load %arg10[%get3A] {strides = array<i32>} : memref<4416xf32, #tpu.memory_space<vmem>>, vector<16xf32>,
    %get3A_768 = vector.shape_cast %get3A_767 : vector<16xf32> to vector<16xf32>
    %get3A_769 = arith.constant 0 : index
    %get3A_770 = tpu.vector_load %arg11[%get3A_769] {strides = array<i32>} : memref<4416xi32, #tpu.memory_space<vmem>>, vector<16xi32>,
    %get3A_771 = vector.shape_cast %get3A_770 : vector<16xi32> to vector<16xi32>
    %gt3A_772 = arith.cmpf ogt, %get3A_768, %select_n3A_740 : vector<16xf32>
    %eq3A_773 = arith.cmpf oeq, %get3A_768, %select_n3A_740 : vector<16xf32>
    %lt3A_774 = arith.cmpi slt, %get3A_771, %select_n3A_744 : vector<16xi32>
    %and3A_775 = arith.andi %eq3A_773, %lt3A_774 : vector<16xi1>
    %or3A_776 = arith.ori %gt3A_772, %and3A_775 : vector<16xi1>
    %select_n3A_777 = arith.select %or3A_776, %get3A_771, %select_n3A_744 : vector<16xi1>, vector<16xi32>
    %broadcast_in_dim3A_778 = arith.constant 0 : i32
    %broadcast_in_dim3A_779 = vector.broadcast %broadcast_in_dim3A_778 : i32 to vector<16xi32>
    %lt3A_780 = arith.constant 0 : i32
    %lt3A_781 = vector.broadcast %lt3A_780 : i32 to vector<16xi32>
    %lt3A_782 = arith.cmpi slt, %broadcast_in_dim3A_779, %lt3A_781 : vector<16xi32>
    %add3A_783 = arith.constant 16 : i32
    %add3A_784 = vector.broadcast %add3A_783 : i32 to vector<16xi32>
    %add3A_785 = arith.addi %broadcast_in_dim3A_779, %add3A_784 : vector<16xi32>
    %select_n3A_786 = arith.select %lt3A_782, %add3A_785, %broadcast_in_dim3A_779 : vector<16xi1>, vector<16xi32>
    %broadcast_in_dim3A_787 = vector.shape_cast %select_n3A_786 : vector<16xi32> to vector<16x1xi32>
    %gather3A_788 = vector.shape_cast %broadcast_in_dim3A_787 : vector<16x1xi32> to vector<16xi32>
    %gather3A_789 = tpu.dynamic_gather %select_n3A_777[%gather3A_788] in [0] : vector<16xi32>, vector<16xi32> -> vector<16xi32>
    %broadcast_in_dim3A_790 = arith.constant 1 : i32
    %broadcast_in_dim3A_791 = vector.broadcast %broadcast_in_dim3A_790 : i32 to vector<16xi32>
    %lt3A_792 = arith.constant 0 : i32
    %lt3A_793 = vector.broadcast %lt3A_792 : i32 to vector<16xi32>
    %lt3A_794 = arith.cmpi slt, %broadcast_in_dim3A_791, %lt3A_793 : vector<16xi32>
    %add3A_795 = arith.constant 16 : i32
    %add3A_796 = vector.broadcast %add3A_795 : i32 to vector<16xi32>
    %add3A_797 = arith.addi %broadcast_in_dim3A_791, %add3A_796 : vector<16xi32>
    %select_n3A_798 = arith.select %lt3A_794, %add3A_797, %broadcast_in_dim3A_791 : vector<16xi1>, vector<16xi32>
    %broadcast_in_dim3A_799 = vector.shape_cast %select_n3A_798 : vector<16xi32> to vector<16x1xi32>
    %gather3A_800 = vector.shape_cast %broadcast_in_dim3A_799 : vector<16x1xi32> to vector<16xi32>
    %gather3A_801 = tpu.dynamic_gather %select_n3A_777[%gather3A_800] in [0] : vector<16xi32>, vector<16xi32> -> vector<16xi32>
    %broadcast_in_dim3A_802 = arith.constant 2 : i32
    %broadcast_in_dim3A_803 = vector.broadcast %broadcast_in_dim3A_802 : i32 to vector<16xi32>
    %lt3A_804 = arith.constant 0 : i32
    %lt3A_805 = vector.broadcast %lt3A_804 : i32 to vector<16xi32>
    %lt3A_806 = arith.cmpi slt, %broadcast_in_dim3A_803, %lt3A_805 : vector<16xi32>
    %add3A_807 = arith.constant 16 : i32
    %add3A_808 = vector.broadcast %add3A_807 : i32 to vector<16xi32>
    %add3A_809 = arith.addi %broadcast_in_dim3A_803, %add3A_808 : vector<16xi32>
    %select_n3A_810 = arith.select %lt3A_806, %add3A_809, %broadcast_in_dim3A_803 : vector<16xi1>, vector<16xi32>
    %broadcast_in_dim3A_811 = vector.shape_cast %select_n3A_810 : vector<16xi32> to vector<16x1xi32>
    %gather3A_812 = vector.shape_cast %broadcast_in_dim3A_811 : vector<16x1xi32> to vector<16xi32>
    %gather3A_813 = tpu.dynamic_gather %select_n3A_777[%gather3A_812] in [0] : vector<16xi32>, vector<16xi32> -> vector<16xi32>
    %broadcast_in_dim3A_814 = arith.constant 3 : i32
    %broadcast_in_dim3A_815 = vector.broadcast %broadcast_in_dim3A_814 : i32 to vector<16xi32>
    %lt3A_816 = arith.constant 0 : i32
    %lt3A_817 = vector.broadcast %lt3A_816 : i32 to vector<16xi32>
    %lt3A_818 = arith.cmpi slt, %broadcast_in_dim3A_815, %lt3A_817 : vector<16xi32>
    %add3A_819 = arith.constant 16 : i32
    %add3A_820 = vector.broadcast %add3A_819 : i32 to vector<16xi32>
    %add3A_821 = arith.addi %broadcast_in_dim3A_815, %add3A_820 : vector<16xi32>
    %select_n3A_822 = arith.select %lt3A_818, %add3A_821, %broadcast_in_dim3A_815 : vector<16xi1>, vector<16xi32>
    %broadcast_in_dim3A_823 = vector.shape_cast %select_n3A_822 : vector<16xi32> to vector<16x1xi32>
    %gather3A_824 = vector.shape_cast %broadcast_in_dim3A_823 : vector<16x1xi32> to vector<16xi32>
    %gather3A_825 = tpu.dynamic_gather %select_n3A_777[%gather3A_824] in [0] : vector<16xi32>, vector<16xi32> -> vector<16xi32>
    %broadcast_in_dim3A_826 = arith.constant 4 : i32
    %broadcast_in_dim3A_827 = vector.broadcast %broadcast_in_dim3A_826 : i32 to vector<16xi32>
    %lt3A_828 = arith.constant 0 : i32
    %lt3A_829 = vector.broadcast %lt3A_828 : i32 to vector<16xi32>
    %lt3A_830 = arith.cmpi slt, %broadcast_in_dim3A_827, %lt3A_829 : vector<16xi32>
    %add3A_831 = arith.constant 16 : i32
    %add3A_832 = vector.broadcast %add3A_831 : i32 to vector<16xi32>
    %add3A_833 = arith.addi %broadcast_in_dim3A_827, %add3A_832 : vector<16xi32>
    %select_n3A_834 = arith.select %lt3A_830, %add3A_833, %broadcast_in_dim3A_827 : vector<16xi1>, vector<16xi32>
    %broadcast_in_dim3A_835 = vector.shape_cast %select_n3A_834 : vector<16xi32> to vector<16x1xi32>
    %gather3A_836 = vector.shape_cast %broadcast_in_dim3A_835 : vector<16x1xi32> to vector<16xi32>
    %gather3A_837 = tpu.dynamic_gather %select_n3A_777[%gather3A_836] in [0] : vector<16xi32>, vector<16xi32> -> vector<16xi32>
    %get3A_838 = arith.constant 64 : index
    %get3A_839 = tpu.vector_load %arg7[%get3A_838] {strides = array<i32>} : memref<400xf32, #tpu.memory_space<vmem>>, vector<16xf32>,
    %get3A_840 = vector.shape_cast %get3A_839 : vector<16xf32> to vector<16xf32>
    %get3A_841 = arith.constant 144 : index
    %get3A_842 = tpu.vector_load %arg7[%get3A_841] {strides = array<i32>} : memref<400xf32, #tpu.memory_space<vmem>>, vector<16xf32>,
    %get3A_843 = vector.shape_cast %get3A_842 : vector<16xf32> to vector<16xf32>
    %get3A_844 = arith.constant 224 : index
    %get3A_845 = tpu.vector_load %arg7[%get3A_844] {strides = array<i32>} : memref<400xf32, #tpu.memory_space<vmem>>, vector<16xf32>,
    %get3A_846 = vector.shape_cast %get3A_845 : vector<16xf32> to vector<16xf32>
    %get3A_847 = arith.constant 304 : index
    %get3A_848 = tpu.vector_load %arg7[%get3A_847] {strides = array<i32>} : memref<400xf32, #tpu.memory_space<vmem>>, vector<16xf32>,
    %get3A_849 = vector.shape_cast %get3A_848 : vector<16xf32> to vector<16xf32>
    %get3A_850 = arith.constant 384 : index
    %get3A_851 = tpu.vector_load %arg7[%get3A_850] {strides = array<i32>} : memref<400xf32, #tpu.memory_space<vmem>>, vector<16xf32>,
    %get3A_852 = vector.shape_cast %get3A_851 : vector<16xf32> to vector<16xf32>
    %scan3A_853 = arith.constant 0 : i32
    %scan3A_854 = arith.constant 0 : i32
    %scan3A_855 = arith.constant 276 : i32
    %scan3A_856 = arith.addi %scan3A_854, %scan3A_855 : i32
    %scan3A_857 = arith.constant 1 : i32
    scf.for %scan3A_865 = %scan3A_854 to %scan3A_856 step %scan3A_857  : i32 {
      %mul3A_866 = arith.constant 16 : i32
      %mul3A_867 = arith.muli %scan3A_865, %mul3A_866 : i32
      %get3A_868 = arith.index_cast %mul3A_867 : i32 to index
      %get3A_869 = tpu.vector_load %arg8[%get3A_868] {strides = array<i32>} : memref<4416xf32, #tpu.memory_space<vmem>>, vector<16xf32>,
      %get3A_870 = vector.shape_cast %get3A_869 : vector<16xf32> to vector<16xf32>
      %get3A_871 = arith.index_cast %mul3A_867 : i32 to index
      %get3A_872 = tpu.vector_load %arg9[%get3A_871] {strides = array<i32>} : memref<4416xi32, #tpu.memory_space<vmem>>, vector<16xi32>,
      %get3A_873 = vector.shape_cast %get3A_872 : vector<16xi32> to vector<16xi32>
      %add3A_874 = arith.addi %mul3A_32, %mul3A_867 : i32
      %add3A_875 = vector.broadcast %add3A_874 : i32 to vector<16xi32>
      %add3A_876 = arith.addi %add3A_875, %iota3A : vector<16xi32>
      %eq3A_877 = arith.cmpi eq, %add3A_876, %gather3A_789 : vector<16xi32>
      %jit3A_878 = arith.constant 0 : i32
      %broadcast_in_dim3A_879 = vector.broadcast %jit3A_878 : i32 to vector<16xi32>
      %select_n3A_880 = arith.select %eq3A_877, %broadcast_in_dim3A_879, %get3A_873 : vector<16xi1>, vector<16xi32>
      %jit3A_881 = arith.constant 2.000000e+00 : f32
      %broadcast_in_dim3A_882 = vector.broadcast %jit3A_881 : f32 to vector<16xf32>
      %select_n3A_883 = arith.select %eq3A_877, %broadcast_in_dim3A_882, %get3A_870 : vector<16xi1>, vector<16xf32>
      %eq3A_884 = arith.cmpi eq, %add3A_876, %gather3A_801 : vector<16xi32>
      %jit3A_885 = arith.constant 1 : i32
      %broadcast_in_dim3A_886 = vector.broadcast %jit3A_885 : i32 to vector<16xi32>
      %select_n3A_887 = arith.select %eq3A_884, %broadcast_in_dim3A_886, %select_n3A_880 : vector<16xi1>, vector<16xi32>
      %jit3A_888 = arith.constant 2.000000e+00 : f32
      %broadcast_in_dim3A_889 = vector.broadcast %jit3A_888 : f32 to vector<16xf32>
      %select_n3A_890 = arith.select %eq3A_884, %broadcast_in_dim3A_889, %select_n3A_883 : vector<16xi1>, vector<16xf32>
      %eq3A_891 = arith.cmpi eq, %add3A_876, %gather3A_813 : vector<16xi32>
      %jit3A_892 = arith.constant 2 : i32
      %broadcast_in_dim3A_893 = vector.broadcast %jit3A_892 : i32 to vector<16xi32>
      %select_n3A_894 = arith.select %eq3A_891, %broadcast_in_dim3A_893, %select_n3A_887 : vector<16xi1>, vector<16xi32>
      %jit3A_895 = arith.constant 2.000000e+00 : f32
      %broadcast_in_dim3A_896 = vector.broadcast %jit3A_895 : f32 to vector<16xf32>
      %select_n3A_897 = arith.select %eq3A_891, %broadcast_in_dim3A_896, %select_n3A_890 : vector<16xi1>, vector<16xf32>
      %eq3A_898 = arith.cmpi eq, %add3A_876, %gather3A_825 : vector<16xi32>
      %jit3A_899 = arith.constant 3 : i32
      %broadcast_in_dim3A_900 = vector.broadcast %jit3A_899 : i32 to vector<16xi32>
      %select_n3A_901 = arith.select %eq3A_898, %broadcast_in_dim3A_900, %select_n3A_894 : vector<16xi1>, vector<16xi32>
      %jit3A_902 = arith.constant 2.000000e+00 : f32
      %broadcast_in_dim3A_903 = vector.broadcast %jit3A_902 : f32 to vector<16xf32>
      %select_n3A_904 = arith.select %eq3A_898, %broadcast_in_dim3A_903, %select_n3A_897 : vector<16xi1>, vector<16xf32>
      %eq3A_905 = arith.cmpi eq, %add3A_876, %gather3A_837 : vector<16xi32>
      %jit3A_906 = arith.constant 4 : i32
      %broadcast_in_dim3A_907 = vector.broadcast %jit3A_906 : i32 to vector<16xi32>
      %select_n3A_908 = arith.select %eq3A_905, %broadcast_in_dim3A_907, %select_n3A_901 : vector<16xi1>, vector<16xi32>
      %jit3A_909 = arith.constant 2.000000e+00 : f32
      %broadcast_in_dim3A_910 = vector.broadcast %jit3A_909 : f32 to vector<16xf32>
      %select_n3A_911 = arith.select %eq3A_905, %broadcast_in_dim3A_910, %select_n3A_904 : vector<16xi1>, vector<16xf32>
      %broadcast_in_dim3A_912 = arith.constant 0.000000e+00 : f32
      %broadcast_in_dim3A_913 = vector.broadcast %broadcast_in_dim3A_912 : f32 to vector<16xf32>
      %eq3A_914 = arith.constant 0 : i32
      %eq3A_915 = vector.broadcast %eq3A_914 : i32 to vector<16xi32>
      %eq3A_916 = arith.cmpi eq, %select_n3A_908, %eq3A_915 : vector<16xi32>
      %select_n3A_917 = arith.select %eq3A_916, %get3A_840, %broadcast_in_dim3A_913 : vector<16xi1>, vector<16xf32>
      %eq3A_918 = arith.constant 1 : i32
      %eq3A_919 = vector.broadcast %eq3A_918 : i32 to vector<16xi32>
      %eq3A_920 = arith.cmpi eq, %select_n3A_908, %eq3A_919 : vector<16xi32>
      %select_n3A_921 = arith.select %eq3A_920, %get3A_843, %select_n3A_917 : vector<16xi1>, vector<16xf32>
      %eq3A_922 = arith.constant 2 : i32
      %eq3A_923 = vector.broadcast %eq3A_922 : i32 to vector<16xi32>
      %eq3A_924 = arith.cmpi eq, %select_n3A_908, %eq3A_923 : vector<16xi32>
      %select_n3A_925 = arith.select %eq3A_924, %get3A_846, %select_n3A_921 : vector<16xi1>, vector<16xf32>
      %eq3A_926 = arith.constant 3 : i32
      %eq3A_927 = vector.broadcast %eq3A_926 : i32 to vector<16xi32>
      %eq3A_928 = arith.cmpi eq, %select_n3A_908, %eq3A_927 : vector<16xi32>
      %select_n3A_929 = arith.select %eq3A_928, %get3A_849, %select_n3A_925 : vector<16xi1>, vector<16xf32>
      %eq3A_930 = arith.constant 4 : i32
      %eq3A_931 = vector.broadcast %eq3A_930 : i32 to vector<16xi32>
      %eq3A_932 = arith.cmpi eq, %select_n3A_908, %eq3A_931 : vector<16xi32>
      %select_n3A_933 = arith.select %eq3A_932, %get3A_852, %select_n3A_929 : vector<16xi1>, vector<16xf32>
      %lt3A_934 = arith.constant 5.000000e-01 : f32
      %lt3A_935 = vector.broadcast %lt3A_934 : f32 to vector<16xf32>
      %lt3A_936 = arith.cmpf olt, %select_n3A_911, %lt3A_935 : vector<16xf32>
      %ge3A = arith.constant 8732 : i32
      %ge3A_937 = vector.broadcast %ge3A : i32 to vector<16xi32>
      %ge3A_938 = arith.cmpi sge, %add3A_876, %ge3A_937 : vector<16xi32>
      %or3A_939 = arith.ori %lt3A_936, %ge3A_938 : vector<16xi1>
      %add3A_940 = arith.constant 1.000000e+00 : f32
      %add3A_941 = vector.broadcast %add3A_940 : f32 to vector<16xf32>
      %add3A_942 = arith.addf %select_n3A_933, %add3A_941 : vector<16xf32>
      %jit3A_943 = arith.constant 0.000000e+00 : f32
      %broadcast_in_dim3A_944 = vector.broadcast %jit3A_943 : f32 to vector<16xf32>
      %select_n3A_945 = arith.select %or3A_939, %broadcast_in_dim3A_944, %add3A_942 : vector<16xi1>, vector<16xf32>
      %swap3A_946 = arith.index_cast %mul3A_867 : i32 to index
      %swap3A_947 = tpu.vector_load %arg10[%swap3A_946] {strides = array<i32>} : memref<4416xf32, #tpu.memory_space<vmem>>, vector<16xf32>,
      %swap3A_948 = vector.shape_cast %swap3A_947 : vector<16xf32> to vector<16xf32>
      %swap3A_949 = vector.shape_cast %select_n3A_945 : vector<16xf32> to vector<16xf32>
      tpu.vector_store %arg10[%swap3A_946], %swap3A_949 {strides = array<i32>} : memref<4416xf32, #tpu.memory_space<vmem>>, vector<16xf32>,
      %swap3A_950 = arith.index_cast %mul3A_867 : i32 to index
      %swap3A_951 = tpu.vector_load %arg11[%swap3A_950] {strides = array<i32>} : memref<4416xi32, #tpu.memory_space<vmem>>, vector<16xi32>,
      %swap3A_952 = vector.shape_cast %swap3A_951 : vector<16xi32> to vector<16xi32>
      %swap3A_953 = vector.shape_cast %select_n3A_908 : vector<16xi32> to vector<16xi32>
      tpu.vector_store %arg11[%swap3A_950], %swap3A_953 {strides = array<i32>} : memref<4416xi32, #tpu.memory_space<vmem>>, vector<16xi32>,
    }
    %scan3A_858 = arith.constant 276 : i32
    %mul3A_859 = arith.constant 8832 : i32
    %mul3A_860 = arith.muli %add3A, %mul3A_859 : i32
    %add3A_861 = arith.addi %mul3A_860, %mul3A_32 : i32
    "tpu.region"() ({
      %run_scoped3A = tpu.sem_alloc : memref<!tpu.dma_semaphore, #tpu.memory_space<semaphore_mem>>
      %dma_start3A = tpu.memref_slice %arg4[%add3A_861] : memref<141312xf32, #tpu.memory_space<hbm>> -> memref<4416xf32, #tpu.memory_space<hbm>>
      %dma_start3A_865 = tpu.memref_slice %arg4[%add3A_861] : memref<141312xf32, #tpu.memory_space<hbm>> -> memref<4416xf32, #tpu.memory_space<hbm>>
      tpu.enqueue_dma source(%arg10 : memref<4416xf32, #tpu.memory_space<vmem>>) target(%dma_start3A_865 : memref<4416xf32, #tpu.memory_space<hbm>>) target_semaphore(%run_scoped3A : memref<!tpu.dma_semaphore, #tpu.memory_space<semaphore_mem>>)
      %dma_wait3A = tpu.memref_slice %arg4[%add3A_861] : memref<141312xf32, #tpu.memory_space<hbm>> -> memref<4416xf32, #tpu.memory_space<hbm>>
      %dma_wait3A_866 = tpu.memref_slice %arg4[%add3A_861] : memref<141312xf32, #tpu.memory_space<hbm>> -> memref<4416xf32, #tpu.memory_space<hbm>>
      tpu.wait_dma2 semaphore(%run_scoped3A : memref<!tpu.dma_semaphore, #tpu.memory_space<semaphore_mem>>) src(%arg10 : memref<4416xf32, #tpu.memory_space<vmem>>) dst(%dma_wait3A_866 : memref<4416xf32, #tpu.memory_space<hbm>>)
      tpu.yield
    }) : () -> ()
    %mul3A_862 = arith.constant 8832 : i32
    %mul3A_863 = arith.muli %add3A, %mul3A_862 : i32
    %add3A_864 = arith.addi %mul3A_863, %mul3A_32 : i32
    "tpu.region"() ({
      %run_scoped3A = tpu.sem_alloc : memref<!tpu.dma_semaphore, #tpu.memory_space<semaphore_mem>>
      %dma_start3A = tpu.memref_slice %arg5[%add3A_864] : memref<141312xi32, #tpu.memory_space<hbm>> -> memref<4416xi32, #tpu.memory_space<hbm>>
      %dma_start3A_865 = tpu.memref_slice %arg5[%add3A_864] : memref<141312xi32, #tpu.memory_space<hbm>> -> memref<4416xi32, #tpu.memory_space<hbm>>
      tpu.enqueue_dma source(%arg11 : memref<4416xi32, #tpu.memory_space<vmem>>) target(%dma_start3A_865 : memref<4416xi32, #tpu.memory_space<hbm>>) target_semaphore(%run_scoped3A : memref<!tpu.dma_semaphore, #tpu.memory_space<semaphore_mem>>)
      %dma_wait3A = tpu.memref_slice %arg5[%add3A_864] : memref<141312xi32, #tpu.memory_space<hbm>> -> memref<4416xi32, #tpu.memory_space<hbm>>
      %dma_wait3A_866 = tpu.memref_slice %arg5[%add3A_864] : memref<141312xi32, #tpu.memory_space<hbm>> -> memref<4416xi32, #tpu.memory_space<hbm>>
      tpu.wait_dma2 semaphore(%run_scoped3A : memref<!tpu.dma_semaphore, #tpu.memory_space<semaphore_mem>>) src(%arg11 : memref<4416xi32, #tpu.memory_space<vmem>>) dst(%dma_wait3A_866 : memref<4416xi32, #tpu.memory_space<hbm>>)
      tpu.yield
    }) : () -> ()
    return
  }
}

module attributes {stable_mosaic.version = 14 : i64} {
  func.func @_fused_kernel(%arg0: i32, %arg1: memref<16x5x5xf32, #tpu.memory_space<smem>>, %arg2: memref<1x2500xf32, #tpu.memory_space<vmem>>, %arg3: memref<1x2500xf32, #tpu.memory_space<vmem>>, %arg4: memref<1x21x2500xf32, #tpu.memory_space<vmem>>, %arg5: memref<1x625xf32, #tpu.memory_space<vmem>>, %arg6: memref<1x625xf32, #tpu.memory_space<vmem>>, %arg7: memref<1x21x625xf32, #tpu.memory_space<vmem>>, %arg8: memref<1x169xf32, #tpu.memory_space<vmem>>, %arg9: memref<1x169xf32, #tpu.memory_space<vmem>>, %arg10: memref<1x21x169xf32, #tpu.memory_space<vmem>>, %arg11: memref<4x69x128xf32, #tpu.memory_space<vmem>>, %arg12: memref<1x4x69x128xf32, #tpu.memory_space<vmem>>, %arg13: memref<1x21x69x128xf32, #tpu.memory_space<vmem>>, %arg14: memref<1x69x128xf32, #tpu.memory_space<vmem>>, %arg15: memref<1x69x128xi32, #tpu.memory_space<vmem>>, %arg16: memref<1x1xf32, #tpu.memory_space<smem>>, %arg17: memref<1x1xf32, #tpu.memory_space<smem>>, %arg18: memref<1x1xf32, #tpu.memory_space<smem>>, %arg19: memref<16x69x128xf32, #tpu.memory_space<vmem>>, %arg20: memref<16x128xf32, #tpu.memory_space<vmem>>, %arg21: memref<4xf32, #tpu.memory_space<smem>>) attributes {dimension_semantics = [#tpu.dimension_semantics<arbitrary>], iteration_bounds = array<i64: 16>, scalar_prefetch = 0 : i64, scratch_operands = 3 : i64, tpu.core_type = #tpu.core_type<tc>, window_params = [{transform_indices = @transform_0, window_bounds = array<i64: 16, 5, 5>}, {pipeline_mode = #tpu.pipeline_mode<synchronous>, transform_indices = @transform_1, window_bounds = array<i64: 1, 2500>}, {pipeline_mode = #tpu.pipeline_mode<synchronous>, transform_indices = @transform_2, window_bounds = array<i64: 1, 2500>}, {transform_indices = @transform_3, window_bounds = array<i64: 1, 21, 2500>}, {pipeline_mode = #tpu.pipeline_mode<synchronous>, transform_indices = @transform_4, window_bounds = array<i64: 1, 625>}, {pipeline_mode = #tpu.pipeline_mode<synchronous>, transform_indices = @transform_5, window_bounds = array<i64: 1, 625>}, {transform_indices = @transform_6, window_bounds = array<i64: 1, 21, 625>}, {pipeline_mode = #tpu.pipeline_mode<synchronous>, transform_indices = @transform_7, window_bounds = array<i64: 1, 169>}, {pipeline_mode = #tpu.pipeline_mode<synchronous>, transform_indices = @transform_8, window_bounds = array<i64: 1, 169>}, {transform_indices = @transform_9, window_bounds = array<i64: 1, 21, 169>}, {pipeline_mode = #tpu.pipeline_mode<synchronous>, transform_indices = @transform_10, window_bounds = array<i64: 4, 69, 128>}, {transform_indices = @transform_11, window_bounds = array<i64: 1, 4, 69, 128>}, {transform_indices = @transform_12, window_bounds = array<i64: 1, 21, 69, 128>}, {transform_indices = @transform_13, window_bounds = array<i64: 1, 69, 128>}, {transform_indices = @transform_14, window_bounds = array<i64: 1, 69, 128>}, {transform_indices = @transform_15, window_bounds = array<i64: 1, 1>}, {transform_indices = @transform_16, window_bounds = array<i64: 1, 1>}, {transform_indices = @transform_17, window_bounds = array<i64: 1, 1>}]} {
    %eq3A = arith.constant 0 : i32
    %eq3A_0 = arith.cmpi eq, %arg0, %eq3A : i32
    %convert_element_type3A = arith.extui %eq3A_0 : i1 to i32
    %cond3A = arith.constant 0 : i32
    %cond3A_1 = arith.cmpi ne, %convert_element_type3A, %cond3A : i32
    scf.if %cond3A_1 {
      %swap3A_1390 = arith.constant 0.000000e+00 : f32
      %swap3A_1391 = arith.constant 0 : index
      %swap3A_1392 = memref.load %arg21[%swap3A_1391] : memref<4xf32, #tpu.memory_space<smem>>
      memref.store %swap3A_1390, %arg21[%swap3A_1391] : memref<4xf32, #tpu.memory_space<smem>>
      %swap3A_1393 = arith.constant 0.000000e+00 : f32
      %swap3A_1394 = arith.constant 1 : index
      %swap3A_1395 = memref.load %arg21[%swap3A_1394] : memref<4xf32, #tpu.memory_space<smem>>
      memref.store %swap3A_1393, %arg21[%swap3A_1394] : memref<4xf32, #tpu.memory_space<smem>>
      %swap3A_1396 = arith.constant 0.000000e+00 : f32
      %swap3A_1397 = arith.constant 2 : index
      %swap3A_1398 = memref.load %arg21[%swap3A_1397] : memref<4xf32, #tpu.memory_space<smem>>
      memref.store %swap3A_1396, %arg21[%swap3A_1397] : memref<4xf32, #tpu.memory_space<smem>>
      %swap3A_1399 = arith.constant 0.000000e+00 : f32
      %swap3A_1400 = arith.constant 3 : index
      %swap3A_1401 = memref.load %arg21[%swap3A_1400] : memref<4xf32, #tpu.memory_space<smem>>
      memref.store %swap3A_1399, %arg21[%swap3A_1400] : memref<4xf32, #tpu.memory_space<smem>>
    } else {
    }
    %get3A = arith.constant 0 : index
    %get3A_2 = arith.constant 0 : index
    %get3A_3 = arith.constant 0 : index
    %get3A_4 = vector.load %arg4[%get3A, %get3A_2, %get3A_3] : memref<1x21x2500xf32, #tpu.memory_space<vmem>>, vector<1x21x2500xf32>
    %get3A_5 = vector.shape_cast %get3A_4 : vector<1x21x2500xf32> to vector<21x2500xf32>
    %get3A_6 = arith.constant 0 : index
    %get3A_7 = arith.constant 0 : index
    %get3A_8 = vector.load %arg2[%get3A_6, %get3A_7] : memref<1x2500xf32, #tpu.memory_space<vmem>>, vector<1x2500xf32>
    %get3A_9 = arith.constant 0 : index
    %get3A_10 = arith.constant 0 : index
    %get3A_11 = vector.load %arg3[%get3A_9, %get3A_10] : memref<1x2500xf32, #tpu.memory_space<vmem>>, vector<1x2500xf32>
    %broadcast_in_dim3A = arith.constant 0.000000e+00 : f32
    %broadcast_in_dim3A_12 = vector.broadcast %broadcast_in_dim3A : f32 to vector<1x2500xf32>
    %get3A_13 = arith.index_cast %arg0 : i32 to index
    %get3A_14 = arith.constant 0 : index
    %get3A_15 = arith.constant 0 : index
    %get3A_16 = memref.load %arg1[%get3A_13, %get3A_14, %get3A_15] : memref<16x5x5xf32, #tpu.memory_space<smem>>
    %get3A_17 = arith.index_cast %arg0 : i32 to index
    %get3A_18 = arith.constant 0 : index
    %get3A_19 = arith.constant 1 : index
    %get3A_20 = memref.load %arg1[%get3A_17, %get3A_18, %get3A_19] : memref<16x5x5xf32, #tpu.memory_space<smem>>
    %get3A_21 = arith.index_cast %arg0 : i32 to index
    %get3A_22 = arith.constant 0 : index
    %get3A_23 = arith.constant 2 : index
    %get3A_24 = memref.load %arg1[%get3A_21, %get3A_22, %get3A_23] : memref<16x5x5xf32, #tpu.memory_space<smem>>
    %get3A_25 = arith.index_cast %arg0 : i32 to index
    %get3A_26 = arith.constant 0 : index
    %get3A_27 = arith.constant 3 : index
    %get3A_28 = memref.load %arg1[%get3A_25, %get3A_26, %get3A_27] : memref<16x5x5xf32, #tpu.memory_space<smem>>
    %get3A_29 = arith.index_cast %arg0 : i32 to index
    %get3A_30 = arith.constant 0 : index
    %get3A_31 = arith.constant 4 : index
    %get3A_32 = memref.load %arg1[%get3A_29, %get3A_30, %get3A_31] : memref<16x5x5xf32, #tpu.memory_space<smem>>
    %mul3A = arith.constant 5.000000e+01 : f32
    %mul3A_33 = arith.mulf %mul3A, %get3A_16 : f32
    %floor3A = math.floor %mul3A_33 : f32
    %max3A = arith.constant 0.000000e+00 : f32
    %max3A_34 = arith.maximumf %floor3A, %max3A : f32
    %mul3A_35 = arith.constant 5.000000e+01 : f32
    %mul3A_36 = arith.mulf %mul3A_35, %get3A_20 : f32
    %floor3A_37 = math.floor %mul3A_36 : f32
    %max3A_38 = arith.constant 0.000000e+00 : f32
    %max3A_39 = arith.maximumf %floor3A_37, %max3A_38 : f32
    %mul3A_40 = arith.constant 5.000000e+01 : f32
    %mul3A_41 = arith.mulf %mul3A_40, %get3A_24 : f32
    %add3A = arith.constant 1.000000e+00 : f32
    %add3A_42 = arith.addf %mul3A_41, %add3A : f32
    %ceil3A = math.ceil %add3A_42 : f32
    %min3A = arith.constant 5.000000e+01 : f32
    %min3A_43 = arith.minimumf %ceil3A, %min3A : f32
    %mul3A_44 = arith.constant 5.000000e+01 : f32
    %mul3A_45 = arith.mulf %mul3A_44, %get3A_28 : f32
    %add3A_46 = arith.constant 1.000000e+00 : f32
    %add3A_47 = arith.addf %mul3A_45, %add3A_46 : f32
    %ceil3A_48 = math.ceil %add3A_47 : f32
    %min3A_49 = arith.constant 5.000000e+01 : f32
    %min3A_50 = arith.minimumf %ceil3A_48, %min3A_49 : f32
    %ge3A = vector.broadcast %max3A_39 : f32 to vector<1x2500xf32>
    %ge3A_51 = arith.cmpf oge, %get3A_8, %ge3A : vector<1x2500xf32>
    %lt3A = vector.broadcast %min3A_50 : f32 to vector<1x2500xf32>
    %lt3A_52 = arith.cmpf olt, %get3A_8, %lt3A : vector<1x2500xf32>
    %and3A = arith.andi %ge3A_51, %lt3A_52 : vector<1x2500xi1>
    %ge3A_53 = vector.broadcast %max3A_34 : f32 to vector<1x2500xf32>
    %ge3A_54 = arith.cmpf oge, %get3A_11, %ge3A_53 : vector<1x2500xf32>
    %and3A_55 = arith.andi %and3A, %ge3A_54 : vector<1x2500xi1>
    %lt3A_56 = vector.broadcast %min3A_43 : f32 to vector<1x2500xf32>
    %lt3A_57 = arith.cmpf olt, %get3A_11, %lt3A_56 : vector<1x2500xf32>
    %and3A_58 = arith.andi %and3A_55, %lt3A_57 : vector<1x2500xi1>
    %add3A_59 = arith.constant 1.000000e+00 : f32
    %add3A_60 = arith.addf %get3A_32, %add3A_59 : f32
    %broadcast_in_dim3A_61 = vector.broadcast %add3A_60 : f32 to vector<1x2500xf32>
    %select_n3A = arith.select %and3A_58, %broadcast_in_dim3A_61, %broadcast_in_dim3A_12 : vector<1x2500xi1>, vector<1x2500xf32>
    %get3A_62 = arith.index_cast %arg0 : i32 to index
    %get3A_63 = arith.constant 1 : index
    %get3A_64 = arith.constant 0 : index
    %get3A_65 = memref.load %arg1[%get3A_62, %get3A_63, %get3A_64] : memref<16x5x5xf32, #tpu.memory_space<smem>>
    %get3A_66 = arith.index_cast %arg0 : i32 to index
    %get3A_67 = arith.constant 1 : index
    %get3A_68 = arith.constant 1 : index
    %get3A_69 = memref.load %arg1[%get3A_66, %get3A_67, %get3A_68] : memref<16x5x5xf32, #tpu.memory_space<smem>>
    %get3A_70 = arith.index_cast %arg0 : i32 to index
    %get3A_71 = arith.constant 1 : index
    %get3A_72 = arith.constant 2 : index
    %get3A_73 = memref.load %arg1[%get3A_70, %get3A_71, %get3A_72] : memref<16x5x5xf32, #tpu.memory_space<smem>>
    %get3A_74 = arith.index_cast %arg0 : i32 to index
    %get3A_75 = arith.constant 1 : index
    %get3A_76 = arith.constant 3 : index
    %get3A_77 = memref.load %arg1[%get3A_74, %get3A_75, %get3A_76] : memref<16x5x5xf32, #tpu.memory_space<smem>>
    %get3A_78 = arith.index_cast %arg0 : i32 to index
    %get3A_79 = arith.constant 1 : index
    %get3A_80 = arith.constant 4 : index
    %get3A_81 = memref.load %arg1[%get3A_78, %get3A_79, %get3A_80] : memref<16x5x5xf32, #tpu.memory_space<smem>>
    %mul3A_82 = arith.constant 5.000000e+01 : f32
    %mul3A_83 = arith.mulf %mul3A_82, %get3A_65 : f32
    %floor3A_84 = math.floor %mul3A_83 : f32
    %max3A_85 = arith.constant 0.000000e+00 : f32
    %max3A_86 = arith.maximumf %floor3A_84, %max3A_85 : f32
    %mul3A_87 = arith.constant 5.000000e+01 : f32
    %mul3A_88 = arith.mulf %mul3A_87, %get3A_69 : f32
    %floor3A_89 = math.floor %mul3A_88 : f32
    %max3A_90 = arith.constant 0.000000e+00 : f32
    %max3A_91 = arith.maximumf %floor3A_89, %max3A_90 : f32
    %mul3A_92 = arith.constant 5.000000e+01 : f32
    %mul3A_93 = arith.mulf %mul3A_92, %get3A_73 : f32
    %add3A_94 = arith.constant 1.000000e+00 : f32
    %add3A_95 = arith.addf %mul3A_93, %add3A_94 : f32
    %ceil3A_96 = math.ceil %add3A_95 : f32
    %min3A_97 = arith.constant 5.000000e+01 : f32
    %min3A_98 = arith.minimumf %ceil3A_96, %min3A_97 : f32
    %mul3A_99 = arith.constant 5.000000e+01 : f32
    %mul3A_100 = arith.mulf %mul3A_99, %get3A_77 : f32
    %add3A_101 = arith.constant 1.000000e+00 : f32
    %add3A_102 = arith.addf %mul3A_100, %add3A_101 : f32
    %ceil3A_103 = math.ceil %add3A_102 : f32
    %min3A_104 = arith.constant 5.000000e+01 : f32
    %min3A_105 = arith.minimumf %ceil3A_103, %min3A_104 : f32
    %ge3A_106 = vector.broadcast %max3A_91 : f32 to vector<1x2500xf32>
    %ge3A_107 = arith.cmpf oge, %get3A_8, %ge3A_106 : vector<1x2500xf32>
    %lt3A_108 = vector.broadcast %min3A_105 : f32 to vector<1x2500xf32>
    %lt3A_109 = arith.cmpf olt, %get3A_8, %lt3A_108 : vector<1x2500xf32>
    %and3A_110 = arith.andi %ge3A_107, %lt3A_109 : vector<1x2500xi1>
    %ge3A_111 = vector.broadcast %max3A_86 : f32 to vector<1x2500xf32>
    %ge3A_112 = arith.cmpf oge, %get3A_11, %ge3A_111 : vector<1x2500xf32>
    %and3A_113 = arith.andi %and3A_110, %ge3A_112 : vector<1x2500xi1>
    %lt3A_114 = vector.broadcast %min3A_98 : f32 to vector<1x2500xf32>
    %lt3A_115 = arith.cmpf olt, %get3A_11, %lt3A_114 : vector<1x2500xf32>
    %and3A_116 = arith.andi %and3A_113, %lt3A_115 : vector<1x2500xi1>
    %add3A_117 = arith.constant 1.000000e+00 : f32
    %add3A_118 = arith.addf %get3A_81, %add3A_117 : f32
    %broadcast_in_dim3A_119 = vector.broadcast %add3A_118 : f32 to vector<1x2500xf32>
    %select_n3A_120 = arith.select %and3A_116, %broadcast_in_dim3A_119, %select_n3A : vector<1x2500xi1>, vector<1x2500xf32>
    %get3A_121 = arith.index_cast %arg0 : i32 to index
    %get3A_122 = arith.constant 2 : index
    %get3A_123 = arith.constant 0 : index
    %get3A_124 = memref.load %arg1[%get3A_121, %get3A_122, %get3A_123] : memref<16x5x5xf32, #tpu.memory_space<smem>>
    %get3A_125 = arith.index_cast %arg0 : i32 to index
    %get3A_126 = arith.constant 2 : index
    %get3A_127 = arith.constant 1 : index
    %get3A_128 = memref.load %arg1[%get3A_125, %get3A_126, %get3A_127] : memref<16x5x5xf32, #tpu.memory_space<smem>>
    %get3A_129 = arith.index_cast %arg0 : i32 to index
    %get3A_130 = arith.constant 2 : index
    %get3A_131 = arith.constant 2 : index
    %get3A_132 = memref.load %arg1[%get3A_129, %get3A_130, %get3A_131] : memref<16x5x5xf32, #tpu.memory_space<smem>>
    %get3A_133 = arith.index_cast %arg0 : i32 to index
    %get3A_134 = arith.constant 2 : index
    %get3A_135 = arith.constant 3 : index
    %get3A_136 = memref.load %arg1[%get3A_133, %get3A_134, %get3A_135] : memref<16x5x5xf32, #tpu.memory_space<smem>>
    %get3A_137 = arith.index_cast %arg0 : i32 to index
    %get3A_138 = arith.constant 2 : index
    %get3A_139 = arith.constant 4 : index
    %get3A_140 = memref.load %arg1[%get3A_137, %get3A_138, %get3A_139] : memref<16x5x5xf32, #tpu.memory_space<smem>>
    %mul3A_141 = arith.constant 5.000000e+01 : f32
    %mul3A_142 = arith.mulf %mul3A_141, %get3A_124 : f32
    %floor3A_143 = math.floor %mul3A_142 : f32
    %max3A_144 = arith.constant 0.000000e+00 : f32
    %max3A_145 = arith.maximumf %floor3A_143, %max3A_144 : f32
    %mul3A_146 = arith.constant 5.000000e+01 : f32
    %mul3A_147 = arith.mulf %mul3A_146, %get3A_128 : f32
    %floor3A_148 = math.floor %mul3A_147 : f32
    %max3A_149 = arith.constant 0.000000e+00 : f32
    %max3A_150 = arith.maximumf %floor3A_148, %max3A_149 : f32
    %mul3A_151 = arith.constant 5.000000e+01 : f32
    %mul3A_152 = arith.mulf %mul3A_151, %get3A_132 : f32
    %add3A_153 = arith.constant 1.000000e+00 : f32
    %add3A_154 = arith.addf %mul3A_152, %add3A_153 : f32
    %ceil3A_155 = math.ceil %add3A_154 : f32
    %min3A_156 = arith.constant 5.000000e+01 : f32
    %min3A_157 = arith.minimumf %ceil3A_155, %min3A_156 : f32
    %mul3A_158 = arith.constant 5.000000e+01 : f32
    %mul3A_159 = arith.mulf %mul3A_158, %get3A_136 : f32
    %add3A_160 = arith.constant 1.000000e+00 : f32
    %add3A_161 = arith.addf %mul3A_159, %add3A_160 : f32
    %ceil3A_162 = math.ceil %add3A_161 : f32
    %min3A_163 = arith.constant 5.000000e+01 : f32
    %min3A_164 = arith.minimumf %ceil3A_162, %min3A_163 : f32
    %ge3A_165 = vector.broadcast %max3A_150 : f32 to vector<1x2500xf32>
    %ge3A_166 = arith.cmpf oge, %get3A_8, %ge3A_165 : vector<1x2500xf32>
    %lt3A_167 = vector.broadcast %min3A_164 : f32 to vector<1x2500xf32>
    %lt3A_168 = arith.cmpf olt, %get3A_8, %lt3A_167 : vector<1x2500xf32>
    %and3A_169 = arith.andi %ge3A_166, %lt3A_168 : vector<1x2500xi1>
    %ge3A_170 = vector.broadcast %max3A_145 : f32 to vector<1x2500xf32>
    %ge3A_171 = arith.cmpf oge, %get3A_11, %ge3A_170 : vector<1x2500xf32>
    %and3A_172 = arith.andi %and3A_169, %ge3A_171 : vector<1x2500xi1>
    %lt3A_173 = vector.broadcast %min3A_157 : f32 to vector<1x2500xf32>
    %lt3A_174 = arith.cmpf olt, %get3A_11, %lt3A_173 : vector<1x2500xf32>
    %and3A_175 = arith.andi %and3A_172, %lt3A_174 : vector<1x2500xi1>
    %add3A_176 = arith.constant 1.000000e+00 : f32
    %add3A_177 = arith.addf %get3A_140, %add3A_176 : f32
    %broadcast_in_dim3A_178 = vector.broadcast %add3A_177 : f32 to vector<1x2500xf32>
    %select_n3A_179 = arith.select %and3A_175, %broadcast_in_dim3A_178, %select_n3A_120 : vector<1x2500xi1>, vector<1x2500xf32>
    %get3A_180 = arith.index_cast %arg0 : i32 to index
    %get3A_181 = arith.constant 3 : index
    %get3A_182 = arith.constant 0 : index
    %get3A_183 = memref.load %arg1[%get3A_180, %get3A_181, %get3A_182] : memref<16x5x5xf32, #tpu.memory_space<smem>>
    %get3A_184 = arith.index_cast %arg0 : i32 to index
    %get3A_185 = arith.constant 3 : index
    %get3A_186 = arith.constant 1 : index
    %get3A_187 = memref.load %arg1[%get3A_184, %get3A_185, %get3A_186] : memref<16x5x5xf32, #tpu.memory_space<smem>>
    %get3A_188 = arith.index_cast %arg0 : i32 to index
    %get3A_189 = arith.constant 3 : index
    %get3A_190 = arith.constant 2 : index
    %get3A_191 = memref.load %arg1[%get3A_188, %get3A_189, %get3A_190] : memref<16x5x5xf32, #tpu.memory_space<smem>>
    %get3A_192 = arith.index_cast %arg0 : i32 to index
    %get3A_193 = arith.constant 3 : index
    %get3A_194 = arith.constant 3 : index
    %get3A_195 = memref.load %arg1[%get3A_192, %get3A_193, %get3A_194] : memref<16x5x5xf32, #tpu.memory_space<smem>>
    %get3A_196 = arith.index_cast %arg0 : i32 to index
    %get3A_197 = arith.constant 3 : index
    %get3A_198 = arith.constant 4 : index
    %get3A_199 = memref.load %arg1[%get3A_196, %get3A_197, %get3A_198] : memref<16x5x5xf32, #tpu.memory_space<smem>>
    %mul3A_200 = arith.constant 5.000000e+01 : f32
    %mul3A_201 = arith.mulf %mul3A_200, %get3A_183 : f32
    %floor3A_202 = math.floor %mul3A_201 : f32
    %max3A_203 = arith.constant 0.000000e+00 : f32
    %max3A_204 = arith.maximumf %floor3A_202, %max3A_203 : f32
    %mul3A_205 = arith.constant 5.000000e+01 : f32
    %mul3A_206 = arith.mulf %mul3A_205, %get3A_187 : f32
    %floor3A_207 = math.floor %mul3A_206 : f32
    %max3A_208 = arith.constant 0.000000e+00 : f32
    %max3A_209 = arith.maximumf %floor3A_207, %max3A_208 : f32
    %mul3A_210 = arith.constant 5.000000e+01 : f32
    %mul3A_211 = arith.mulf %mul3A_210, %get3A_191 : f32
    %add3A_212 = arith.constant 1.000000e+00 : f32
    %add3A_213 = arith.addf %mul3A_211, %add3A_212 : f32
    %ceil3A_214 = math.ceil %add3A_213 : f32
    %min3A_215 = arith.constant 5.000000e+01 : f32
    %min3A_216 = arith.minimumf %ceil3A_214, %min3A_215 : f32
    %mul3A_217 = arith.constant 5.000000e+01 : f32
    %mul3A_218 = arith.mulf %mul3A_217, %get3A_195 : f32
    %add3A_219 = arith.constant 1.000000e+00 : f32
    %add3A_220 = arith.addf %mul3A_218, %add3A_219 : f32
    %ceil3A_221 = math.ceil %add3A_220 : f32
    %min3A_222 = arith.constant 5.000000e+01 : f32
    %min3A_223 = arith.minimumf %ceil3A_221, %min3A_222 : f32
    %ge3A_224 = vector.broadcast %max3A_209 : f32 to vector<1x2500xf32>
    %ge3A_225 = arith.cmpf oge, %get3A_8, %ge3A_224 : vector<1x2500xf32>
    %lt3A_226 = vector.broadcast %min3A_223 : f32 to vector<1x2500xf32>
    %lt3A_227 = arith.cmpf olt, %get3A_8, %lt3A_226 : vector<1x2500xf32>
    %and3A_228 = arith.andi %ge3A_225, %lt3A_227 : vector<1x2500xi1>
    %ge3A_229 = vector.broadcast %max3A_204 : f32 to vector<1x2500xf32>
    %ge3A_230 = arith.cmpf oge, %get3A_11, %ge3A_229 : vector<1x2500xf32>
    %and3A_231 = arith.andi %and3A_228, %ge3A_230 : vector<1x2500xi1>
    %lt3A_232 = vector.broadcast %min3A_216 : f32 to vector<1x2500xf32>
    %lt3A_233 = arith.cmpf olt, %get3A_11, %lt3A_232 : vector<1x2500xf32>
    %and3A_234 = arith.andi %and3A_231, %lt3A_233 : vector<1x2500xi1>
    %add3A_235 = arith.constant 1.000000e+00 : f32
    %add3A_236 = arith.addf %get3A_199, %add3A_235 : f32
    %broadcast_in_dim3A_237 = vector.broadcast %add3A_236 : f32 to vector<1x2500xf32>
    %select_n3A_238 = arith.select %and3A_234, %broadcast_in_dim3A_237, %select_n3A_179 : vector<1x2500xi1>, vector<1x2500xf32>
    %get3A_239 = arith.index_cast %arg0 : i32 to index
    %get3A_240 = arith.constant 4 : index
    %get3A_241 = arith.constant 0 : index
    %get3A_242 = memref.load %arg1[%get3A_239, %get3A_240, %get3A_241] : memref<16x5x5xf32, #tpu.memory_space<smem>>
    %get3A_243 = arith.index_cast %arg0 : i32 to index
    %get3A_244 = arith.constant 4 : index
    %get3A_245 = arith.constant 1 : index
    %get3A_246 = memref.load %arg1[%get3A_243, %get3A_244, %get3A_245] : memref<16x5x5xf32, #tpu.memory_space<smem>>
    %get3A_247 = arith.index_cast %arg0 : i32 to index
    %get3A_248 = arith.constant 4 : index
    %get3A_249 = arith.constant 2 : index
    %get3A_250 = memref.load %arg1[%get3A_247, %get3A_248, %get3A_249] : memref<16x5x5xf32, #tpu.memory_space<smem>>
    %get3A_251 = arith.index_cast %arg0 : i32 to index
    %get3A_252 = arith.constant 4 : index
    %get3A_253 = arith.constant 3 : index
    %get3A_254 = memref.load %arg1[%get3A_251, %get3A_252, %get3A_253] : memref<16x5x5xf32, #tpu.memory_space<smem>>
    %get3A_255 = arith.index_cast %arg0 : i32 to index
    %get3A_256 = arith.constant 4 : index
    %get3A_257 = arith.constant 4 : index
    %get3A_258 = memref.load %arg1[%get3A_255, %get3A_256, %get3A_257] : memref<16x5x5xf32, #tpu.memory_space<smem>>
    %mul3A_259 = arith.constant 5.000000e+01 : f32
    %mul3A_260 = arith.mulf %mul3A_259, %get3A_242 : f32
    %floor3A_261 = math.floor %mul3A_260 : f32
    %max3A_262 = arith.constant 0.000000e+00 : f32
    %max3A_263 = arith.maximumf %floor3A_261, %max3A_262 : f32
    %mul3A_264 = arith.constant 5.000000e+01 : f32
    %mul3A_265 = arith.mulf %mul3A_264, %get3A_246 : f32
    %floor3A_266 = math.floor %mul3A_265 : f32
    %max3A_267 = arith.constant 0.000000e+00 : f32
    %max3A_268 = arith.maximumf %floor3A_266, %max3A_267 : f32
    %mul3A_269 = arith.constant 5.000000e+01 : f32
    %mul3A_270 = arith.mulf %mul3A_269, %get3A_250 : f32
    %add3A_271 = arith.constant 1.000000e+00 : f32
    %add3A_272 = arith.addf %mul3A_270, %add3A_271 : f32
    %ceil3A_273 = math.ceil %add3A_272 : f32
    %min3A_274 = arith.constant 5.000000e+01 : f32
    %min3A_275 = arith.minimumf %ceil3A_273, %min3A_274 : f32
    %mul3A_276 = arith.constant 5.000000e+01 : f32
    %mul3A_277 = arith.mulf %mul3A_276, %get3A_254 : f32
    %add3A_278 = arith.constant 1.000000e+00 : f32
    %add3A_279 = arith.addf %mul3A_277, %add3A_278 : f32
    %ceil3A_280 = math.ceil %add3A_279 : f32
    %min3A_281 = arith.constant 5.000000e+01 : f32
    %min3A_282 = arith.minimumf %ceil3A_280, %min3A_281 : f32
    %ge3A_283 = vector.broadcast %max3A_268 : f32 to vector<1x2500xf32>
    %ge3A_284 = arith.cmpf oge, %get3A_8, %ge3A_283 : vector<1x2500xf32>
    %lt3A_285 = vector.broadcast %min3A_282 : f32 to vector<1x2500xf32>
    %lt3A_286 = arith.cmpf olt, %get3A_8, %lt3A_285 : vector<1x2500xf32>
    %and3A_287 = arith.andi %ge3A_284, %lt3A_286 : vector<1x2500xi1>
    %ge3A_288 = vector.broadcast %max3A_263 : f32 to vector<1x2500xf32>
    %ge3A_289 = arith.cmpf oge, %get3A_11, %ge3A_288 : vector<1x2500xf32>
    %and3A_290 = arith.andi %and3A_287, %ge3A_289 : vector<1x2500xi1>
    %lt3A_291 = vector.broadcast %min3A_275 : f32 to vector<1x2500xf32>
    %lt3A_292 = arith.cmpf olt, %get3A_11, %lt3A_291 : vector<1x2500xf32>
    %and3A_293 = arith.andi %and3A_290, %lt3A_292 : vector<1x2500xi1>
    %add3A_294 = arith.constant 1.000000e+00 : f32
    %add3A_295 = arith.addf %get3A_258, %add3A_294 : f32
    %broadcast_in_dim3A_296 = vector.broadcast %add3A_295 : f32 to vector<1x2500xf32>
    %select_n3A_297 = arith.select %and3A_293, %broadcast_in_dim3A_296, %select_n3A_238 : vector<1x2500xi1>, vector<1x2500xf32>
    %reduce_max3A = arith.constant dense<0xFF800000> : vector<2500xf32>
    %reduce_max3A_298 = vector.multi_reduction <maximumf>, %get3A_5, %reduce_max3A [0] : vector<21x2500xf32> to vector<2500xf32>
    %broadcast_in_dim3A_299 = vector.shape_cast %reduce_max3A_298 : vector<2500xf32> to vector<1x2500xf32>
    %sub3A = vector.broadcast %broadcast_in_dim3A_299 : vector<1x2500xf32> to vector<21x2500xf32>
    %sub3A_300 = arith.subf %get3A_5, %sub3A : vector<21x2500xf32>
    %exp3A = math.exp %sub3A_300 : vector<21x2500xf32>
    %reduce_sum3A = arith.constant dense<0.000000e+00> : vector<2500xf32>
    %reduce_sum3A_301 = vector.multi_reduction <add>, %exp3A, %reduce_sum3A [0] : vector<21x2500xf32> to vector<2500xf32>
    %broadcast_in_dim3A_302 = vector.shape_cast %reduce_sum3A_301 : vector<2500xf32> to vector<1x2500xf32>
    %log3A = math.log %broadcast_in_dim3A_302 : vector<1x2500xf32>
    %add3A_303 = arith.addf %log3A, %broadcast_in_dim3A_299 : vector<1x2500xf32>
    %iota3A = tpu.iota {dimensions = array<i32: 0>} : vector<21x2500xi32>
    %convert_element_type3A_304 = arith.sitofp %iota3A : vector<21x2500xi32> to vector<21x2500xf32>
    %eq3A_305 = vector.broadcast %select_n3A_297 : vector<1x2500xf32> to vector<21x2500xf32>
    %eq3A_306 = arith.cmpf oeq, %convert_element_type3A_304, %eq3A_305 : vector<21x2500xf32>
    %jit3A = arith.constant 0.000000e+00 : f32
    %broadcast_in_dim3A_307 = vector.broadcast %jit3A : f32 to vector<21x2500xf32>
    %select_n3A_308 = arith.select %eq3A_306, %get3A_5, %broadcast_in_dim3A_307 : vector<21x2500xi1>, vector<21x2500xf32>
    %reduce_sum3A_309 = arith.constant dense<0.000000e+00> : vector<2500xf32>
    %reduce_sum3A_310 = vector.multi_reduction <add>, %select_n3A_308, %reduce_sum3A_309 [0] : vector<21x2500xf32> to vector<2500xf32>
    %broadcast_in_dim3A_311 = vector.shape_cast %reduce_sum3A_310 : vector<2500xf32> to vector<1x2500xf32>
    %sub3A_312 = arith.subf %add3A_303, %broadcast_in_dim3A_311 : vector<1x2500xf32>
    %reduce_sum3A_313 = vector.shape_cast %sub3A_312 : vector<1x2500xf32> to vector<1x1x2500xf32>
    %reduce_sum3A_314 = arith.constant dense<0.000000e+00> : vector<1xf32>
    %reduce_sum3A_315 = vector.multi_reduction <add>, %reduce_sum3A_313, %reduce_sum3A_314 [1, 2] : vector<1x1x2500xf32> to vector<1xf32>
    %reduce_sum3A_316 = vector.shape_cast %reduce_sum3A_315 : vector<1xf32> to vector<1x1x1xf32>
    %reduce_sum3A_317 = vector.extract %reduce_sum3A_316[0, 0, 0] : f32 from vector<1x1x1xf32>
    %add3A_318 = arith.constant 0.000000e+00 : f32
    %add3A_319 = arith.addf %add3A_318, %reduce_sum3A_317 : f32
    %get3A_320 = arith.constant 0 : index
    %get3A_321 = arith.constant 0 : index
    %get3A_322 = arith.constant 0 : index
    %get3A_323 = vector.load %arg7[%get3A_320, %get3A_321, %get3A_322] : memref<1x21x625xf32, #tpu.memory_space<vmem>>, vector<1x21x625xf32>
    %get3A_324 = vector.shape_cast %get3A_323 : vector<1x21x625xf32> to vector<21x625xf32>
    %get3A_325 = arith.constant 0 : index
    %get3A_326 = arith.constant 0 : index
    %get3A_327 = vector.load %arg5[%get3A_325, %get3A_326] : memref<1x625xf32, #tpu.memory_space<vmem>>, vector<1x625xf32>
    %get3A_328 = arith.constant 0 : index
    %get3A_329 = arith.constant 0 : index
    %get3A_330 = vector.load %arg6[%get3A_328, %get3A_329] : memref<1x625xf32, #tpu.memory_space<vmem>>, vector<1x625xf32>
    %broadcast_in_dim3A_331 = arith.constant 0.000000e+00 : f32
    %broadcast_in_dim3A_332 = vector.broadcast %broadcast_in_dim3A_331 : f32 to vector<1x625xf32>
    %get3A_333 = arith.index_cast %arg0 : i32 to index
    %get3A_334 = arith.constant 0 : index
    %get3A_335 = arith.constant 0 : index
    %get3A_336 = memref.load %arg1[%get3A_333, %get3A_334, %get3A_335] : memref<16x5x5xf32, #tpu.memory_space<smem>>
    %get3A_337 = arith.index_cast %arg0 : i32 to index
    %get3A_338 = arith.constant 0 : index
    %get3A_339 = arith.constant 1 : index
    %get3A_340 = memref.load %arg1[%get3A_337, %get3A_338, %get3A_339] : memref<16x5x5xf32, #tpu.memory_space<smem>>
    %get3A_341 = arith.index_cast %arg0 : i32 to index
    %get3A_342 = arith.constant 0 : index
    %get3A_343 = arith.constant 2 : index
    %get3A_344 = memref.load %arg1[%get3A_341, %get3A_342, %get3A_343] : memref<16x5x5xf32, #tpu.memory_space<smem>>
    %get3A_345 = arith.index_cast %arg0 : i32 to index
    %get3A_346 = arith.constant 0 : index
    %get3A_347 = arith.constant 3 : index
    %get3A_348 = memref.load %arg1[%get3A_345, %get3A_346, %get3A_347] : memref<16x5x5xf32, #tpu.memory_space<smem>>
    %get3A_349 = arith.index_cast %arg0 : i32 to index
    %get3A_350 = arith.constant 0 : index
    %get3A_351 = arith.constant 4 : index
    %get3A_352 = memref.load %arg1[%get3A_349, %get3A_350, %get3A_351] : memref<16x5x5xf32, #tpu.memory_space<smem>>
    %mul3A_353 = arith.constant 2.500000e+01 : f32
    %mul3A_354 = arith.mulf %mul3A_353, %get3A_336 : f32
    %floor3A_355 = math.floor %mul3A_354 : f32
    %max3A_356 = arith.constant 0.000000e+00 : f32
    %max3A_357 = arith.maximumf %floor3A_355, %max3A_356 : f32
    %mul3A_358 = arith.constant 2.500000e+01 : f32
    %mul3A_359 = arith.mulf %mul3A_358, %get3A_340 : f32
    %floor3A_360 = math.floor %mul3A_359 : f32
    %max3A_361 = arith.constant 0.000000e+00 : f32
    %max3A_362 = arith.maximumf %floor3A_360, %max3A_361 : f32
    %mul3A_363 = arith.constant 2.500000e+01 : f32
    %mul3A_364 = arith.mulf %mul3A_363, %get3A_344 : f32
    %add3A_365 = arith.constant 1.000000e+00 : f32
    %add3A_366 = arith.addf %mul3A_364, %add3A_365 : f32
    %ceil3A_367 = math.ceil %add3A_366 : f32
    %min3A_368 = arith.constant 2.500000e+01 : f32
    %min3A_369 = arith.minimumf %ceil3A_367, %min3A_368 : f32
    %mul3A_370 = arith.constant 2.500000e+01 : f32
    %mul3A_371 = arith.mulf %mul3A_370, %get3A_348 : f32
    %add3A_372 = arith.constant 1.000000e+00 : f32
    %add3A_373 = arith.addf %mul3A_371, %add3A_372 : f32
    %ceil3A_374 = math.ceil %add3A_373 : f32
    %min3A_375 = arith.constant 2.500000e+01 : f32
    %min3A_376 = arith.minimumf %ceil3A_374, %min3A_375 : f32
    %ge3A_377 = vector.broadcast %max3A_362 : f32 to vector<1x625xf32>
    %ge3A_378 = arith.cmpf oge, %get3A_327, %ge3A_377 : vector<1x625xf32>
    %lt3A_379 = vector.broadcast %min3A_376 : f32 to vector<1x625xf32>
    %lt3A_380 = arith.cmpf olt, %get3A_327, %lt3A_379 : vector<1x625xf32>
    %and3A_381 = arith.andi %ge3A_378, %lt3A_380 : vector<1x625xi1>
    %ge3A_382 = vector.broadcast %max3A_357 : f32 to vector<1x625xf32>
    %ge3A_383 = arith.cmpf oge, %get3A_330, %ge3A_382 : vector<1x625xf32>
    %and3A_384 = arith.andi %and3A_381, %ge3A_383 : vector<1x625xi1>
    %lt3A_385 = vector.broadcast %min3A_369 : f32 to vector<1x625xf32>
    %lt3A_386 = arith.cmpf olt, %get3A_330, %lt3A_385 : vector<1x625xf32>
    %and3A_387 = arith.andi %and3A_384, %lt3A_386 : vector<1x625xi1>
    %add3A_388 = arith.constant 1.000000e+00 : f32
    %add3A_389 = arith.addf %get3A_352, %add3A_388 : f32
    %broadcast_in_dim3A_390 = vector.broadcast %add3A_389 : f32 to vector<1x625xf32>
    %select_n3A_391 = arith.select %and3A_387, %broadcast_in_dim3A_390, %broadcast_in_dim3A_332 : vector<1x625xi1>, vector<1x625xf32>
    %get3A_392 = arith.index_cast %arg0 : i32 to index
    %get3A_393 = arith.constant 1 : index
    %get3A_394 = arith.constant 0 : index
    %get3A_395 = memref.load %arg1[%get3A_392, %get3A_393, %get3A_394] : memref<16x5x5xf32, #tpu.memory_space<smem>>
    %get3A_396 = arith.index_cast %arg0 : i32 to index
    %get3A_397 = arith.constant 1 : index
    %get3A_398 = arith.constant 1 : index
    %get3A_399 = memref.load %arg1[%get3A_396, %get3A_397, %get3A_398] : memref<16x5x5xf32, #tpu.memory_space<smem>>
    %get3A_400 = arith.index_cast %arg0 : i32 to index
    %get3A_401 = arith.constant 1 : index
    %get3A_402 = arith.constant 2 : index
    %get3A_403 = memref.load %arg1[%get3A_400, %get3A_401, %get3A_402] : memref<16x5x5xf32, #tpu.memory_space<smem>>
    %get3A_404 = arith.index_cast %arg0 : i32 to index
    %get3A_405 = arith.constant 1 : index
    %get3A_406 = arith.constant 3 : index
    %get3A_407 = memref.load %arg1[%get3A_404, %get3A_405, %get3A_406] : memref<16x5x5xf32, #tpu.memory_space<smem>>
    %get3A_408 = arith.index_cast %arg0 : i32 to index
    %get3A_409 = arith.constant 1 : index
    %get3A_410 = arith.constant 4 : index
    %get3A_411 = memref.load %arg1[%get3A_408, %get3A_409, %get3A_410] : memref<16x5x5xf32, #tpu.memory_space<smem>>
    %mul3A_412 = arith.constant 2.500000e+01 : f32
    %mul3A_413 = arith.mulf %mul3A_412, %get3A_395 : f32
    %floor3A_414 = math.floor %mul3A_413 : f32
    %max3A_415 = arith.constant 0.000000e+00 : f32
    %max3A_416 = arith.maximumf %floor3A_414, %max3A_415 : f32
    %mul3A_417 = arith.constant 2.500000e+01 : f32
    %mul3A_418 = arith.mulf %mul3A_417, %get3A_399 : f32
    %floor3A_419 = math.floor %mul3A_418 : f32
    %max3A_420 = arith.constant 0.000000e+00 : f32
    %max3A_421 = arith.maximumf %floor3A_419, %max3A_420 : f32
    %mul3A_422 = arith.constant 2.500000e+01 : f32
    %mul3A_423 = arith.mulf %mul3A_422, %get3A_403 : f32
    %add3A_424 = arith.constant 1.000000e+00 : f32
    %add3A_425 = arith.addf %mul3A_423, %add3A_424 : f32
    %ceil3A_426 = math.ceil %add3A_425 : f32
    %min3A_427 = arith.constant 2.500000e+01 : f32
    %min3A_428 = arith.minimumf %ceil3A_426, %min3A_427 : f32
    %mul3A_429 = arith.constant 2.500000e+01 : f32
    %mul3A_430 = arith.mulf %mul3A_429, %get3A_407 : f32
    %add3A_431 = arith.constant 1.000000e+00 : f32
    %add3A_432 = arith.addf %mul3A_430, %add3A_431 : f32
    %ceil3A_433 = math.ceil %add3A_432 : f32
    %min3A_434 = arith.constant 2.500000e+01 : f32
    %min3A_435 = arith.minimumf %ceil3A_433, %min3A_434 : f32
    %ge3A_436 = vector.broadcast %max3A_421 : f32 to vector<1x625xf32>
    %ge3A_437 = arith.cmpf oge, %get3A_327, %ge3A_436 : vector<1x625xf32>
    %lt3A_438 = vector.broadcast %min3A_435 : f32 to vector<1x625xf32>
    %lt3A_439 = arith.cmpf olt, %get3A_327, %lt3A_438 : vector<1x625xf32>
    %and3A_440 = arith.andi %ge3A_437, %lt3A_439 : vector<1x625xi1>
    %ge3A_441 = vector.broadcast %max3A_416 : f32 to vector<1x625xf32>
    %ge3A_442 = arith.cmpf oge, %get3A_330, %ge3A_441 : vector<1x625xf32>
    %and3A_443 = arith.andi %and3A_440, %ge3A_442 : vector<1x625xi1>
    %lt3A_444 = vector.broadcast %min3A_428 : f32 to vector<1x625xf32>
    %lt3A_445 = arith.cmpf olt, %get3A_330, %lt3A_444 : vector<1x625xf32>
    %and3A_446 = arith.andi %and3A_443, %lt3A_445 : vector<1x625xi1>
    %add3A_447 = arith.constant 1.000000e+00 : f32
    %add3A_448 = arith.addf %get3A_411, %add3A_447 : f32
    %broadcast_in_dim3A_449 = vector.broadcast %add3A_448 : f32 to vector<1x625xf32>
    %select_n3A_450 = arith.select %and3A_446, %broadcast_in_dim3A_449, %select_n3A_391 : vector<1x625xi1>, vector<1x625xf32>
    %get3A_451 = arith.index_cast %arg0 : i32 to index
    %get3A_452 = arith.constant 2 : index
    %get3A_453 = arith.constant 0 : index
    %get3A_454 = memref.load %arg1[%get3A_451, %get3A_452, %get3A_453] : memref<16x5x5xf32, #tpu.memory_space<smem>>
    %get3A_455 = arith.index_cast %arg0 : i32 to index
    %get3A_456 = arith.constant 2 : index
    %get3A_457 = arith.constant 1 : index
    %get3A_458 = memref.load %arg1[%get3A_455, %get3A_456, %get3A_457] : memref<16x5x5xf32, #tpu.memory_space<smem>>
    %get3A_459 = arith.index_cast %arg0 : i32 to index
    %get3A_460 = arith.constant 2 : index
    %get3A_461 = arith.constant 2 : index
    %get3A_462 = memref.load %arg1[%get3A_459, %get3A_460, %get3A_461] : memref<16x5x5xf32, #tpu.memory_space<smem>>
    %get3A_463 = arith.index_cast %arg0 : i32 to index
    %get3A_464 = arith.constant 2 : index
    %get3A_465 = arith.constant 3 : index
    %get3A_466 = memref.load %arg1[%get3A_463, %get3A_464, %get3A_465] : memref<16x5x5xf32, #tpu.memory_space<smem>>
    %get3A_467 = arith.index_cast %arg0 : i32 to index
    %get3A_468 = arith.constant 2 : index
    %get3A_469 = arith.constant 4 : index
    %get3A_470 = memref.load %arg1[%get3A_467, %get3A_468, %get3A_469] : memref<16x5x5xf32, #tpu.memory_space<smem>>
    %mul3A_471 = arith.constant 2.500000e+01 : f32
    %mul3A_472 = arith.mulf %mul3A_471, %get3A_454 : f32
    %floor3A_473 = math.floor %mul3A_472 : f32
    %max3A_474 = arith.constant 0.000000e+00 : f32
    %max3A_475 = arith.maximumf %floor3A_473, %max3A_474 : f32
    %mul3A_476 = arith.constant 2.500000e+01 : f32
    %mul3A_477 = arith.mulf %mul3A_476, %get3A_458 : f32
    %floor3A_478 = math.floor %mul3A_477 : f32
    %max3A_479 = arith.constant 0.000000e+00 : f32
    %max3A_480 = arith.maximumf %floor3A_478, %max3A_479 : f32
    %mul3A_481 = arith.constant 2.500000e+01 : f32
    %mul3A_482 = arith.mulf %mul3A_481, %get3A_462 : f32
    %add3A_483 = arith.constant 1.000000e+00 : f32
    %add3A_484 = arith.addf %mul3A_482, %add3A_483 : f32
    %ceil3A_485 = math.ceil %add3A_484 : f32
    %min3A_486 = arith.constant 2.500000e+01 : f32
    %min3A_487 = arith.minimumf %ceil3A_485, %min3A_486 : f32
    %mul3A_488 = arith.constant 2.500000e+01 : f32
    %mul3A_489 = arith.mulf %mul3A_488, %get3A_466 : f32
    %add3A_490 = arith.constant 1.000000e+00 : f32
    %add3A_491 = arith.addf %mul3A_489, %add3A_490 : f32
    %ceil3A_492 = math.ceil %add3A_491 : f32
    %min3A_493 = arith.constant 2.500000e+01 : f32
    %min3A_494 = arith.minimumf %ceil3A_492, %min3A_493 : f32
    %ge3A_495 = vector.broadcast %max3A_480 : f32 to vector<1x625xf32>
    %ge3A_496 = arith.cmpf oge, %get3A_327, %ge3A_495 : vector<1x625xf32>
    %lt3A_497 = vector.broadcast %min3A_494 : f32 to vector<1x625xf32>
    %lt3A_498 = arith.cmpf olt, %get3A_327, %lt3A_497 : vector<1x625xf32>
    %and3A_499 = arith.andi %ge3A_496, %lt3A_498 : vector<1x625xi1>
    %ge3A_500 = vector.broadcast %max3A_475 : f32 to vector<1x625xf32>
    %ge3A_501 = arith.cmpf oge, %get3A_330, %ge3A_500 : vector<1x625xf32>
    %and3A_502 = arith.andi %and3A_499, %ge3A_501 : vector<1x625xi1>
    %lt3A_503 = vector.broadcast %min3A_487 : f32 to vector<1x625xf32>
    %lt3A_504 = arith.cmpf olt, %get3A_330, %lt3A_503 : vector<1x625xf32>
    %and3A_505 = arith.andi %and3A_502, %lt3A_504 : vector<1x625xi1>
    %add3A_506 = arith.constant 1.000000e+00 : f32
    %add3A_507 = arith.addf %get3A_470, %add3A_506 : f32
    %broadcast_in_dim3A_508 = vector.broadcast %add3A_507 : f32 to vector<1x625xf32>
    %select_n3A_509 = arith.select %and3A_505, %broadcast_in_dim3A_508, %select_n3A_450 : vector<1x625xi1>, vector<1x625xf32>
    %get3A_510 = arith.index_cast %arg0 : i32 to index
    %get3A_511 = arith.constant 3 : index
    %get3A_512 = arith.constant 0 : index
    %get3A_513 = memref.load %arg1[%get3A_510, %get3A_511, %get3A_512] : memref<16x5x5xf32, #tpu.memory_space<smem>>
    %get3A_514 = arith.index_cast %arg0 : i32 to index
    %get3A_515 = arith.constant 3 : index
    %get3A_516 = arith.constant 1 : index
    %get3A_517 = memref.load %arg1[%get3A_514, %get3A_515, %get3A_516] : memref<16x5x5xf32, #tpu.memory_space<smem>>
    %get3A_518 = arith.index_cast %arg0 : i32 to index
    %get3A_519 = arith.constant 3 : index
    %get3A_520 = arith.constant 2 : index
    %get3A_521 = memref.load %arg1[%get3A_518, %get3A_519, %get3A_520] : memref<16x5x5xf32, #tpu.memory_space<smem>>
    %get3A_522 = arith.index_cast %arg0 : i32 to index
    %get3A_523 = arith.constant 3 : index
    %get3A_524 = arith.constant 3 : index
    %get3A_525 = memref.load %arg1[%get3A_522, %get3A_523, %get3A_524] : memref<16x5x5xf32, #tpu.memory_space<smem>>
    %get3A_526 = arith.index_cast %arg0 : i32 to index
    %get3A_527 = arith.constant 3 : index
    %get3A_528 = arith.constant 4 : index
    %get3A_529 = memref.load %arg1[%get3A_526, %get3A_527, %get3A_528] : memref<16x5x5xf32, #tpu.memory_space<smem>>
    %mul3A_530 = arith.constant 2.500000e+01 : f32
    %mul3A_531 = arith.mulf %mul3A_530, %get3A_513 : f32
    %floor3A_532 = math.floor %mul3A_531 : f32
    %max3A_533 = arith.constant 0.000000e+00 : f32
    %max3A_534 = arith.maximumf %floor3A_532, %max3A_533 : f32
    %mul3A_535 = arith.constant 2.500000e+01 : f32
    %mul3A_536 = arith.mulf %mul3A_535, %get3A_517 : f32
    %floor3A_537 = math.floor %mul3A_536 : f32
    %max3A_538 = arith.constant 0.000000e+00 : f32
    %max3A_539 = arith.maximumf %floor3A_537, %max3A_538 : f32
    %mul3A_540 = arith.constant 2.500000e+01 : f32
    %mul3A_541 = arith.mulf %mul3A_540, %get3A_521 : f32
    %add3A_542 = arith.constant 1.000000e+00 : f32
    %add3A_543 = arith.addf %mul3A_541, %add3A_542 : f32
    %ceil3A_544 = math.ceil %add3A_543 : f32
    %min3A_545 = arith.constant 2.500000e+01 : f32
    %min3A_546 = arith.minimumf %ceil3A_544, %min3A_545 : f32
    %mul3A_547 = arith.constant 2.500000e+01 : f32
    %mul3A_548 = arith.mulf %mul3A_547, %get3A_525 : f32
    %add3A_549 = arith.constant 1.000000e+00 : f32
    %add3A_550 = arith.addf %mul3A_548, %add3A_549 : f32
    %ceil3A_551 = math.ceil %add3A_550 : f32
    %min3A_552 = arith.constant 2.500000e+01 : f32
    %min3A_553 = arith.minimumf %ceil3A_551, %min3A_552 : f32
    %ge3A_554 = vector.broadcast %max3A_539 : f32 to vector<1x625xf32>
    %ge3A_555 = arith.cmpf oge, %get3A_327, %ge3A_554 : vector<1x625xf32>
    %lt3A_556 = vector.broadcast %min3A_553 : f32 to vector<1x625xf32>
    %lt3A_557 = arith.cmpf olt, %get3A_327, %lt3A_556 : vector<1x625xf32>
    %and3A_558 = arith.andi %ge3A_555, %lt3A_557 : vector<1x625xi1>
    %ge3A_559 = vector.broadcast %max3A_534 : f32 to vector<1x625xf32>
    %ge3A_560 = arith.cmpf oge, %get3A_330, %ge3A_559 : vector<1x625xf32>
    %and3A_561 = arith.andi %and3A_558, %ge3A_560 : vector<1x625xi1>
    %lt3A_562 = vector.broadcast %min3A_546 : f32 to vector<1x625xf32>
    %lt3A_563 = arith.cmpf olt, %get3A_330, %lt3A_562 : vector<1x625xf32>
    %and3A_564 = arith.andi %and3A_561, %lt3A_563 : vector<1x625xi1>
    %add3A_565 = arith.constant 1.000000e+00 : f32
    %add3A_566 = arith.addf %get3A_529, %add3A_565 : f32
    %broadcast_in_dim3A_567 = vector.broadcast %add3A_566 : f32 to vector<1x625xf32>
    %select_n3A_568 = arith.select %and3A_564, %broadcast_in_dim3A_567, %select_n3A_509 : vector<1x625xi1>, vector<1x625xf32>
    %get3A_569 = arith.index_cast %arg0 : i32 to index
    %get3A_570 = arith.constant 4 : index
    %get3A_571 = arith.constant 0 : index
    %get3A_572 = memref.load %arg1[%get3A_569, %get3A_570, %get3A_571] : memref<16x5x5xf32, #tpu.memory_space<smem>>
    %get3A_573 = arith.index_cast %arg0 : i32 to index
    %get3A_574 = arith.constant 4 : index
    %get3A_575 = arith.constant 1 : index
    %get3A_576 = memref.load %arg1[%get3A_573, %get3A_574, %get3A_575] : memref<16x5x5xf32, #tpu.memory_space<smem>>
    %get3A_577 = arith.index_cast %arg0 : i32 to index
    %get3A_578 = arith.constant 4 : index
    %get3A_579 = arith.constant 2 : index
    %get3A_580 = memref.load %arg1[%get3A_577, %get3A_578, %get3A_579] : memref<16x5x5xf32, #tpu.memory_space<smem>>
    %get3A_581 = arith.index_cast %arg0 : i32 to index
    %get3A_582 = arith.constant 4 : index
    %get3A_583 = arith.constant 3 : index
    %get3A_584 = memref.load %arg1[%get3A_581, %get3A_582, %get3A_583] : memref<16x5x5xf32, #tpu.memory_space<smem>>
    %get3A_585 = arith.index_cast %arg0 : i32 to index
    %get3A_586 = arith.constant 4 : index
    %get3A_587 = arith.constant 4 : index
    %get3A_588 = memref.load %arg1[%get3A_585, %get3A_586, %get3A_587] : memref<16x5x5xf32, #tpu.memory_space<smem>>
    %mul3A_589 = arith.constant 2.500000e+01 : f32
    %mul3A_590 = arith.mulf %mul3A_589, %get3A_572 : f32
    %floor3A_591 = math.floor %mul3A_590 : f32
    %max3A_592 = arith.constant 0.000000e+00 : f32
    %max3A_593 = arith.maximumf %floor3A_591, %max3A_592 : f32
    %mul3A_594 = arith.constant 2.500000e+01 : f32
    %mul3A_595 = arith.mulf %mul3A_594, %get3A_576 : f32
    %floor3A_596 = math.floor %mul3A_595 : f32
    %max3A_597 = arith.constant 0.000000e+00 : f32
    %max3A_598 = arith.maximumf %floor3A_596, %max3A_597 : f32
    %mul3A_599 = arith.constant 2.500000e+01 : f32
    %mul3A_600 = arith.mulf %mul3A_599, %get3A_580 : f32
    %add3A_601 = arith.constant 1.000000e+00 : f32
    %add3A_602 = arith.addf %mul3A_600, %add3A_601 : f32
    %ceil3A_603 = math.ceil %add3A_602 : f32
    %min3A_604 = arith.constant 2.500000e+01 : f32
    %min3A_605 = arith.minimumf %ceil3A_603, %min3A_604 : f32
    %mul3A_606 = arith.constant 2.500000e+01 : f32
    %mul3A_607 = arith.mulf %mul3A_606, %get3A_584 : f32
    %add3A_608 = arith.constant 1.000000e+00 : f32
    %add3A_609 = arith.addf %mul3A_607, %add3A_608 : f32
    %ceil3A_610 = math.ceil %add3A_609 : f32
    %min3A_611 = arith.constant 2.500000e+01 : f32
    %min3A_612 = arith.minimumf %ceil3A_610, %min3A_611 : f32
    %ge3A_613 = vector.broadcast %max3A_598 : f32 to vector<1x625xf32>
    %ge3A_614 = arith.cmpf oge, %get3A_327, %ge3A_613 : vector<1x625xf32>
    %lt3A_615 = vector.broadcast %min3A_612 : f32 to vector<1x625xf32>
    %lt3A_616 = arith.cmpf olt, %get3A_327, %lt3A_615 : vector<1x625xf32>
    %and3A_617 = arith.andi %ge3A_614, %lt3A_616 : vector<1x625xi1>
    %ge3A_618 = vector.broadcast %max3A_593 : f32 to vector<1x625xf32>
    %ge3A_619 = arith.cmpf oge, %get3A_330, %ge3A_618 : vector<1x625xf32>
    %and3A_620 = arith.andi %and3A_617, %ge3A_619 : vector<1x625xi1>
    %lt3A_621 = vector.broadcast %min3A_605 : f32 to vector<1x625xf32>
    %lt3A_622 = arith.cmpf olt, %get3A_330, %lt3A_621 : vector<1x625xf32>
    %and3A_623 = arith.andi %and3A_620, %lt3A_622 : vector<1x625xi1>
    %add3A_624 = arith.constant 1.000000e+00 : f32
    %add3A_625 = arith.addf %get3A_588, %add3A_624 : f32
    %broadcast_in_dim3A_626 = vector.broadcast %add3A_625 : f32 to vector<1x625xf32>
    %select_n3A_627 = arith.select %and3A_623, %broadcast_in_dim3A_626, %select_n3A_568 : vector<1x625xi1>, vector<1x625xf32>
    %reduce_max3A_628 = arith.constant dense<0xFF800000> : vector<625xf32>
    %reduce_max3A_629 = vector.multi_reduction <maximumf>, %get3A_324, %reduce_max3A_628 [0] : vector<21x625xf32> to vector<625xf32>
    %broadcast_in_dim3A_630 = vector.shape_cast %reduce_max3A_629 : vector<625xf32> to vector<1x625xf32>
    %sub3A_631 = vector.broadcast %broadcast_in_dim3A_630 : vector<1x625xf32> to vector<21x625xf32>
    %sub3A_632 = arith.subf %get3A_324, %sub3A_631 : vector<21x625xf32>
    %exp3A_633 = math.exp %sub3A_632 : vector<21x625xf32>
    %reduce_sum3A_634 = arith.constant dense<0.000000e+00> : vector<625xf32>
    %reduce_sum3A_635 = vector.multi_reduction <add>, %exp3A_633, %reduce_sum3A_634 [0] : vector<21x625xf32> to vector<625xf32>
    %broadcast_in_dim3A_636 = vector.shape_cast %reduce_sum3A_635 : vector<625xf32> to vector<1x625xf32>
    %log3A_637 = math.log %broadcast_in_dim3A_636 : vector<1x625xf32>
    %add3A_638 = arith.addf %log3A_637, %broadcast_in_dim3A_630 : vector<1x625xf32>
    %iota3A_639 = tpu.iota {dimensions = array<i32: 0>} : vector<21x625xi32>
    %convert_element_type3A_640 = arith.sitofp %iota3A_639 : vector<21x625xi32> to vector<21x625xf32>
    %eq3A_641 = vector.broadcast %select_n3A_627 : vector<1x625xf32> to vector<21x625xf32>
    %eq3A_642 = arith.cmpf oeq, %convert_element_type3A_640, %eq3A_641 : vector<21x625xf32>
    %jit3A_643 = arith.constant 0.000000e+00 : f32
    %broadcast_in_dim3A_644 = vector.broadcast %jit3A_643 : f32 to vector<21x625xf32>
    %select_n3A_645 = arith.select %eq3A_642, %get3A_324, %broadcast_in_dim3A_644 : vector<21x625xi1>, vector<21x625xf32>
    %reduce_sum3A_646 = arith.constant dense<0.000000e+00> : vector<625xf32>
    %reduce_sum3A_647 = vector.multi_reduction <add>, %select_n3A_645, %reduce_sum3A_646 [0] : vector<21x625xf32> to vector<625xf32>
    %broadcast_in_dim3A_648 = vector.shape_cast %reduce_sum3A_647 : vector<625xf32> to vector<1x625xf32>
    %sub3A_649 = arith.subf %add3A_638, %broadcast_in_dim3A_648 : vector<1x625xf32>
    %reduce_sum3A_650 = vector.shape_cast %sub3A_649 : vector<1x625xf32> to vector<1x1x625xf32>
    %reduce_sum3A_651 = arith.constant dense<0.000000e+00> : vector<1xf32>
    %reduce_sum3A_652 = vector.multi_reduction <add>, %reduce_sum3A_650, %reduce_sum3A_651 [1, 2] : vector<1x1x625xf32> to vector<1xf32>
    %reduce_sum3A_653 = vector.shape_cast %reduce_sum3A_652 : vector<1xf32> to vector<1x1x1xf32>
    %reduce_sum3A_654 = vector.extract %reduce_sum3A_653[0, 0, 0] : f32 from vector<1x1x1xf32>
    %add3A_655 = arith.addf %add3A_319, %reduce_sum3A_654 : f32
    %get3A_656 = arith.constant 0 : index
    %get3A_657 = arith.constant 0 : index
    %get3A_658 = arith.constant 0 : index
    %get3A_659 = vector.load %arg10[%get3A_656, %get3A_657, %get3A_658] : memref<1x21x169xf32, #tpu.memory_space<vmem>>, vector<1x21x169xf32>
    %get3A_660 = vector.shape_cast %get3A_659 : vector<1x21x169xf32> to vector<21x169xf32>
    %get3A_661 = arith.constant 0 : index
    %get3A_662 = arith.constant 0 : index
    %get3A_663 = vector.load %arg8[%get3A_661, %get3A_662] : memref<1x169xf32, #tpu.memory_space<vmem>>, vector<1x169xf32>
    %get3A_664 = arith.constant 0 : index
    %get3A_665 = arith.constant 0 : index
    %get3A_666 = vector.load %arg9[%get3A_664, %get3A_665] : memref<1x169xf32, #tpu.memory_space<vmem>>, vector<1x169xf32>
    %broadcast_in_dim3A_667 = arith.constant 0.000000e+00 : f32
    %broadcast_in_dim3A_668 = vector.broadcast %broadcast_in_dim3A_667 : f32 to vector<1x169xf32>
    %get3A_669 = arith.index_cast %arg0 : i32 to index
    %get3A_670 = arith.constant 0 : index
    %get3A_671 = arith.constant 0 : index
    %get3A_672 = memref.load %arg1[%get3A_669, %get3A_670, %get3A_671] : memref<16x5x5xf32, #tpu.memory_space<smem>>
    %get3A_673 = arith.index_cast %arg0 : i32 to index
    %get3A_674 = arith.constant 0 : index
    %get3A_675 = arith.constant 1 : index
    %get3A_676 = memref.load %arg1[%get3A_673, %get3A_674, %get3A_675] : memref<16x5x5xf32, #tpu.memory_space<smem>>
    %get3A_677 = arith.index_cast %arg0 : i32 to index
    %get3A_678 = arith.constant 0 : index
    %get3A_679 = arith.constant 2 : index
    %get3A_680 = memref.load %arg1[%get3A_677, %get3A_678, %get3A_679] : memref<16x5x5xf32, #tpu.memory_space<smem>>
    %get3A_681 = arith.index_cast %arg0 : i32 to index
    %get3A_682 = arith.constant 0 : index
    %get3A_683 = arith.constant 3 : index
    %get3A_684 = memref.load %arg1[%get3A_681, %get3A_682, %get3A_683] : memref<16x5x5xf32, #tpu.memory_space<smem>>
    %get3A_685 = arith.index_cast %arg0 : i32 to index
    %get3A_686 = arith.constant 0 : index
    %get3A_687 = arith.constant 4 : index
    %get3A_688 = memref.load %arg1[%get3A_685, %get3A_686, %get3A_687] : memref<16x5x5xf32, #tpu.memory_space<smem>>
    %mul3A_689 = arith.constant 1.300000e+01 : f32
    %mul3A_690 = arith.mulf %mul3A_689, %get3A_672 : f32
    %floor3A_691 = math.floor %mul3A_690 : f32
    %max3A_692 = arith.constant 0.000000e+00 : f32
    %max3A_693 = arith.maximumf %floor3A_691, %max3A_692 : f32
    %mul3A_694 = arith.constant 1.300000e+01 : f32
    %mul3A_695 = arith.mulf %mul3A_694, %get3A_676 : f32
    %floor3A_696 = math.floor %mul3A_695 : f32
    %max3A_697 = arith.constant 0.000000e+00 : f32
    %max3A_698 = arith.maximumf %floor3A_696, %max3A_697 : f32
    %mul3A_699 = arith.constant 1.300000e+01 : f32
    %mul3A_700 = arith.mulf %mul3A_699, %get3A_680 : f32
    %add3A_701 = arith.constant 1.000000e+00 : f32
    %add3A_702 = arith.addf %mul3A_700, %add3A_701 : f32
    %ceil3A_703 = math.ceil %add3A_702 : f32
    %min3A_704 = arith.constant 1.300000e+01 : f32
    %min3A_705 = arith.minimumf %ceil3A_703, %min3A_704 : f32
    %mul3A_706 = arith.constant 1.300000e+01 : f32
    %mul3A_707 = arith.mulf %mul3A_706, %get3A_684 : f32
    %add3A_708 = arith.constant 1.000000e+00 : f32
    %add3A_709 = arith.addf %mul3A_707, %add3A_708 : f32
    %ceil3A_710 = math.ceil %add3A_709 : f32
    %min3A_711 = arith.constant 1.300000e+01 : f32
    %min3A_712 = arith.minimumf %ceil3A_710, %min3A_711 : f32
    %ge3A_713 = vector.broadcast %max3A_698 : f32 to vector<1x169xf32>
    %ge3A_714 = arith.cmpf oge, %get3A_663, %ge3A_713 : vector<1x169xf32>
    %lt3A_715 = vector.broadcast %min3A_712 : f32 to vector<1x169xf32>
    %lt3A_716 = arith.cmpf olt, %get3A_663, %lt3A_715 : vector<1x169xf32>
    %and3A_717 = arith.andi %ge3A_714, %lt3A_716 : vector<1x169xi1>
    %ge3A_718 = vector.broadcast %max3A_693 : f32 to vector<1x169xf32>
    %ge3A_719 = arith.cmpf oge, %get3A_666, %ge3A_718 : vector<1x169xf32>
    %and3A_720 = arith.andi %and3A_717, %ge3A_719 : vector<1x169xi1>
    %lt3A_721 = vector.broadcast %min3A_705 : f32 to vector<1x169xf32>
    %lt3A_722 = arith.cmpf olt, %get3A_666, %lt3A_721 : vector<1x169xf32>
    %and3A_723 = arith.andi %and3A_720, %lt3A_722 : vector<1x169xi1>
    %add3A_724 = arith.constant 1.000000e+00 : f32
    %add3A_725 = arith.addf %get3A_688, %add3A_724 : f32
    %broadcast_in_dim3A_726 = vector.broadcast %add3A_725 : f32 to vector<1x169xf32>
    %select_n3A_727 = arith.select %and3A_723, %broadcast_in_dim3A_726, %broadcast_in_dim3A_668 : vector<1x169xi1>, vector<1x169xf32>
    %get3A_728 = arith.index_cast %arg0 : i32 to index
    %get3A_729 = arith.constant 1 : index
    %get3A_730 = arith.constant 0 : index
    %get3A_731 = memref.load %arg1[%get3A_728, %get3A_729, %get3A_730] : memref<16x5x5xf32, #tpu.memory_space<smem>>
    %get3A_732 = arith.index_cast %arg0 : i32 to index
    %get3A_733 = arith.constant 1 : index
    %get3A_734 = arith.constant 1 : index
    %get3A_735 = memref.load %arg1[%get3A_732, %get3A_733, %get3A_734] : memref<16x5x5xf32, #tpu.memory_space<smem>>
    %get3A_736 = arith.index_cast %arg0 : i32 to index
    %get3A_737 = arith.constant 1 : index
    %get3A_738 = arith.constant 2 : index
    %get3A_739 = memref.load %arg1[%get3A_736, %get3A_737, %get3A_738] : memref<16x5x5xf32, #tpu.memory_space<smem>>
    %get3A_740 = arith.index_cast %arg0 : i32 to index
    %get3A_741 = arith.constant 1 : index
    %get3A_742 = arith.constant 3 : index
    %get3A_743 = memref.load %arg1[%get3A_740, %get3A_741, %get3A_742] : memref<16x5x5xf32, #tpu.memory_space<smem>>
    %get3A_744 = arith.index_cast %arg0 : i32 to index
    %get3A_745 = arith.constant 1 : index
    %get3A_746 = arith.constant 4 : index
    %get3A_747 = memref.load %arg1[%get3A_744, %get3A_745, %get3A_746] : memref<16x5x5xf32, #tpu.memory_space<smem>>
    %mul3A_748 = arith.constant 1.300000e+01 : f32
    %mul3A_749 = arith.mulf %mul3A_748, %get3A_731 : f32
    %floor3A_750 = math.floor %mul3A_749 : f32
    %max3A_751 = arith.constant 0.000000e+00 : f32
    %max3A_752 = arith.maximumf %floor3A_750, %max3A_751 : f32
    %mul3A_753 = arith.constant 1.300000e+01 : f32
    %mul3A_754 = arith.mulf %mul3A_753, %get3A_735 : f32
    %floor3A_755 = math.floor %mul3A_754 : f32
    %max3A_756 = arith.constant 0.000000e+00 : f32
    %max3A_757 = arith.maximumf %floor3A_755, %max3A_756 : f32
    %mul3A_758 = arith.constant 1.300000e+01 : f32
    %mul3A_759 = arith.mulf %mul3A_758, %get3A_739 : f32
    %add3A_760 = arith.constant 1.000000e+00 : f32
    %add3A_761 = arith.addf %mul3A_759, %add3A_760 : f32
    %ceil3A_762 = math.ceil %add3A_761 : f32
    %min3A_763 = arith.constant 1.300000e+01 : f32
    %min3A_764 = arith.minimumf %ceil3A_762, %min3A_763 : f32
    %mul3A_765 = arith.constant 1.300000e+01 : f32
    %mul3A_766 = arith.mulf %mul3A_765, %get3A_743 : f32
    %add3A_767 = arith.constant 1.000000e+00 : f32
    %add3A_768 = arith.addf %mul3A_766, %add3A_767 : f32
    %ceil3A_769 = math.ceil %add3A_768 : f32
    %min3A_770 = arith.constant 1.300000e+01 : f32
    %min3A_771 = arith.minimumf %ceil3A_769, %min3A_770 : f32
    %ge3A_772 = vector.broadcast %max3A_757 : f32 to vector<1x169xf32>
    %ge3A_773 = arith.cmpf oge, %get3A_663, %ge3A_772 : vector<1x169xf32>
    %lt3A_774 = vector.broadcast %min3A_771 : f32 to vector<1x169xf32>
    %lt3A_775 = arith.cmpf olt, %get3A_663, %lt3A_774 : vector<1x169xf32>
    %and3A_776 = arith.andi %ge3A_773, %lt3A_775 : vector<1x169xi1>
    %ge3A_777 = vector.broadcast %max3A_752 : f32 to vector<1x169xf32>
    %ge3A_778 = arith.cmpf oge, %get3A_666, %ge3A_777 : vector<1x169xf32>
    %and3A_779 = arith.andi %and3A_776, %ge3A_778 : vector<1x169xi1>
    %lt3A_780 = vector.broadcast %min3A_764 : f32 to vector<1x169xf32>
    %lt3A_781 = arith.cmpf olt, %get3A_666, %lt3A_780 : vector<1x169xf32>
    %and3A_782 = arith.andi %and3A_779, %lt3A_781 : vector<1x169xi1>
    %add3A_783 = arith.constant 1.000000e+00 : f32
    %add3A_784 = arith.addf %get3A_747, %add3A_783 : f32
    %broadcast_in_dim3A_785 = vector.broadcast %add3A_784 : f32 to vector<1x169xf32>
    %select_n3A_786 = arith.select %and3A_782, %broadcast_in_dim3A_785, %select_n3A_727 : vector<1x169xi1>, vector<1x169xf32>
    %get3A_787 = arith.index_cast %arg0 : i32 to index
    %get3A_788 = arith.constant 2 : index
    %get3A_789 = arith.constant 0 : index
    %get3A_790 = memref.load %arg1[%get3A_787, %get3A_788, %get3A_789] : memref<16x5x5xf32, #tpu.memory_space<smem>>
    %get3A_791 = arith.index_cast %arg0 : i32 to index
    %get3A_792 = arith.constant 2 : index
    %get3A_793 = arith.constant 1 : index
    %get3A_794 = memref.load %arg1[%get3A_791, %get3A_792, %get3A_793] : memref<16x5x5xf32, #tpu.memory_space<smem>>
    %get3A_795 = arith.index_cast %arg0 : i32 to index
    %get3A_796 = arith.constant 2 : index
    %get3A_797 = arith.constant 2 : index
    %get3A_798 = memref.load %arg1[%get3A_795, %get3A_796, %get3A_797] : memref<16x5x5xf32, #tpu.memory_space<smem>>
    %get3A_799 = arith.index_cast %arg0 : i32 to index
    %get3A_800 = arith.constant 2 : index
    %get3A_801 = arith.constant 3 : index
    %get3A_802 = memref.load %arg1[%get3A_799, %get3A_800, %get3A_801] : memref<16x5x5xf32, #tpu.memory_space<smem>>
    %get3A_803 = arith.index_cast %arg0 : i32 to index
    %get3A_804 = arith.constant 2 : index
    %get3A_805 = arith.constant 4 : index
    %get3A_806 = memref.load %arg1[%get3A_803, %get3A_804, %get3A_805] : memref<16x5x5xf32, #tpu.memory_space<smem>>
    %mul3A_807 = arith.constant 1.300000e+01 : f32
    %mul3A_808 = arith.mulf %mul3A_807, %get3A_790 : f32
    %floor3A_809 = math.floor %mul3A_808 : f32
    %max3A_810 = arith.constant 0.000000e+00 : f32
    %max3A_811 = arith.maximumf %floor3A_809, %max3A_810 : f32
    %mul3A_812 = arith.constant 1.300000e+01 : f32
    %mul3A_813 = arith.mulf %mul3A_812, %get3A_794 : f32
    %floor3A_814 = math.floor %mul3A_813 : f32
    %max3A_815 = arith.constant 0.000000e+00 : f32
    %max3A_816 = arith.maximumf %floor3A_814, %max3A_815 : f32
    %mul3A_817 = arith.constant 1.300000e+01 : f32
    %mul3A_818 = arith.mulf %mul3A_817, %get3A_798 : f32
    %add3A_819 = arith.constant 1.000000e+00 : f32
    %add3A_820 = arith.addf %mul3A_818, %add3A_819 : f32
    %ceil3A_821 = math.ceil %add3A_820 : f32
    %min3A_822 = arith.constant 1.300000e+01 : f32
    %min3A_823 = arith.minimumf %ceil3A_821, %min3A_822 : f32
    %mul3A_824 = arith.constant 1.300000e+01 : f32
    %mul3A_825 = arith.mulf %mul3A_824, %get3A_802 : f32
    %add3A_826 = arith.constant 1.000000e+00 : f32
    %add3A_827 = arith.addf %mul3A_825, %add3A_826 : f32
    %ceil3A_828 = math.ceil %add3A_827 : f32
    %min3A_829 = arith.constant 1.300000e+01 : f32
    %min3A_830 = arith.minimumf %ceil3A_828, %min3A_829 : f32
    %ge3A_831 = vector.broadcast %max3A_816 : f32 to vector<1x169xf32>
    %ge3A_832 = arith.cmpf oge, %get3A_663, %ge3A_831 : vector<1x169xf32>
    %lt3A_833 = vector.broadcast %min3A_830 : f32 to vector<1x169xf32>
    %lt3A_834 = arith.cmpf olt, %get3A_663, %lt3A_833 : vector<1x169xf32>
    %and3A_835 = arith.andi %ge3A_832, %lt3A_834 : vector<1x169xi1>
    %ge3A_836 = vector.broadcast %max3A_811 : f32 to vector<1x169xf32>
    %ge3A_837 = arith.cmpf oge, %get3A_666, %ge3A_836 : vector<1x169xf32>
    %and3A_838 = arith.andi %and3A_835, %ge3A_837 : vector<1x169xi1>
    %lt3A_839 = vector.broadcast %min3A_823 : f32 to vector<1x169xf32>
    %lt3A_840 = arith.cmpf olt, %get3A_666, %lt3A_839 : vector<1x169xf32>
    %and3A_841 = arith.andi %and3A_838, %lt3A_840 : vector<1x169xi1>
    %add3A_842 = arith.constant 1.000000e+00 : f32
    %add3A_843 = arith.addf %get3A_806, %add3A_842 : f32
    %broadcast_in_dim3A_844 = vector.broadcast %add3A_843 : f32 to vector<1x169xf32>
    %select_n3A_845 = arith.select %and3A_841, %broadcast_in_dim3A_844, %select_n3A_786 : vector<1x169xi1>, vector<1x169xf32>
    %get3A_846 = arith.index_cast %arg0 : i32 to index
    %get3A_847 = arith.constant 3 : index
    %get3A_848 = arith.constant 0 : index
    %get3A_849 = memref.load %arg1[%get3A_846, %get3A_847, %get3A_848] : memref<16x5x5xf32, #tpu.memory_space<smem>>
    %get3A_850 = arith.index_cast %arg0 : i32 to index
    %get3A_851 = arith.constant 3 : index
    %get3A_852 = arith.constant 1 : index
    %get3A_853 = memref.load %arg1[%get3A_850, %get3A_851, %get3A_852] : memref<16x5x5xf32, #tpu.memory_space<smem>>
    %get3A_854 = arith.index_cast %arg0 : i32 to index
    %get3A_855 = arith.constant 3 : index
    %get3A_856 = arith.constant 2 : index
    %get3A_857 = memref.load %arg1[%get3A_854, %get3A_855, %get3A_856] : memref<16x5x5xf32, #tpu.memory_space<smem>>
    %get3A_858 = arith.index_cast %arg0 : i32 to index
    %get3A_859 = arith.constant 3 : index
    %get3A_860 = arith.constant 3 : index
    %get3A_861 = memref.load %arg1[%get3A_858, %get3A_859, %get3A_860] : memref<16x5x5xf32, #tpu.memory_space<smem>>
    %get3A_862 = arith.index_cast %arg0 : i32 to index
    %get3A_863 = arith.constant 3 : index
    %get3A_864 = arith.constant 4 : index
    %get3A_865 = memref.load %arg1[%get3A_862, %get3A_863, %get3A_864] : memref<16x5x5xf32, #tpu.memory_space<smem>>
    %mul3A_866 = arith.constant 1.300000e+01 : f32
    %mul3A_867 = arith.mulf %mul3A_866, %get3A_849 : f32
    %floor3A_868 = math.floor %mul3A_867 : f32
    %max3A_869 = arith.constant 0.000000e+00 : f32
    %max3A_870 = arith.maximumf %floor3A_868, %max3A_869 : f32
    %mul3A_871 = arith.constant 1.300000e+01 : f32
    %mul3A_872 = arith.mulf %mul3A_871, %get3A_853 : f32
    %floor3A_873 = math.floor %mul3A_872 : f32
    %max3A_874 = arith.constant 0.000000e+00 : f32
    %max3A_875 = arith.maximumf %floor3A_873, %max3A_874 : f32
    %mul3A_876 = arith.constant 1.300000e+01 : f32
    %mul3A_877 = arith.mulf %mul3A_876, %get3A_857 : f32
    %add3A_878 = arith.constant 1.000000e+00 : f32
    %add3A_879 = arith.addf %mul3A_877, %add3A_878 : f32
    %ceil3A_880 = math.ceil %add3A_879 : f32
    %min3A_881 = arith.constant 1.300000e+01 : f32
    %min3A_882 = arith.minimumf %ceil3A_880, %min3A_881 : f32
    %mul3A_883 = arith.constant 1.300000e+01 : f32
    %mul3A_884 = arith.mulf %mul3A_883, %get3A_861 : f32
    %add3A_885 = arith.constant 1.000000e+00 : f32
    %add3A_886 = arith.addf %mul3A_884, %add3A_885 : f32
    %ceil3A_887 = math.ceil %add3A_886 : f32
    %min3A_888 = arith.constant 1.300000e+01 : f32
    %min3A_889 = arith.minimumf %ceil3A_887, %min3A_888 : f32
    %ge3A_890 = vector.broadcast %max3A_875 : f32 to vector<1x169xf32>
    %ge3A_891 = arith.cmpf oge, %get3A_663, %ge3A_890 : vector<1x169xf32>
    %lt3A_892 = vector.broadcast %min3A_889 : f32 to vector<1x169xf32>
    %lt3A_893 = arith.cmpf olt, %get3A_663, %lt3A_892 : vector<1x169xf32>
    %and3A_894 = arith.andi %ge3A_891, %lt3A_893 : vector<1x169xi1>
    %ge3A_895 = vector.broadcast %max3A_870 : f32 to vector<1x169xf32>
    %ge3A_896 = arith.cmpf oge, %get3A_666, %ge3A_895 : vector<1x169xf32>
    %and3A_897 = arith.andi %and3A_894, %ge3A_896 : vector<1x169xi1>
    %lt3A_898 = vector.broadcast %min3A_882 : f32 to vector<1x169xf32>
    %lt3A_899 = arith.cmpf olt, %get3A_666, %lt3A_898 : vector<1x169xf32>
    %and3A_900 = arith.andi %and3A_897, %lt3A_899 : vector<1x169xi1>
    %add3A_901 = arith.constant 1.000000e+00 : f32
    %add3A_902 = arith.addf %get3A_865, %add3A_901 : f32
    %broadcast_in_dim3A_903 = vector.broadcast %add3A_902 : f32 to vector<1x169xf32>
    %select_n3A_904 = arith.select %and3A_900, %broadcast_in_dim3A_903, %select_n3A_845 : vector<1x169xi1>, vector<1x169xf32>
    %get3A_905 = arith.index_cast %arg0 : i32 to index
    %get3A_906 = arith.constant 4 : index
    %get3A_907 = arith.constant 0 : index
    %get3A_908 = memref.load %arg1[%get3A_905, %get3A_906, %get3A_907] : memref<16x5x5xf32, #tpu.memory_space<smem>>
    %get3A_909 = arith.index_cast %arg0 : i32 to index
    %get3A_910 = arith.constant 4 : index
    %get3A_911 = arith.constant 1 : index
    %get3A_912 = memref.load %arg1[%get3A_909, %get3A_910, %get3A_911] : memref<16x5x5xf32, #tpu.memory_space<smem>>
    %get3A_913 = arith.index_cast %arg0 : i32 to index
    %get3A_914 = arith.constant 4 : index
    %get3A_915 = arith.constant 2 : index
    %get3A_916 = memref.load %arg1[%get3A_913, %get3A_914, %get3A_915] : memref<16x5x5xf32, #tpu.memory_space<smem>>
    %get3A_917 = arith.index_cast %arg0 : i32 to index
    %get3A_918 = arith.constant 4 : index
    %get3A_919 = arith.constant 3 : index
    %get3A_920 = memref.load %arg1[%get3A_917, %get3A_918, %get3A_919] : memref<16x5x5xf32, #tpu.memory_space<smem>>
    %get3A_921 = arith.index_cast %arg0 : i32 to index
    %get3A_922 = arith.constant 4 : index
    %get3A_923 = arith.constant 4 : index
    %get3A_924 = memref.load %arg1[%get3A_921, %get3A_922, %get3A_923] : memref<16x5x5xf32, #tpu.memory_space<smem>>
    %mul3A_925 = arith.constant 1.300000e+01 : f32
    %mul3A_926 = arith.mulf %mul3A_925, %get3A_908 : f32
    %floor3A_927 = math.floor %mul3A_926 : f32
    %max3A_928 = arith.constant 0.000000e+00 : f32
    %max3A_929 = arith.maximumf %floor3A_927, %max3A_928 : f32
    %mul3A_930 = arith.constant 1.300000e+01 : f32
    %mul3A_931 = arith.mulf %mul3A_930, %get3A_912 : f32
    %floor3A_932 = math.floor %mul3A_931 : f32
    %max3A_933 = arith.constant 0.000000e+00 : f32
    %max3A_934 = arith.maximumf %floor3A_932, %max3A_933 : f32
    %mul3A_935 = arith.constant 1.300000e+01 : f32
    %mul3A_936 = arith.mulf %mul3A_935, %get3A_916 : f32
    %add3A_937 = arith.constant 1.000000e+00 : f32
    %add3A_938 = arith.addf %mul3A_936, %add3A_937 : f32
    %ceil3A_939 = math.ceil %add3A_938 : f32
    %min3A_940 = arith.constant 1.300000e+01 : f32
    %min3A_941 = arith.minimumf %ceil3A_939, %min3A_940 : f32
    %mul3A_942 = arith.constant 1.300000e+01 : f32
    %mul3A_943 = arith.mulf %mul3A_942, %get3A_920 : f32
    %add3A_944 = arith.constant 1.000000e+00 : f32
    %add3A_945 = arith.addf %mul3A_943, %add3A_944 : f32
    %ceil3A_946 = math.ceil %add3A_945 : f32
    %min3A_947 = arith.constant 1.300000e+01 : f32
    %min3A_948 = arith.minimumf %ceil3A_946, %min3A_947 : f32
    %ge3A_949 = vector.broadcast %max3A_934 : f32 to vector<1x169xf32>
    %ge3A_950 = arith.cmpf oge, %get3A_663, %ge3A_949 : vector<1x169xf32>
    %lt3A_951 = vector.broadcast %min3A_948 : f32 to vector<1x169xf32>
    %lt3A_952 = arith.cmpf olt, %get3A_663, %lt3A_951 : vector<1x169xf32>
    %and3A_953 = arith.andi %ge3A_950, %lt3A_952 : vector<1x169xi1>
    %ge3A_954 = vector.broadcast %max3A_929 : f32 to vector<1x169xf32>
    %ge3A_955 = arith.cmpf oge, %get3A_666, %ge3A_954 : vector<1x169xf32>
    %and3A_956 = arith.andi %and3A_953, %ge3A_955 : vector<1x169xi1>
    %lt3A_957 = vector.broadcast %min3A_941 : f32 to vector<1x169xf32>
    %lt3A_958 = arith.cmpf olt, %get3A_666, %lt3A_957 : vector<1x169xf32>
    %and3A_959 = arith.andi %and3A_956, %lt3A_958 : vector<1x169xi1>
    %add3A_960 = arith.constant 1.000000e+00 : f32
    %add3A_961 = arith.addf %get3A_924, %add3A_960 : f32
    %broadcast_in_dim3A_962 = vector.broadcast %add3A_961 : f32 to vector<1x169xf32>
    %select_n3A_963 = arith.select %and3A_959, %broadcast_in_dim3A_962, %select_n3A_904 : vector<1x169xi1>, vector<1x169xf32>
    %reduce_max3A_964 = arith.constant dense<0xFF800000> : vector<169xf32>
    %reduce_max3A_965 = vector.multi_reduction <maximumf>, %get3A_660, %reduce_max3A_964 [0] : vector<21x169xf32> to vector<169xf32>
    %broadcast_in_dim3A_966 = vector.shape_cast %reduce_max3A_965 : vector<169xf32> to vector<1x169xf32>
    %sub3A_967 = vector.broadcast %broadcast_in_dim3A_966 : vector<1x169xf32> to vector<21x169xf32>
    %sub3A_968 = arith.subf %get3A_660, %sub3A_967 : vector<21x169xf32>
    %exp3A_969 = math.exp %sub3A_968 : vector<21x169xf32>
    %reduce_sum3A_970 = arith.constant dense<0.000000e+00> : vector<169xf32>
    %reduce_sum3A_971 = vector.multi_reduction <add>, %exp3A_969, %reduce_sum3A_970 [0] : vector<21x169xf32> to vector<169xf32>
    %broadcast_in_dim3A_972 = vector.shape_cast %reduce_sum3A_971 : vector<169xf32> to vector<1x169xf32>
    %log3A_973 = math.log %broadcast_in_dim3A_972 : vector<1x169xf32>
    %add3A_974 = arith.addf %log3A_973, %broadcast_in_dim3A_966 : vector<1x169xf32>
    %iota3A_975 = tpu.iota {dimensions = array<i32: 0>} : vector<21x169xi32>
    %convert_element_type3A_976 = arith.sitofp %iota3A_975 : vector<21x169xi32> to vector<21x169xf32>
    %eq3A_977 = vector.broadcast %select_n3A_963 : vector<1x169xf32> to vector<21x169xf32>
    %eq3A_978 = arith.cmpf oeq, %convert_element_type3A_976, %eq3A_977 : vector<21x169xf32>
    %jit3A_979 = arith.constant 0.000000e+00 : f32
    %broadcast_in_dim3A_980 = vector.broadcast %jit3A_979 : f32 to vector<21x169xf32>
    %select_n3A_981 = arith.select %eq3A_978, %get3A_660, %broadcast_in_dim3A_980 : vector<21x169xi1>, vector<21x169xf32>
    %reduce_sum3A_982 = arith.constant dense<0.000000e+00> : vector<169xf32>
    %reduce_sum3A_983 = vector.multi_reduction <add>, %select_n3A_981, %reduce_sum3A_982 [0] : vector<21x169xf32> to vector<169xf32>
    %broadcast_in_dim3A_984 = vector.shape_cast %reduce_sum3A_983 : vector<169xf32> to vector<1x169xf32>
    %sub3A_985 = arith.subf %add3A_974, %broadcast_in_dim3A_984 : vector<1x169xf32>
    %reduce_sum3A_986 = vector.shape_cast %sub3A_985 : vector<1x169xf32> to vector<1x1x169xf32>
    %reduce_sum3A_987 = arith.constant dense<0.000000e+00> : vector<1xf32>
    %reduce_sum3A_988 = vector.multi_reduction <add>, %reduce_sum3A_986, %reduce_sum3A_987 [1, 2] : vector<1x1x169xf32> to vector<1xf32>
    %reduce_sum3A_989 = vector.shape_cast %reduce_sum3A_988 : vector<1xf32> to vector<1x1x1xf32>
    %reduce_sum3A_990 = vector.extract %reduce_sum3A_989[0, 0, 0] : f32 from vector<1x1x1xf32>
    %add3A_991 = arith.addf %add3A_655, %reduce_sum3A_990 : f32
    %get3A_992 = arith.constant 0 : index
    %get3A_993 = memref.load %arg21[%get3A_992] : memref<4xf32, #tpu.memory_space<smem>>
    %add3A_994 = arith.addf %get3A_993, %add3A_991 : f32
    %swap3A = arith.constant 0 : index
    %swap3A_995 = memref.load %arg21[%swap3A] : memref<4xf32, #tpu.memory_space<smem>>
    memref.store %add3A_994, %arg21[%swap3A] : memref<4xf32, #tpu.memory_space<smem>>
    %get3A_996 = arith.constant 0 : index
    %get3A_997 = arith.constant 0 : index
    %get3A_998 = arith.constant 0 : index
    %get3A_999 = vector.load %arg11[%get3A_996, %get3A_997, %get3A_998] : memref<4x69x128xf32, #tpu.memory_space<vmem>>, vector<1x69x128xf32>
    %get3A_1000 = vector.shape_cast %get3A_999 : vector<1x69x128xf32> to vector<69x128xf32>
    %get3A_1001 = arith.constant 1 : index
    %get3A_1002 = arith.constant 0 : index
    %get3A_1003 = arith.constant 0 : index
    %get3A_1004 = vector.load %arg11[%get3A_1001, %get3A_1002, %get3A_1003] : memref<4x69x128xf32, #tpu.memory_space<vmem>>, vector<1x69x128xf32>
    %get3A_1005 = vector.shape_cast %get3A_1004 : vector<1x69x128xf32> to vector<69x128xf32>
    %get3A_1006 = arith.constant 2 : index
    %get3A_1007 = arith.constant 0 : index
    %get3A_1008 = arith.constant 0 : index
    %get3A_1009 = vector.load %arg11[%get3A_1006, %get3A_1007, %get3A_1008] : memref<4x69x128xf32, #tpu.memory_space<vmem>>, vector<1x69x128xf32>
    %get3A_1010 = vector.shape_cast %get3A_1009 : vector<1x69x128xf32> to vector<69x128xf32>
    %get3A_1011 = arith.constant 3 : index
    %get3A_1012 = arith.constant 0 : index
    %get3A_1013 = arith.constant 0 : index
    %get3A_1014 = vector.load %arg11[%get3A_1011, %get3A_1012, %get3A_1013] : memref<4x69x128xf32, #tpu.memory_space<vmem>>, vector<1x69x128xf32>
    %get3A_1015 = vector.shape_cast %get3A_1014 : vector<1x69x128xf32> to vector<69x128xf32>
    %get3A_1016 = arith.constant 0 : index
    %get3A_1017 = arith.constant 0 : index
    %get3A_1018 = arith.constant 0 : index
    %get3A_1019 = vector.load %arg14[%get3A_1016, %get3A_1017, %get3A_1018] : memref<1x69x128xf32, #tpu.memory_space<vmem>>, vector<1x69x128xf32>
    %get3A_1020 = vector.shape_cast %get3A_1019 : vector<1x69x128xf32> to vector<69x128xf32>
    %get3A_1021 = arith.constant 0 : index
    %get3A_1022 = arith.constant 0 : index
    %get3A_1023 = arith.constant 0 : index
    %get3A_1024 = vector.load %arg15[%get3A_1021, %get3A_1022, %get3A_1023] : memref<1x69x128xi32, #tpu.memory_space<vmem>>, vector<1x69x128xi32>
    %get3A_1025 = vector.shape_cast %get3A_1024 : vector<1x69x128xi32> to vector<69x128xi32>
    %gt3A = arith.constant 0.000000e+00 : f32
    %gt3A_1026 = vector.broadcast %gt3A : f32 to vector<69x128xf32>
    %gt3A_1027 = arith.cmpf ogt, %get3A_1020, %gt3A_1026 : vector<69x128xf32>
    %jit3A_1028 = arith.constant 1.000000e+00 : f32
    %jit3A_1029 = arith.constant 0.000000e+00 : f32
    %broadcast_in_dim3A_1030 = vector.broadcast %jit3A_1028 : f32 to vector<69x128xf32>
    %broadcast_in_dim3A_1031 = vector.broadcast %jit3A_1029 : f32 to vector<69x128xf32>
    %select_n3A_1032 = arith.select %gt3A_1027, %broadcast_in_dim3A_1030, %broadcast_in_dim3A_1031 : vector<69x128xi1>, vector<69x128xf32>
    %broadcast_in_dim3A_1033 = arith.constant 0.000000e+00 : f32
    %broadcast_in_dim3A_1034 = vector.broadcast %broadcast_in_dim3A_1033 : f32 to vector<69x128xf32>
    %broadcast_in_dim3A_1035 = arith.constant 0.000000e+00 : f32
    %broadcast_in_dim3A_1036 = vector.broadcast %broadcast_in_dim3A_1035 : f32 to vector<69x128xf32>
    %broadcast_in_dim3A_1037 = arith.constant 0.000000e+00 : f32
    %broadcast_in_dim3A_1038 = vector.broadcast %broadcast_in_dim3A_1037 : f32 to vector<69x128xf32>
    %broadcast_in_dim3A_1039 = arith.constant 0.000000e+00 : f32
    %broadcast_in_dim3A_1040 = vector.broadcast %broadcast_in_dim3A_1039 : f32 to vector<69x128xf32>
    %eq3A_1041 = arith.constant 0 : i32
    %eq3A_1042 = vector.broadcast %eq3A_1041 : i32 to vector<69x128xi32>
    %eq3A_1043 = arith.cmpi eq, %get3A_1025, %eq3A_1042 : vector<69x128xi32>
    %get3A_1044 = arith.index_cast %arg0 : i32 to index
    %get3A_1045 = arith.constant 0 : index
    %get3A_1046 = arith.constant 0 : index
    %get3A_1047 = memref.load %arg1[%get3A_1044, %get3A_1045, %get3A_1046] : memref<16x5x5xf32, #tpu.memory_space<smem>>
    %broadcast_in_dim3A_1048 = vector.broadcast %get3A_1047 : f32 to vector<69x128xf32>
    %select_n3A_1049 = arith.select %eq3A_1043, %broadcast_in_dim3A_1048, %broadcast_in_dim3A_1034 : vector<69x128xi1>, vector<69x128xf32>
    %get3A_1050 = arith.index_cast %arg0 : i32 to index
    %get3A_1051 = arith.constant 0 : index
    %get3A_1052 = arith.constant 1 : index
    %get3A_1053 = memref.load %arg1[%get3A_1050, %get3A_1051, %get3A_1052] : memref<16x5x5xf32, #tpu.memory_space<smem>>
    %broadcast_in_dim3A_1054 = vector.broadcast %get3A_1053 : f32 to vector<69x128xf32>
    %select_n3A_1055 = arith.select %eq3A_1043, %broadcast_in_dim3A_1054, %broadcast_in_dim3A_1036 : vector<69x128xi1>, vector<69x128xf32>
    %get3A_1056 = arith.index_cast %arg0 : i32 to index
    %get3A_1057 = arith.constant 0 : index
    %get3A_1058 = arith.constant 2 : index
    %get3A_1059 = memref.load %arg1[%get3A_1056, %get3A_1057, %get3A_1058] : memref<16x5x5xf32, #tpu.memory_space<smem>>
    %broadcast_in_dim3A_1060 = vector.broadcast %get3A_1059 : f32 to vector<69x128xf32>
    %select_n3A_1061 = arith.select %eq3A_1043, %broadcast_in_dim3A_1060, %broadcast_in_dim3A_1038 : vector<69x128xi1>, vector<69x128xf32>
    %get3A_1062 = arith.index_cast %arg0 : i32 to index
    %get3A_1063 = arith.constant 0 : index
    %get3A_1064 = arith.constant 3 : index
    %get3A_1065 = memref.load %arg1[%get3A_1062, %get3A_1063, %get3A_1064] : memref<16x5x5xf32, #tpu.memory_space<smem>>
    %broadcast_in_dim3A_1066 = vector.broadcast %get3A_1065 : f32 to vector<69x128xf32>
    %select_n3A_1067 = arith.select %eq3A_1043, %broadcast_in_dim3A_1066, %broadcast_in_dim3A_1040 : vector<69x128xi1>, vector<69x128xf32>
    %eq3A_1068 = arith.constant 1 : i32
    %eq3A_1069 = vector.broadcast %eq3A_1068 : i32 to vector<69x128xi32>
    %eq3A_1070 = arith.cmpi eq, %get3A_1025, %eq3A_1069 : vector<69x128xi32>
    %get3A_1071 = arith.index_cast %arg0 : i32 to index
    %get3A_1072 = arith.constant 1 : index
    %get3A_1073 = arith.constant 0 : index
    %get3A_1074 = memref.load %arg1[%get3A_1071, %get3A_1072, %get3A_1073] : memref<16x5x5xf32, #tpu.memory_space<smem>>
    %broadcast_in_dim3A_1075 = vector.broadcast %get3A_1074 : f32 to vector<69x128xf32>
    %select_n3A_1076 = arith.select %eq3A_1070, %broadcast_in_dim3A_1075, %select_n3A_1049 : vector<69x128xi1>, vector<69x128xf32>
    %get3A_1077 = arith.index_cast %arg0 : i32 to index
    %get3A_1078 = arith.constant 1 : index
    %get3A_1079 = arith.constant 1 : index
    %get3A_1080 = memref.load %arg1[%get3A_1077, %get3A_1078, %get3A_1079] : memref<16x5x5xf32, #tpu.memory_space<smem>>
    %broadcast_in_dim3A_1081 = vector.broadcast %get3A_1080 : f32 to vector<69x128xf32>
    %select_n3A_1082 = arith.select %eq3A_1070, %broadcast_in_dim3A_1081, %select_n3A_1055 : vector<69x128xi1>, vector<69x128xf32>
    %get3A_1083 = arith.index_cast %arg0 : i32 to index
    %get3A_1084 = arith.constant 1 : index
    %get3A_1085 = arith.constant 2 : index
    %get3A_1086 = memref.load %arg1[%get3A_1083, %get3A_1084, %get3A_1085] : memref<16x5x5xf32, #tpu.memory_space<smem>>
    %broadcast_in_dim3A_1087 = vector.broadcast %get3A_1086 : f32 to vector<69x128xf32>
    %select_n3A_1088 = arith.select %eq3A_1070, %broadcast_in_dim3A_1087, %select_n3A_1061 : vector<69x128xi1>, vector<69x128xf32>
    %get3A_1089 = arith.index_cast %arg0 : i32 to index
    %get3A_1090 = arith.constant 1 : index
    %get3A_1091 = arith.constant 3 : index
    %get3A_1092 = memref.load %arg1[%get3A_1089, %get3A_1090, %get3A_1091] : memref<16x5x5xf32, #tpu.memory_space<smem>>
    %broadcast_in_dim3A_1093 = vector.broadcast %get3A_1092 : f32 to vector<69x128xf32>
    %select_n3A_1094 = arith.select %eq3A_1070, %broadcast_in_dim3A_1093, %select_n3A_1067 : vector<69x128xi1>, vector<69x128xf32>
    %eq3A_1095 = arith.constant 2 : i32
    %eq3A_1096 = vector.broadcast %eq3A_1095 : i32 to vector<69x128xi32>
    %eq3A_1097 = arith.cmpi eq, %get3A_1025, %eq3A_1096 : vector<69x128xi32>
    %get3A_1098 = arith.index_cast %arg0 : i32 to index
    %get3A_1099 = arith.constant 2 : index
    %get3A_1100 = arith.constant 0 : index
    %get3A_1101 = memref.load %arg1[%get3A_1098, %get3A_1099, %get3A_1100] : memref<16x5x5xf32, #tpu.memory_space<smem>>
    %broadcast_in_dim3A_1102 = vector.broadcast %get3A_1101 : f32 to vector<69x128xf32>
    %select_n3A_1103 = arith.select %eq3A_1097, %broadcast_in_dim3A_1102, %select_n3A_1076 : vector<69x128xi1>, vector<69x128xf32>
    %get3A_1104 = arith.index_cast %arg0 : i32 to index
    %get3A_1105 = arith.constant 2 : index
    %get3A_1106 = arith.constant 1 : index
    %get3A_1107 = memref.load %arg1[%get3A_1104, %get3A_1105, %get3A_1106] : memref<16x5x5xf32, #tpu.memory_space<smem>>
    %broadcast_in_dim3A_1108 = vector.broadcast %get3A_1107 : f32 to vector<69x128xf32>
    %select_n3A_1109 = arith.select %eq3A_1097, %broadcast_in_dim3A_1108, %select_n3A_1082 : vector<69x128xi1>, vector<69x128xf32>
    %get3A_1110 = arith.index_cast %arg0 : i32 to index
    %get3A_1111 = arith.constant 2 : index
    %get3A_1112 = arith.constant 2 : index
    %get3A_1113 = memref.load %arg1[%get3A_1110, %get3A_1111, %get3A_1112] : memref<16x5x5xf32, #tpu.memory_space<smem>>
    %broadcast_in_dim3A_1114 = vector.broadcast %get3A_1113 : f32 to vector<69x128xf32>
    %select_n3A_1115 = arith.select %eq3A_1097, %broadcast_in_dim3A_1114, %select_n3A_1088 : vector<69x128xi1>, vector<69x128xf32>
    %get3A_1116 = arith.index_cast %arg0 : i32 to index
    %get3A_1117 = arith.constant 2 : index
    %get3A_1118 = arith.constant 3 : index
    %get3A_1119 = memref.load %arg1[%get3A_1116, %get3A_1117, %get3A_1118] : memref<16x5x5xf32, #tpu.memory_space<smem>>
    %broadcast_in_dim3A_1120 = vector.broadcast %get3A_1119 : f32 to vector<69x128xf32>
    %select_n3A_1121 = arith.select %eq3A_1097, %broadcast_in_dim3A_1120, %select_n3A_1094 : vector<69x128xi1>, vector<69x128xf32>
    %eq3A_1122 = arith.constant 3 : i32
    %eq3A_1123 = vector.broadcast %eq3A_1122 : i32 to vector<69x128xi32>
    %eq3A_1124 = arith.cmpi eq, %get3A_1025, %eq3A_1123 : vector<69x128xi32>
    %get3A_1125 = arith.index_cast %arg0 : i32 to index
    %get3A_1126 = arith.constant 3 : index
    %get3A_1127 = arith.constant 0 : index
    %get3A_1128 = memref.load %arg1[%get3A_1125, %get3A_1126, %get3A_1127] : memref<16x5x5xf32, #tpu.memory_space<smem>>
    %broadcast_in_dim3A_1129 = vector.broadcast %get3A_1128 : f32 to vector<69x128xf32>
    %select_n3A_1130 = arith.select %eq3A_1124, %broadcast_in_dim3A_1129, %select_n3A_1103 : vector<69x128xi1>, vector<69x128xf32>
    %get3A_1131 = arith.index_cast %arg0 : i32 to index
    %get3A_1132 = arith.constant 3 : index
    %get3A_1133 = arith.constant 1 : index
    %get3A_1134 = memref.load %arg1[%get3A_1131, %get3A_1132, %get3A_1133] : memref<16x5x5xf32, #tpu.memory_space<smem>>
    %broadcast_in_dim3A_1135 = vector.broadcast %get3A_1134 : f32 to vector<69x128xf32>
    %select_n3A_1136 = arith.select %eq3A_1124, %broadcast_in_dim3A_1135, %select_n3A_1109 : vector<69x128xi1>, vector<69x128xf32>
    %get3A_1137 = arith.index_cast %arg0 : i32 to index
    %get3A_1138 = arith.constant 3 : index
    %get3A_1139 = arith.constant 2 : index
    %get3A_1140 = memref.load %arg1[%get3A_1137, %get3A_1138, %get3A_1139] : memref<16x5x5xf32, #tpu.memory_space<smem>>
    %broadcast_in_dim3A_1141 = vector.broadcast %get3A_1140 : f32 to vector<69x128xf32>
    %select_n3A_1142 = arith.select %eq3A_1124, %broadcast_in_dim3A_1141, %select_n3A_1115 : vector<69x128xi1>, vector<69x128xf32>
    %get3A_1143 = arith.index_cast %arg0 : i32 to index
    %get3A_1144 = arith.constant 3 : index
    %get3A_1145 = arith.constant 3 : index
    %get3A_1146 = memref.load %arg1[%get3A_1143, %get3A_1144, %get3A_1145] : memref<16x5x5xf32, #tpu.memory_space<smem>>
    %broadcast_in_dim3A_1147 = vector.broadcast %get3A_1146 : f32 to vector<69x128xf32>
    %select_n3A_1148 = arith.select %eq3A_1124, %broadcast_in_dim3A_1147, %select_n3A_1121 : vector<69x128xi1>, vector<69x128xf32>
    %eq3A_1149 = arith.constant 4 : i32
    %eq3A_1150 = vector.broadcast %eq3A_1149 : i32 to vector<69x128xi32>
    %eq3A_1151 = arith.cmpi eq, %get3A_1025, %eq3A_1150 : vector<69x128xi32>
    %get3A_1152 = arith.index_cast %arg0 : i32 to index
    %get3A_1153 = arith.constant 4 : index
    %get3A_1154 = arith.constant 0 : index
    %get3A_1155 = memref.load %arg1[%get3A_1152, %get3A_1153, %get3A_1154] : memref<16x5x5xf32, #tpu.memory_space<smem>>
    %broadcast_in_dim3A_1156 = vector.broadcast %get3A_1155 : f32 to vector<69x128xf32>
    %select_n3A_1157 = arith.select %eq3A_1151, %broadcast_in_dim3A_1156, %select_n3A_1130 : vector<69x128xi1>, vector<69x128xf32>
    %get3A_1158 = arith.index_cast %arg0 : i32 to index
    %get3A_1159 = arith.constant 4 : index
    %get3A_1160 = arith.constant 1 : index
    %get3A_1161 = memref.load %arg1[%get3A_1158, %get3A_1159, %get3A_1160] : memref<16x5x5xf32, #tpu.memory_space<smem>>
    %broadcast_in_dim3A_1162 = vector.broadcast %get3A_1161 : f32 to vector<69x128xf32>
    %select_n3A_1163 = arith.select %eq3A_1151, %broadcast_in_dim3A_1162, %select_n3A_1136 : vector<69x128xi1>, vector<69x128xf32>
    %get3A_1164 = arith.index_cast %arg0 : i32 to index
    %get3A_1165 = arith.constant 4 : index
    %get3A_1166 = arith.constant 2 : index
    %get3A_1167 = memref.load %arg1[%get3A_1164, %get3A_1165, %get3A_1166] : memref<16x5x5xf32, #tpu.memory_space<smem>>
    %broadcast_in_dim3A_1168 = vector.broadcast %get3A_1167 : f32 to vector<69x128xf32>
    %select_n3A_1169 = arith.select %eq3A_1151, %broadcast_in_dim3A_1168, %select_n3A_1142 : vector<69x128xi1>, vector<69x128xf32>
    %get3A_1170 = arith.index_cast %arg0 : i32 to index
    %get3A_1171 = arith.constant 4 : index
    %get3A_1172 = arith.constant 3 : index
    %get3A_1173 = memref.load %arg1[%get3A_1170, %get3A_1171, %get3A_1172] : memref<16x5x5xf32, #tpu.memory_space<smem>>
    %broadcast_in_dim3A_1174 = vector.broadcast %get3A_1173 : f32 to vector<69x128xf32>
    %select_n3A_1175 = arith.select %eq3A_1151, %broadcast_in_dim3A_1174, %select_n3A_1148 : vector<69x128xi1>, vector<69x128xf32>
    %add3A_1176 = arith.addf %select_n3A_1157, %select_n3A_1169 : vector<69x128xf32>
    %mul3A_1177 = arith.constant 5.000000e-01 : f32
    %mul3A_1178 = vector.broadcast %mul3A_1177 : f32 to vector<69x128xf32>
    %mul3A_1179 = arith.mulf %add3A_1176, %mul3A_1178 : vector<69x128xf32>
    %sub3A_1180 = arith.subf %mul3A_1179, %get3A_1000 : vector<69x128xf32>
    %mul3A_1181 = arith.constant 1.000000e-01 : f32
    %mul3A_1182 = vector.broadcast %mul3A_1181 : f32 to vector<69x128xf32>
    %mul3A_1183 = arith.mulf %mul3A_1182, %get3A_1010 : vector<69x128xf32>
    %div3A = arith.divf %sub3A_1180, %mul3A_1183 : vector<69x128xf32>
    %add3A_1184 = arith.addf %select_n3A_1163, %select_n3A_1175 : vector<69x128xf32>
    %mul3A_1185 = arith.constant 5.000000e-01 : f32
    %mul3A_1186 = vector.broadcast %mul3A_1185 : f32 to vector<69x128xf32>
    %mul3A_1187 = arith.mulf %add3A_1184, %mul3A_1186 : vector<69x128xf32>
    %sub3A_1188 = arith.subf %mul3A_1187, %get3A_1005 : vector<69x128xf32>
    %mul3A_1189 = arith.constant 1.000000e-01 : f32
    %mul3A_1190 = vector.broadcast %mul3A_1189 : f32 to vector<69x128xf32>
    %mul3A_1191 = arith.mulf %mul3A_1190, %get3A_1015 : vector<69x128xf32>
    %div3A_1192 = arith.divf %sub3A_1188, %mul3A_1191 : vector<69x128xf32>
    %sub3A_1193 = arith.subf %select_n3A_1169, %select_n3A_1157 : vector<69x128xf32>
    %max3A_1194 = arith.constant 1.000000e-10 : f32
    %max3A_1195 = vector.broadcast %max3A_1194 : f32 to vector<69x128xf32>
    %max3A_1196 = arith.maximumf %sub3A_1193, %max3A_1195 : vector<69x128xf32>
    %div3A_1197 = arith.divf %max3A_1196, %get3A_1010 : vector<69x128xf32>
    %log3A_1198 = math.log %div3A_1197 : vector<69x128xf32>
    %div3A_1199 = arith.constant 2.000000e-01 : f32
    %div3A_1200 = vector.broadcast %div3A_1199 : f32 to vector<69x128xf32>
    %div3A_1201 = arith.divf %log3A_1198, %div3A_1200 : vector<69x128xf32>
    %sub3A_1202 = arith.subf %select_n3A_1175, %select_n3A_1163 : vector<69x128xf32>
    %max3A_1203 = arith.constant 1.000000e-10 : f32
    %max3A_1204 = vector.broadcast %max3A_1203 : f32 to vector<69x128xf32>
    %max3A_1205 = arith.maximumf %sub3A_1202, %max3A_1204 : vector<69x128xf32>
    %div3A_1206 = arith.divf %max3A_1205, %get3A_1015 : vector<69x128xf32>
    %log3A_1207 = math.log %div3A_1206 : vector<69x128xf32>
    %div3A_1208 = arith.constant 2.000000e-01 : f32
    %div3A_1209 = vector.broadcast %div3A_1208 : f32 to vector<69x128xf32>
    %div3A_1210 = arith.divf %log3A_1207, %div3A_1209 : vector<69x128xf32>
    %get3A_1211 = arith.constant 0 : index
    %get3A_1212 = arith.constant 0 : index
    %get3A_1213 = arith.constant 0 : index
    %get3A_1214 = arith.constant 0 : index
    %get3A_1215 = vector.load %arg12[%get3A_1211, %get3A_1212, %get3A_1213, %get3A_1214] : memref<1x4x69x128xf32, #tpu.memory_space<vmem>>, vector<1x1x69x128xf32>
    %get3A_1216 = vector.shape_cast %get3A_1215 : vector<1x1x69x128xf32> to vector<69x128xf32>
    %sub3A_1217 = arith.subf %get3A_1216, %div3A : vector<69x128xf32>
    %abs3A = math.absf %sub3A_1217 : vector<69x128xf32>
    %lt3A_1218 = arith.constant 1.000000e+00 : f32
    %lt3A_1219 = vector.broadcast %lt3A_1218 : f32 to vector<69x128xf32>
    %lt3A_1220 = arith.cmpf olt, %abs3A, %lt3A_1219 : vector<69x128xf32>
    %mul3A_1221 = arith.constant 5.000000e-01 : f32
    %mul3A_1222 = vector.broadcast %mul3A_1221 : f32 to vector<69x128xf32>
    %mul3A_1223 = arith.mulf %mul3A_1222, %sub3A_1217 : vector<69x128xf32>
    %mul3A_1224 = arith.mulf %mul3A_1223, %sub3A_1217 : vector<69x128xf32>
    %sub3A_1225 = arith.constant 5.000000e-01 : f32
    %sub3A_1226 = vector.broadcast %sub3A_1225 : f32 to vector<69x128xf32>
    %sub3A_1227 = arith.subf %abs3A, %sub3A_1226 : vector<69x128xf32>
    %select_n3A_1228 = arith.select %lt3A_1220, %mul3A_1224, %sub3A_1227 : vector<69x128xi1>, vector<69x128xf32>
    %add3A_1229 = arith.constant 0.000000e+00 : f32
    %add3A_1230 = vector.broadcast %add3A_1229 : f32 to vector<69x128xf32>
    %add3A_1231 = arith.addf %add3A_1230, %select_n3A_1228 : vector<69x128xf32>
    %get3A_1232 = arith.constant 0 : index
    %get3A_1233 = arith.constant 1 : index
    %get3A_1234 = arith.constant 0 : index
    %get3A_1235 = arith.constant 0 : index
    %get3A_1236 = vector.load %arg12[%get3A_1232, %get3A_1233, %get3A_1234, %get3A_1235] : memref<1x4x69x128xf32, #tpu.memory_space<vmem>>, vector<1x1x69x128xf32>
    %get3A_1237 = vector.shape_cast %get3A_1236 : vector<1x1x69x128xf32> to vector<69x128xf32>
    %sub3A_1238 = arith.subf %get3A_1237, %div3A_1192 : vector<69x128xf32>
    %abs3A_1239 = math.absf %sub3A_1238 : vector<69x128xf32>
    %lt3A_1240 = arith.constant 1.000000e+00 : f32
    %lt3A_1241 = vector.broadcast %lt3A_1240 : f32 to vector<69x128xf32>
    %lt3A_1242 = arith.cmpf olt, %abs3A_1239, %lt3A_1241 : vector<69x128xf32>
    %mul3A_1243 = arith.constant 5.000000e-01 : f32
    %mul3A_1244 = vector.broadcast %mul3A_1243 : f32 to vector<69x128xf32>
    %mul3A_1245 = arith.mulf %mul3A_1244, %sub3A_1238 : vector<69x128xf32>
    %mul3A_1246 = arith.mulf %mul3A_1245, %sub3A_1238 : vector<69x128xf32>
    %sub3A_1247 = arith.constant 5.000000e-01 : f32
    %sub3A_1248 = vector.broadcast %sub3A_1247 : f32 to vector<69x128xf32>
    %sub3A_1249 = arith.subf %abs3A_1239, %sub3A_1248 : vector<69x128xf32>
    %select_n3A_1250 = arith.select %lt3A_1242, %mul3A_1246, %sub3A_1249 : vector<69x128xi1>, vector<69x128xf32>
    %add3A_1251 = arith.addf %add3A_1231, %select_n3A_1250 : vector<69x128xf32>
    %get3A_1252 = arith.constant 0 : index
    %get3A_1253 = arith.constant 2 : index
    %get3A_1254 = arith.constant 0 : index
    %get3A_1255 = arith.constant 0 : index
    %get3A_1256 = vector.load %arg12[%get3A_1252, %get3A_1253, %get3A_1254, %get3A_1255] : memref<1x4x69x128xf32, #tpu.memory_space<vmem>>, vector<1x1x69x128xf32>
    %get3A_1257 = vector.shape_cast %get3A_1256 : vector<1x1x69x128xf32> to vector<69x128xf32>
    %sub3A_1258 = arith.subf %get3A_1257, %div3A_1201 : vector<69x128xf32>
    %abs3A_1259 = math.absf %sub3A_1258 : vector<69x128xf32>
    %lt3A_1260 = arith.constant 1.000000e+00 : f32
    %lt3A_1261 = vector.broadcast %lt3A_1260 : f32 to vector<69x128xf32>
    %lt3A_1262 = arith.cmpf olt, %abs3A_1259, %lt3A_1261 : vector<69x128xf32>
    %mul3A_1263 = arith.constant 5.000000e-01 : f32
    %mul3A_1264 = vector.broadcast %mul3A_1263 : f32 to vector<69x128xf32>
    %mul3A_1265 = arith.mulf %mul3A_1264, %sub3A_1258 : vector<69x128xf32>
    %mul3A_1266 = arith.mulf %mul3A_1265, %sub3A_1258 : vector<69x128xf32>
    %sub3A_1267 = arith.constant 5.000000e-01 : f32
    %sub3A_1268 = vector.broadcast %sub3A_1267 : f32 to vector<69x128xf32>
    %sub3A_1269 = arith.subf %abs3A_1259, %sub3A_1268 : vector<69x128xf32>
    %select_n3A_1270 = arith.select %lt3A_1262, %mul3A_1266, %sub3A_1269 : vector<69x128xi1>, vector<69x128xf32>
    %add3A_1271 = arith.addf %add3A_1251, %select_n3A_1270 : vector<69x128xf32>
    %get3A_1272 = arith.constant 0 : index
    %get3A_1273 = arith.constant 3 : index
    %get3A_1274 = arith.constant 0 : index
    %get3A_1275 = arith.constant 0 : index
    %get3A_1276 = vector.load %arg12[%get3A_1272, %get3A_1273, %get3A_1274, %get3A_1275] : memref<1x4x69x128xf32, #tpu.memory_space<vmem>>, vector<1x1x69x128xf32>
    %get3A_1277 = vector.shape_cast %get3A_1276 : vector<1x1x69x128xf32> to vector<69x128xf32>
    %sub3A_1278 = arith.subf %get3A_1277, %div3A_1210 : vector<69x128xf32>
    %abs3A_1279 = math.absf %sub3A_1278 : vector<69x128xf32>
    %lt3A_1280 = arith.constant 1.000000e+00 : f32
    %lt3A_1281 = vector.broadcast %lt3A_1280 : f32 to vector<69x128xf32>
    %lt3A_1282 = arith.cmpf olt, %abs3A_1279, %lt3A_1281 : vector<69x128xf32>
    %mul3A_1283 = arith.constant 5.000000e-01 : f32
    %mul3A_1284 = vector.broadcast %mul3A_1283 : f32 to vector<69x128xf32>
    %mul3A_1285 = arith.mulf %mul3A_1284, %sub3A_1278 : vector<69x128xf32>
    %mul3A_1286 = arith.mulf %mul3A_1285, %sub3A_1278 : vector<69x128xf32>
    %sub3A_1287 = arith.constant 5.000000e-01 : f32
    %sub3A_1288 = vector.broadcast %sub3A_1287 : f32 to vector<69x128xf32>
    %sub3A_1289 = arith.subf %abs3A_1279, %sub3A_1288 : vector<69x128xf32>
    %select_n3A_1290 = arith.select %lt3A_1282, %mul3A_1286, %sub3A_1289 : vector<69x128xi1>, vector<69x128xf32>
    %add3A_1291 = arith.addf %add3A_1271, %select_n3A_1290 : vector<69x128xf32>
    %get3A_1292 = arith.constant 1 : index
    %get3A_1293 = memref.load %arg21[%get3A_1292] : memref<4xf32, #tpu.memory_space<smem>>
    %jit3A_1294 = arith.constant 0.000000e+00 : f32
    %broadcast_in_dim3A_1295 = vector.broadcast %jit3A_1294 : f32 to vector<69x128xf32>
    %select_n3A_1296 = arith.select %gt3A_1027, %add3A_1291, %broadcast_in_dim3A_1295 : vector<69x128xi1>, vector<69x128xf32>
    %reduce_sum3A_1297 = vector.shape_cast %select_n3A_1296 : vector<69x128xf32> to vector<1x69x128xf32>
    %reduce_sum3A_1298 = arith.constant dense<0.000000e+00> : vector<1xf32>
    %reduce_sum3A_1299 = vector.multi_reduction <add>, %reduce_sum3A_1297, %reduce_sum3A_1298 [1, 2] : vector<1x69x128xf32> to vector<1xf32>
    %reduce_sum3A_1300 = vector.shape_cast %reduce_sum3A_1299 : vector<1xf32> to vector<1x1x1xf32>
    %reduce_sum3A_1301 = vector.extract %reduce_sum3A_1300[0, 0, 0] : f32 from vector<1x1x1xf32>
    %add3A_1302 = arith.addf %get3A_1293, %reduce_sum3A_1301 : f32
    %swap3A_1303 = arith.constant 1 : index
    %swap3A_1304 = memref.load %arg21[%swap3A_1303] : memref<4xf32, #tpu.memory_space<smem>>
    memref.store %add3A_1302, %arg21[%swap3A_1303] : memref<4xf32, #tpu.memory_space<smem>>
    %reduce_sum3A_1305 = vector.shape_cast %select_n3A_1032 : vector<69x128xf32> to vector<1x69x128xf32>
    %reduce_sum3A_1306 = arith.constant dense<0.000000e+00> : vector<1xf32>
    %reduce_sum3A_1307 = vector.multi_reduction <add>, %reduce_sum3A_1305, %reduce_sum3A_1306 [1, 2] : vector<1x69x128xf32> to vector<1xf32>
    %reduce_sum3A_1308 = vector.shape_cast %reduce_sum3A_1307 : vector<1xf32> to vector<1x1x1xf32>
    %reduce_sum3A_1309 = vector.extract %reduce_sum3A_1308[0, 0, 0] : f32 from vector<1x1x1xf32>
    %get3A_1310 = arith.constant 2 : index
    %get3A_1311 = memref.load %arg21[%get3A_1310] : memref<4xf32, #tpu.memory_space<smem>>
    %add3A_1312 = arith.addf %get3A_1311, %reduce_sum3A_1309 : f32
    %swap3A_1313 = arith.constant 2 : index
    %swap3A_1314 = memref.load %arg21[%swap3A_1313] : memref<4xf32, #tpu.memory_space<smem>>
    memref.store %add3A_1312, %arg21[%swap3A_1313] : memref<4xf32, #tpu.memory_space<smem>>
    %iota3A_1315 = tpu.iota {dimensions = array<i32: 0>} : vector<69x128xi32>
    %mul3A_1316 = arith.constant 128 : i32
    %mul3A_1317 = vector.broadcast %mul3A_1316 : i32 to vector<69x128xi32>
    %mul3A_1318 = arith.muli %iota3A_1315, %mul3A_1317 : vector<69x128xi32>
    %iota3A_1319 = tpu.iota {dimensions = array<i32: 1>} : vector<69x128xi32>
    %add3A_1320 = arith.addi %mul3A_1318, %iota3A_1319 : vector<69x128xi32>
    %lt3A_1321 = arith.constant 8732 : i32
    %lt3A_1322 = vector.broadcast %lt3A_1321 : i32 to vector<69x128xi32>
    %lt3A_1323 = arith.cmpi slt, %add3A_1320, %lt3A_1322 : vector<69x128xi32>
    %get3A_1324 = arith.constant 0 : index
    %get3A_1325 = arith.constant 0 : index
    %get3A_1326 = arith.constant 0 : index
    %get3A_1327 = arith.constant 0 : index
    %get3A_1328 = vector.load %arg13[%get3A_1324, %get3A_1325, %get3A_1326, %get3A_1327] : memref<1x21x69x128xf32, #tpu.memory_space<vmem>>, vector<1x21x69x128xf32>
    %get3A_1329 = vector.shape_cast %get3A_1328 : vector<1x21x69x128xf32> to vector<21x69x128xf32>
    %reduce_max3A_1330 = arith.constant dense<0xFF800000> : vector<69x128xf32>
    %reduce_max3A_1331 = vector.multi_reduction <maximumf>, %get3A_1329, %reduce_max3A_1330 [0] : vector<21x69x128xf32> to vector<69x128xf32>
    %broadcast_in_dim3A_1332 = vector.shape_cast %reduce_max3A_1331 : vector<69x128xf32> to vector<1x69x128xf32>
    %sub3A_1333 = vector.broadcast %broadcast_in_dim3A_1332 : vector<1x69x128xf32> to vector<21x69x128xf32>
    %sub3A_1334 = arith.subf %get3A_1329, %sub3A_1333 : vector<21x69x128xf32>
    %exp3A_1335 = math.exp %sub3A_1334 : vector<21x69x128xf32>
    %reduce_sum3A_1336 = arith.constant dense<0.000000e+00> : vector<69x128xf32>
    %reduce_sum3A_1337 = vector.multi_reduction <add>, %exp3A_1335, %reduce_sum3A_1336 [0] : vector<21x69x128xf32> to vector<69x128xf32>
    %log3A_1338 = math.log %reduce_sum3A_1337 : vector<69x128xf32>
    %add3A_1339 = arith.addf %log3A_1338, %reduce_max3A_1331 : vector<69x128xf32>
    %iota3A_1340 = tpu.iota {dimensions = array<i32: 0>} : vector<21x69x128xi32>
    %convert_element_type3A_1341 = arith.sitofp %iota3A_1340 : vector<21x69x128xi32> to vector<21x69x128xf32>
    %broadcast_in_dim3A_1342 = vector.shape_cast %get3A_1020 : vector<69x128xf32> to vector<1x69x128xf32>
    %eq3A_1343 = vector.broadcast %broadcast_in_dim3A_1342 : vector<1x69x128xf32> to vector<21x69x128xf32>
    %eq3A_1344 = arith.cmpf oeq, %convert_element_type3A_1341, %eq3A_1343 : vector<21x69x128xf32>
    %jit3A_1345 = arith.constant 0.000000e+00 : f32
    %broadcast_in_dim3A_1346 = vector.broadcast %jit3A_1345 : f32 to vector<21x69x128xf32>
    %select_n3A_1347 = arith.select %eq3A_1344, %get3A_1329, %broadcast_in_dim3A_1346 : vector<21x69x128xi1>, vector<21x69x128xf32>
    %reduce_sum3A_1348 = arith.constant dense<0.000000e+00> : vector<69x128xf32>
    %reduce_sum3A_1349 = vector.multi_reduction <add>, %select_n3A_1347, %reduce_sum3A_1348 [0] : vector<21x69x128xf32> to vector<69x128xf32>
    %sub3A_1350 = arith.subf %add3A_1339, %reduce_sum3A_1349 : vector<69x128xf32>
    %jit3A_1351 = arith.constant 0.000000e+00 : f32
    %broadcast_in_dim3A_1352 = vector.broadcast %jit3A_1351 : f32 to vector<69x128xf32>
    %select_n3A_1353 = arith.select %lt3A_1323, %sub3A_1350, %broadcast_in_dim3A_1352 : vector<69x128xi1>, vector<69x128xf32>
    %get3A_1354 = arith.constant 3 : index
    %get3A_1355 = memref.load %arg21[%get3A_1354] : memref<4xf32, #tpu.memory_space<smem>>
    %jit3A_1356 = arith.constant 0.000000e+00 : f32
    %broadcast_in_dim3A_1357 = vector.broadcast %jit3A_1356 : f32 to vector<69x128xf32>
    %select_n3A_1358 = arith.select %gt3A_1027, %select_n3A_1353, %broadcast_in_dim3A_1357 : vector<69x128xi1>, vector<69x128xf32>
    %reduce_sum3A_1359 = vector.shape_cast %select_n3A_1358 : vector<69x128xf32> to vector<1x69x128xf32>
    %reduce_sum3A_1360 = arith.constant dense<0.000000e+00> : vector<1xf32>
    %reduce_sum3A_1361 = vector.multi_reduction <add>, %reduce_sum3A_1359, %reduce_sum3A_1360 [1, 2] : vector<1x69x128xf32> to vector<1xf32>
    %reduce_sum3A_1362 = vector.shape_cast %reduce_sum3A_1361 : vector<1xf32> to vector<1x1x1xf32>
    %reduce_sum3A_1363 = vector.extract %reduce_sum3A_1362[0, 0, 0] : f32 from vector<1x1x1xf32>
    %add3A_1364 = arith.addf %get3A_1355, %reduce_sum3A_1363 : f32
    %swap3A_1365 = arith.constant 3 : index
    %swap3A_1366 = memref.load %arg21[%swap3A_1365] : memref<4xf32, #tpu.memory_space<smem>>
    memref.store %add3A_1364, %arg21[%swap3A_1365] : memref<4xf32, #tpu.memory_space<smem>>
    %jit3A_1367 = arith.constant 0.000000e+00 : f32
    %broadcast_in_dim3A_1368 = vector.broadcast %jit3A_1367 : f32 to vector<69x128xf32>
    %select_n3A_1369 = arith.select %gt3A_1027, %broadcast_in_dim3A_1368, %select_n3A_1353 : vector<69x128xi1>, vector<69x128xf32>
    %swap3A_1370 = arith.index_cast %arg0 : i32 to index
    %swap3A_1371 = arith.constant 0 : index
    %swap3A_1372 = arith.constant 0 : index
    %swap3A_1373 = vector.load %arg19[%swap3A_1370, %swap3A_1371, %swap3A_1372] : memref<16x69x128xf32, #tpu.memory_space<vmem>>, vector<1x69x128xf32>
    %swap3A_1374 = vector.shape_cast %swap3A_1373 : vector<1x69x128xf32> to vector<69x128xf32>
    %swap3A_1375 = vector.shape_cast %select_n3A_1369 : vector<69x128xf32> to vector<1x69x128xf32>
    tpu.vector_store %arg19[%swap3A_1370, %swap3A_1371, %swap3A_1372], %swap3A_1375 {strides = array<i32>} : memref<16x69x128xf32, #tpu.memory_space<vmem>>, vector<1x69x128xf32>,
    %broadcast_in_dim3A_1376 = arith.constant 0.000000e+00 : f32
    %broadcast_in_dim3A_1377 = vector.broadcast %broadcast_in_dim3A_1376 : f32 to vector<128xf32>
    %add3A_1378 = vector.broadcast %reduce_sum3A_1309 : f32 to vector<128xf32>
    %add3A_1379 = arith.addf %broadcast_in_dim3A_1377, %add3A_1378 : vector<128xf32>
    %swap3A_1380 = arith.index_cast %arg0 : i32 to index
    %swap3A_1381 = arith.constant 0 : index
    %swap3A_1382 = vector.load %arg20[%swap3A_1380, %swap3A_1381] : memref<16x128xf32, #tpu.memory_space<vmem>>, vector<1x128xf32>
    %swap3A_1383 = vector.shape_cast %swap3A_1382 : vector<1x128xf32> to vector<128xf32>
    %swap3A_1384 = vector.shape_cast %add3A_1379 : vector<128xf32> to vector<1x128xf32>
    tpu.vector_store %arg20[%swap3A_1380, %swap3A_1381], %swap3A_1384 {strides = array<i32>} : memref<16x128xf32, #tpu.memory_space<vmem>>, vector<1x128xf32>,
    %eq3A_1385 = arith.constant 15 : i32
    %eq3A_1386 = arith.cmpi eq, %arg0, %eq3A_1385 : i32
    %convert_element_type3A_1387 = arith.extui %eq3A_1386 : i1 to i32
    %cond3A_1388 = arith.constant 0 : i32
    %cond3A_1389 = arith.cmpi ne, %convert_element_type3A_1387, %cond3A_1388 : i32
    scf.if %cond3A_1389 {
      %get3A_1390 = arith.constant 0 : index
      %get3A_1391 = arith.constant 0 : index
      %get3A_1392 = arith.constant 0 : index
      %get3A_1393 = vector.load %arg19[%get3A_1390, %get3A_1391, %get3A_1392] : memref<16x69x128xf32, #tpu.memory_space<vmem>>, vector<16x69x128xf32>
      %bitcast_convert_type3A = tpu.bitcast %get3A_1393 : vector<16x69x128xf32> -> vector<16x69x128xi32>
      %iota3A_1394 = tpu.iota {dimensions = array<i32: 1>} : vector<16x69x128xi32>
      %mul3A_1395 = arith.constant 128 : i32
      %mul3A_1396 = vector.broadcast %mul3A_1395 : i32 to vector<16x69x128xi32>
      %mul3A_1397 = arith.muli %iota3A_1394, %mul3A_1396 : vector<16x69x128xi32>
      %iota3A_1398 = tpu.iota {dimensions = array<i32: 2>} : vector<16x69x128xi32>
      %add3A_1399 = arith.addi %mul3A_1397, %iota3A_1398 : vector<16x69x128xi32>
      %get3A_1400 = arith.constant 0 : index
      %get3A_1401 = arith.constant 0 : index
      %get3A_1402 = vector.load %arg20[%get3A_1400, %get3A_1401] : memref<16x128xf32, #tpu.memory_space<vmem>>, vector<16x128xf32>
      %slice3A = vector.extract_strided_slice %get3A_1402 {offsets = [0, 0], sizes = [16, 1], strides = [1, 1]} : vector<16x128xf32> to vector<16x1xf32>
      %reshape3A = vector.shape_cast %slice3A : vector<16x1xf32> to vector<16x1x1xf32>
      %mul3A_1403 = arith.constant 3.000000e+00 : f32
      %mul3A_1404 = vector.broadcast %mul3A_1403 : f32 to vector<16x1x1xf32>
      %mul3A_1405 = arith.mulf %mul3A_1404, %reshape3A : vector<16x1x1xf32>
      %min3A_1406 = arith.constant 8.731000e+03 : f32
      %min3A_1407 = vector.broadcast %min3A_1406 : f32 to vector<16x1x1xf32>
      %min3A_1408 = arith.minimumf %mul3A_1405, %min3A_1407 : vector<16x1x1xf32>
      %broadcast_in_dim3A_1409 = arith.constant 0 : i32
      %broadcast_in_dim3A_1410 = vector.broadcast %broadcast_in_dim3A_1409 : i32 to vector<16x1x1xi32>
      %broadcast_in_dim3A_1411 = arith.constant 2139095040 : i32
      %broadcast_in_dim3A_1412 = vector.broadcast %broadcast_in_dim3A_1411 : i32 to vector<16x1x1xi32>
      %scan3A = arith.constant 0 : i32
      %scan3A_1413 = arith.constant 31 : i32
      %scan3A_1414 = arith.addi %scan3A, %scan3A_1413 : i32
      %scan3A_1415 = arith.constant 1 : i32
      %scan3A_1416:2 = scf.for %scan3A_1475 = %scan3A to %scan3A_1414 step %scan3A_1415 iter_args(%scan3A_1476 = %broadcast_in_dim3A_1410, %scan3A_1477 = %broadcast_in_dim3A_1412) -> (vector<16x1x1xi32>, vector<16x1x1xi32>)  : i32 {
        %sub3A_1478 = arith.subi %scan3A_1477, %scan3A_1476 : vector<16x1x1xi32>
        %add3A_1479 = arith.constant 1 : i32
        %add3A_1480 = vector.broadcast %add3A_1479 : i32 to vector<16x1x1xi32>
        %add3A_1481 = arith.addi %sub3A_1478, %add3A_1480 : vector<16x1x1xi32>
        %jit3A_1482 = arith.constant 2 : i32
        %div3A_1483 = vector.broadcast %jit3A_1482 : i32 to vector<16x1x1xi32>
        %div3A_1484 = arith.divsi %add3A_1481, %div3A_1483 : vector<16x1x1xi32>
        %sign3A = arith.constant 0 : i32
        %sign3A_1485 = vector.broadcast %sign3A : i32 to vector<16x1x1xi32>
        %sign3A_1486 = arith.cmpi sgt, %add3A_1481, %sign3A_1485 : vector<16x1x1xi32>
        %sign3A_1487 = arith.extui %sign3A_1486 : vector<16x1x1xi1> to vector<16x1x1xi32>
        %sign3A_1488 = arith.constant 0 : i32
        %sign3A_1489 = vector.broadcast %sign3A_1488 : i32 to vector<16x1x1xi32>
        %sign3A_1490 = arith.cmpi slt, %add3A_1481, %sign3A_1489 : vector<16x1x1xi32>
        %sign3A_1491 = arith.extui %sign3A_1490 : vector<16x1x1xi1> to vector<16x1x1xi32>
        %sign3A_1492 = arith.subi %sign3A_1487, %sign3A_1491 : vector<16x1x1xi32>
        %sign3A_1493 = arith.constant 0 : i32
        %sign3A_1494 = arith.cmpi sgt, %jit3A_1482, %sign3A_1493 : i32
        %sign3A_1495 = arith.extui %sign3A_1494 : i1 to i32
        %sign3A_1496 = arith.constant 0 : i32
        %sign3A_1497 = arith.cmpi slt, %jit3A_1482, %sign3A_1496 : i32
        %sign3A_1498 = arith.extui %sign3A_1497 : i1 to i32
        %sign3A_1499 = arith.subi %sign3A_1495, %sign3A_1498 : i32
        %ne3A = vector.broadcast %sign3A_1499 : i32 to vector<16x1x1xi32>
        %ne3A_1500 = arith.cmpi ne, %sign3A_1492, %ne3A : vector<16x1x1xi32>
        %rem3A = vector.broadcast %jit3A_1482 : i32 to vector<16x1x1xi32>
        %rem3A_1501 = arith.remsi %add3A_1481, %rem3A : vector<16x1x1xi32>
        %ne3A_1502 = arith.constant 0 : i32
        %ne3A_1503 = vector.broadcast %ne3A_1502 : i32 to vector<16x1x1xi32>
        %ne3A_1504 = arith.cmpi ne, %rem3A_1501, %ne3A_1503 : vector<16x1x1xi32>
        %and3A_1505 = arith.andi %ne3A_1500, %ne3A_1504 : vector<16x1x1xi1>
        %sub3A_1506 = arith.constant 1 : i32
        %sub3A_1507 = vector.broadcast %sub3A_1506 : i32 to vector<16x1x1xi32>
        %sub3A_1508 = arith.subi %div3A_1484, %sub3A_1507 : vector<16x1x1xi32>
        %select_n3A_1509 = arith.select %and3A_1505, %sub3A_1508, %div3A_1484 : vector<16x1x1xi1>, vector<16x1x1xi32>
        %add3A_1510 = arith.addi %scan3A_1476, %select_n3A_1509 : vector<16x1x1xi32>
        %ge3A_1511 = vector.broadcast %add3A_1510 : vector<16x1x1xi32> to vector<16x69x128xi32>
        %ge3A_1512 = arith.cmpi sge, %bitcast_convert_type3A, %ge3A_1511 : vector<16x69x128xi32>
        %jit3A_1513 = arith.constant 1.000000e+00 : f32
        %jit3A_1514 = arith.constant 0.000000e+00 : f32
        %broadcast_in_dim3A_1515 = vector.broadcast %jit3A_1513 : f32 to vector<16x69x128xf32>
        %broadcast_in_dim3A_1516 = vector.broadcast %jit3A_1514 : f32 to vector<16x69x128xf32>
        %select_n3A_1517 = arith.select %ge3A_1512, %broadcast_in_dim3A_1515, %broadcast_in_dim3A_1516 : vector<16x69x128xi1>, vector<16x69x128xf32>
        %reduce_sum3A_1518 = arith.constant dense<0.000000e+00> : vector<16xf32>
        %reduce_sum3A_1519 = vector.multi_reduction <add>, %select_n3A_1517, %reduce_sum3A_1518 [1, 2] : vector<16x69x128xf32> to vector<16xf32>
        %broadcast_in_dim3A_1520 = vector.shape_cast %reduce_sum3A_1519 : vector<16xf32> to vector<16x1x1xf32>
        %ge3A_1521 = arith.cmpf oge, %broadcast_in_dim3A_1520, %min3A_1408 : vector<16x1x1xf32>
        %select_n3A_1522 = arith.select %ge3A_1521, %add3A_1510, %scan3A_1476 : vector<16x1x1xi1>, vector<16x1x1xi32>
        %sub3A_1523 = arith.constant 1 : i32
        %sub3A_1524 = vector.broadcast %sub3A_1523 : i32 to vector<16x1x1xi32>
        %sub3A_1525 = arith.subi %add3A_1510, %sub3A_1524 : vector<16x1x1xi32>
        %select_n3A_1526 = arith.select %ge3A_1521, %scan3A_1477, %sub3A_1525 : vector<16x1x1xi1>, vector<16x1x1xi32>
        scf.yield %select_n3A_1522, %select_n3A_1526 : vector<16x1x1xi32>, vector<16x1x1xi32>
      }
      %gt3A_1417 = vector.broadcast %scan3A_1416#0 : vector<16x1x1xi32> to vector<16x69x128xi32>
      %gt3A_1418 = arith.cmpi sgt, %bitcast_convert_type3A, %gt3A_1417 : vector<16x69x128xi32>
      %eq3A_1419 = vector.broadcast %scan3A_1416#0 : vector<16x1x1xi32> to vector<16x69x128xi32>
      %eq3A_1420 = arith.cmpi eq, %bitcast_convert_type3A, %eq3A_1419 : vector<16x69x128xi32>
      %jit3A_1421 = arith.constant 1.000000e+00 : f32
      %jit3A_1422 = arith.constant 0.000000e+00 : f32
      %broadcast_in_dim3A_1423 = vector.broadcast %jit3A_1421 : f32 to vector<16x69x128xf32>
      %broadcast_in_dim3A_1424 = vector.broadcast %jit3A_1422 : f32 to vector<16x69x128xf32>
      %select_n3A_1425 = arith.select %gt3A_1418, %broadcast_in_dim3A_1423, %broadcast_in_dim3A_1424 : vector<16x69x128xi1>, vector<16x69x128xf32>
      %reduce_sum3A_1426 = arith.constant dense<0.000000e+00> : vector<16xf32>
      %reduce_sum3A_1427 = vector.multi_reduction <add>, %select_n3A_1425, %reduce_sum3A_1426 [1, 2] : vector<16x69x128xf32> to vector<16xf32>
      %broadcast_in_dim3A_1428 = vector.shape_cast %reduce_sum3A_1427 : vector<16xf32> to vector<16x1x1xf32>
      %sub3A_1429 = arith.subf %min3A_1408, %broadcast_in_dim3A_1428 : vector<16x1x1xf32>
      %broadcast_in_dim3A_1430 = arith.constant 0 : i32
      %broadcast_in_dim3A_1431 = vector.broadcast %broadcast_in_dim3A_1430 : i32 to vector<16x1x1xi32>
      %broadcast_in_dim3A_1432 = arith.constant 8831 : i32
      %broadcast_in_dim3A_1433 = vector.broadcast %broadcast_in_dim3A_1432 : i32 to vector<16x1x1xi32>
      %scan3A_1434 = arith.constant 0 : i32
      %scan3A_1435 = arith.constant 14 : i32
      %scan3A_1436 = arith.addi %scan3A_1434, %scan3A_1435 : i32
      %scan3A_1437 = arith.constant 1 : i32
      %scan3A_1438:2 = scf.for %scan3A_1475 = %scan3A_1434 to %scan3A_1436 step %scan3A_1437 iter_args(%scan3A_1476 = %broadcast_in_dim3A_1431, %scan3A_1477 = %broadcast_in_dim3A_1433) -> (vector<16x1x1xi32>, vector<16x1x1xi32>)  : i32 {
        %add3A_1478 = arith.addi %scan3A_1476, %scan3A_1477 : vector<16x1x1xi32>
        %jit3A_1479 = arith.constant 2 : i32
        %div3A_1480 = vector.broadcast %jit3A_1479 : i32 to vector<16x1x1xi32>
        %div3A_1481 = arith.divsi %add3A_1478, %div3A_1480 : vector<16x1x1xi32>
        %sign3A = arith.constant 0 : i32
        %sign3A_1482 = vector.broadcast %sign3A : i32 to vector<16x1x1xi32>
        %sign3A_1483 = arith.cmpi sgt, %add3A_1478, %sign3A_1482 : vector<16x1x1xi32>
        %sign3A_1484 = arith.extui %sign3A_1483 : vector<16x1x1xi1> to vector<16x1x1xi32>
        %sign3A_1485 = arith.constant 0 : i32
        %sign3A_1486 = vector.broadcast %sign3A_1485 : i32 to vector<16x1x1xi32>
        %sign3A_1487 = arith.cmpi slt, %add3A_1478, %sign3A_1486 : vector<16x1x1xi32>
        %sign3A_1488 = arith.extui %sign3A_1487 : vector<16x1x1xi1> to vector<16x1x1xi32>
        %sign3A_1489 = arith.subi %sign3A_1484, %sign3A_1488 : vector<16x1x1xi32>
        %sign3A_1490 = arith.constant 0 : i32
        %sign3A_1491 = arith.cmpi sgt, %jit3A_1479, %sign3A_1490 : i32
        %sign3A_1492 = arith.extui %sign3A_1491 : i1 to i32
        %sign3A_1493 = arith.constant 0 : i32
        %sign3A_1494 = arith.cmpi slt, %jit3A_1479, %sign3A_1493 : i32
        %sign3A_1495 = arith.extui %sign3A_1494 : i1 to i32
        %sign3A_1496 = arith.subi %sign3A_1492, %sign3A_1495 : i32
        %ne3A = vector.broadcast %sign3A_1496 : i32 to vector<16x1x1xi32>
        %ne3A_1497 = arith.cmpi ne, %sign3A_1489, %ne3A : vector<16x1x1xi32>
        %rem3A = vector.broadcast %jit3A_1479 : i32 to vector<16x1x1xi32>
        %rem3A_1498 = arith.remsi %add3A_1478, %rem3A : vector<16x1x1xi32>
        %ne3A_1499 = arith.constant 0 : i32
        %ne3A_1500 = vector.broadcast %ne3A_1499 : i32 to vector<16x1x1xi32>
        %ne3A_1501 = arith.cmpi ne, %rem3A_1498, %ne3A_1500 : vector<16x1x1xi32>
        %and3A_1502 = arith.andi %ne3A_1497, %ne3A_1501 : vector<16x1x1xi1>
        %sub3A_1503 = arith.constant 1 : i32
        %sub3A_1504 = vector.broadcast %sub3A_1503 : i32 to vector<16x1x1xi32>
        %sub3A_1505 = arith.subi %div3A_1481, %sub3A_1504 : vector<16x1x1xi32>
        %select_n3A_1506 = arith.select %and3A_1502, %sub3A_1505, %div3A_1481 : vector<16x1x1xi1>, vector<16x1x1xi32>
        %le3A_1507 = vector.broadcast %select_n3A_1506 : vector<16x1x1xi32> to vector<16x69x128xi32>
        %le3A_1508 = arith.cmpi sle, %add3A_1399, %le3A_1507 : vector<16x69x128xi32>
        %and3A_1509 = arith.andi %eq3A_1420, %le3A_1508 : vector<16x69x128xi1>
        %jit3A_1510 = arith.constant 1.000000e+00 : f32
        %jit3A_1511 = arith.constant 0.000000e+00 : f32
        %broadcast_in_dim3A_1512 = vector.broadcast %jit3A_1510 : f32 to vector<16x69x128xf32>
        %broadcast_in_dim3A_1513 = vector.broadcast %jit3A_1511 : f32 to vector<16x69x128xf32>
        %select_n3A_1514 = arith.select %and3A_1509, %broadcast_in_dim3A_1512, %broadcast_in_dim3A_1513 : vector<16x69x128xi1>, vector<16x69x128xf32>
        %reduce_sum3A_1515 = arith.constant dense<0.000000e+00> : vector<16xf32>
        %reduce_sum3A_1516 = vector.multi_reduction <add>, %select_n3A_1514, %reduce_sum3A_1515 [1, 2] : vector<16x69x128xf32> to vector<16xf32>
        %broadcast_in_dim3A_1517 = vector.shape_cast %reduce_sum3A_1516 : vector<16xf32> to vector<16x1x1xf32>
        %ge3A_1518 = arith.cmpf oge, %broadcast_in_dim3A_1517, %sub3A_1429 : vector<16x1x1xf32>
        %add3A_1519 = arith.constant 1 : i32
        %add3A_1520 = vector.broadcast %add3A_1519 : i32 to vector<16x1x1xi32>
        %add3A_1521 = arith.addi %select_n3A_1506, %add3A_1520 : vector<16x1x1xi32>
        %select_n3A_1522 = arith.select %ge3A_1518, %scan3A_1476, %add3A_1521 : vector<16x1x1xi1>, vector<16x1x1xi32>
        %select_n3A_1523 = arith.select %ge3A_1518, %select_n3A_1506, %scan3A_1477 : vector<16x1x1xi1>, vector<16x1x1xi32>
        scf.yield %select_n3A_1522, %select_n3A_1523 : vector<16x1x1xi32>, vector<16x1x1xi32>
      }
      %le3A = vector.broadcast %scan3A_1438#0 : vector<16x1x1xi32> to vector<16x69x128xi32>
      %le3A_1439 = arith.cmpi sle, %add3A_1399, %le3A : vector<16x69x128xi32>
      %and3A_1440 = arith.andi %eq3A_1420, %le3A_1439 : vector<16x69x128xi1>
      %or3A = arith.ori %gt3A_1418, %and3A_1440 : vector<16x69x128xi1>
      %jit3A_1441 = arith.constant 0.000000e+00 : f32
      %broadcast_in_dim3A_1442 = vector.broadcast %jit3A_1441 : f32 to vector<16x69x128xf32>
      %select_n3A_1443 = arith.select %or3A, %get3A_1393, %broadcast_in_dim3A_1442 : vector<16x69x128xi1>, vector<16x69x128xf32>
      %reduce_sum3A_1444 = vector.shape_cast %select_n3A_1443 : vector<16x69x128xf32> to vector<1x16x69x128xf32>
      %reduce_sum3A_1445 = arith.constant dense<0.000000e+00> : vector<1xf32>
      %reduce_sum3A_1446 = vector.multi_reduction <add>, %reduce_sum3A_1444, %reduce_sum3A_1445 [1, 2, 3] : vector<1x16x69x128xf32> to vector<1xf32>
      %reduce_sum3A_1447 = vector.shape_cast %reduce_sum3A_1446 : vector<1xf32> to vector<1x1x1x1xf32>
      %reduce_sum3A_1448 = vector.extract %reduce_sum3A_1447[0, 0, 0, 0] : f32 from vector<1x1x1x1xf32>
      %get3A_1449 = arith.constant 2 : index
      %get3A_1450 = memref.load %arg21[%get3A_1449] : memref<4xf32, #tpu.memory_space<smem>>
      %get3A_1451 = arith.constant 1 : index
      %get3A_1452 = memref.load %arg21[%get3A_1451] : memref<4xf32, #tpu.memory_space<smem>>
      %div3A_1453 = arith.divf %get3A_1452, %get3A_1450 : f32
      %mul3A_1454 = arith.constant 2.000000e+00 : f32
      %mul3A_1455 = arith.mulf %div3A_1453, %mul3A_1454 : f32
      %swap3A_1456 = arith.constant 0 : index
      %swap3A_1457 = arith.constant 0 : index
      %swap3A_1458 = memref.load %arg16[%swap3A_1456, %swap3A_1457] : memref<1x1xf32, #tpu.memory_space<smem>>
      memref.store %mul3A_1455, %arg16[%swap3A_1456, %swap3A_1457] : memref<1x1xf32, #tpu.memory_space<smem>>
      %get3A_1459 = arith.constant 3 : index
      %get3A_1460 = memref.load %arg21[%get3A_1459] : memref<4xf32, #tpu.memory_space<smem>>
      %add3A_1461 = arith.addf %get3A_1460, %reduce_sum3A_1448 : f32
      %div3A_1462 = arith.divf %add3A_1461, %get3A_1450 : f32
      %mul3A_1463 = arith.constant 2.000000e+00 : f32
      %mul3A_1464 = arith.mulf %div3A_1462, %mul3A_1463 : f32
      %swap3A_1465 = arith.constant 0 : index
      %swap3A_1466 = arith.constant 0 : index
      %swap3A_1467 = memref.load %arg17[%swap3A_1465, %swap3A_1466] : memref<1x1xf32, #tpu.memory_space<smem>>
      memref.store %mul3A_1464, %arg17[%swap3A_1465, %swap3A_1466] : memref<1x1xf32, #tpu.memory_space<smem>>
      %get3A_1468 = arith.constant 0 : index
      %get3A_1469 = memref.load %arg21[%get3A_1468] : memref<4xf32, #tpu.memory_space<smem>>
      %div3A_1470 = arith.constant 5.270400e+04 : f32
      %div3A_1471 = arith.divf %get3A_1469, %div3A_1470 : f32
      %swap3A_1472 = arith.constant 0 : index
      %swap3A_1473 = arith.constant 0 : index
      %swap3A_1474 = memref.load %arg18[%swap3A_1472, %swap3A_1473] : memref<1x1xf32, #tpu.memory_space<smem>>
      memref.store %div3A_1471, %arg18[%swap3A_1472, %swap3A_1473] : memref<1x1xf32, #tpu.memory_space<smem>>
    } else {
    }
    return
  }
  func.func @transform_0(%arg0: i32) -> (i32, i32, i32) {
    %c0_i32 = arith.constant 0 : i32
    %c0_i32_0 = arith.constant 0 : i32
    %c0_i32_1 = arith.constant 0 : i32
    %c0_i32_2 = arith.constant 0 : i32
    return %c0_i32, %c0_i32_0, %c0_i32_1 : i32, i32, i32
  }
  func.func @transform_1(%arg0: i32) -> (i32, i32) {
    %c0_i32 = arith.constant 0 : i32
    %c0_i32_0 = arith.constant 0 : i32
    %c0_i32_1 = arith.constant 0 : i32
    return %c0_i32, %c0_i32_0 : i32, i32
  }
  func.func @transform_2(%arg0: i32) -> (i32, i32) {
    %c0_i32 = arith.constant 0 : i32
    %c0_i32_0 = arith.constant 0 : i32
    %c0_i32_1 = arith.constant 0 : i32
    return %c0_i32, %c0_i32_0 : i32, i32
  }
  func.func @transform_3(%arg0: i32) -> (i32, i32, i32) {
    %c0_i32 = arith.constant 0 : i32
    %c0_i32_0 = arith.constant 0 : i32
    %c0_i32_1 = arith.constant 0 : i32
    return %arg0, %c0_i32, %c0_i32_0 : i32, i32, i32
  }
  func.func @transform_4(%arg0: i32) -> (i32, i32) {
    %c0_i32 = arith.constant 0 : i32
    %c0_i32_0 = arith.constant 0 : i32
    %c0_i32_1 = arith.constant 0 : i32
    return %c0_i32, %c0_i32_0 : i32, i32
  }
  func.func @transform_5(%arg0: i32) -> (i32, i32) {
    %c0_i32 = arith.constant 0 : i32
    %c0_i32_0 = arith.constant 0 : i32
    %c0_i32_1 = arith.constant 0 : i32
    return %c0_i32, %c0_i32_0 : i32, i32
  }
  func.func @transform_6(%arg0: i32) -> (i32, i32, i32) {
    %c0_i32 = arith.constant 0 : i32
    %c0_i32_0 = arith.constant 0 : i32
    %c0_i32_1 = arith.constant 0 : i32
    return %arg0, %c0_i32, %c0_i32_0 : i32, i32, i32
  }
  func.func @transform_7(%arg0: i32) -> (i32, i32) {
    %c0_i32 = arith.constant 0 : i32
    %c0_i32_0 = arith.constant 0 : i32
    %c0_i32_1 = arith.constant 0 : i32
    return %c0_i32, %c0_i32_0 : i32, i32
  }
  func.func @transform_8(%arg0: i32) -> (i32, i32) {
    %c0_i32 = arith.constant 0 : i32
    %c0_i32_0 = arith.constant 0 : i32
    %c0_i32_1 = arith.constant 0 : i32
    return %c0_i32, %c0_i32_0 : i32, i32
  }
  func.func @transform_9(%arg0: i32) -> (i32, i32, i32) {
    %c0_i32 = arith.constant 0 : i32
    %c0_i32_0 = arith.constant 0 : i32
    %c0_i32_1 = arith.constant 0 : i32
    return %arg0, %c0_i32, %c0_i32_0 : i32, i32, i32
  }
  func.func @transform_10(%arg0: i32) -> (i32, i32, i32) {
    %c0_i32 = arith.constant 0 : i32
    %c0_i32_0 = arith.constant 0 : i32
    %c0_i32_1 = arith.constant 0 : i32
    %c0_i32_2 = arith.constant 0 : i32
    return %c0_i32, %c0_i32_0, %c0_i32_1 : i32, i32, i32
  }
  func.func @transform_11(%arg0: i32) -> (i32, i32, i32, i32) {
    %c0_i32 = arith.constant 0 : i32
    %c0_i32_0 = arith.constant 0 : i32
    %c0_i32_1 = arith.constant 0 : i32
    %c0_i32_2 = arith.constant 0 : i32
    return %arg0, %c0_i32, %c0_i32_0, %c0_i32_1 : i32, i32, i32, i32
  }
  func.func @transform_12(%arg0: i32) -> (i32, i32, i32, i32) {
    %c0_i32 = arith.constant 0 : i32
    %c0_i32_0 = arith.constant 0 : i32
    %c0_i32_1 = arith.constant 0 : i32
    %c0_i32_2 = arith.constant 0 : i32
    return %arg0, %c0_i32, %c0_i32_0, %c0_i32_1 : i32, i32, i32, i32
  }
  func.func @transform_13(%arg0: i32) -> (i32, i32, i32) {
    %c0_i32 = arith.constant 0 : i32
    %c0_i32_0 = arith.constant 0 : i32
    %c0_i32_1 = arith.constant 0 : i32
    return %arg0, %c0_i32, %c0_i32_0 : i32, i32, i32
  }
  func.func @transform_14(%arg0: i32) -> (i32, i32, i32) {
    %c0_i32 = arith.constant 0 : i32
    %c0_i32_0 = arith.constant 0 : i32
    %c0_i32_1 = arith.constant 0 : i32
    return %arg0, %c0_i32, %c0_i32_0 : i32, i32, i32
  }
  func.func @transform_15(%arg0: i32) -> (i32, i32) {
    %c0_i32 = arith.constant 0 : i32
    %c0_i32_0 = arith.constant 0 : i32
    %c0_i32_1 = arith.constant 0 : i32
    return %c0_i32, %c0_i32_0 : i32, i32
  }
  func.func @transform_16(%arg0: i32) -> (i32, i32) {
    %c0_i32 = arith.constant 0 : i32
    %c0_i32_0 = arith.constant 0 : i32
    %c0_i32_1 = arith.constant 0 : i32
    return %c0_i32, %c0_i32_0 : i32, i32
  }
  func.func @transform_17(%arg0: i32) -> (i32, i32) {
    %c0_i32 = arith.constant 0 : i32
    %c0_i32_0 = arith.constant 0 : i32
    %c0_i32_1 = arith.constant 0 : i32
    return %c0_i32, %c0_i32_0 : i32, i32
  }
}

</mosaic_0001>

<sc_bundles>
// kernel: kernel.4.cloned.1.call-start
scs
__scs_entry_jumppad:
0x0: {  	(pc) =	sbr.rel $0x88, $3  }
0x1: {  	(tag) =	ssettag $0x0;
	lr =	simm.s32 $0x1  }
0x2: {  	[smem:$0x3F9A] =	sst lr;
	_ =	strace $0xD0000000  }
0x3: {  	_ = 	snop  }
0x4: {  	_ = 	snop  }
0x5: {  	_ = 	snop  }
0x6: {  	_ = 	snop  }
0x7: {  	_ = 	snop  }
__scs_overlays_trampoline_lowered:
0x8: {  	[smem:$0x3FA9] =	sst s0  }
0x9: {  	[smem:$0x3FAA] =	sst s1  }
0xa: {  	[smem:$0x3FAB] =	sst s2  }
0xb: {  	[smem:$0x3FAC] =	sst s3  }
0xc: {  	[smem:$0x3FAD] =	sst s4  }
0xd: {  	[smem:$0x3FAE] =	sst s5  }
0xe: {  	[smem:$0x3FAF] =	sst s6  }
0xf: {  	[smem:$0x3FB0] =	sst s7  }
0x10: {  	[smem:$0x3FB1] =	sst s8  }
0x11: {  	[smem:$0x3FB2] =	sst s9;
	s0 =	simm.s32 @!p0 $0x0  }
0x12: {  	s1 =	sld [smem:$0x3F98];
	s0 =	simm.s32 @p0 $0x1  }
0x13: {  	[smem:$0x3FB3] =	sst s0;
	s0 =	simm.s32 @!p1 $0x0  }
0x14: {  	s2 =	sld [smem:$0x3F97];
	s0 =	simm.s32 @p1 $0x1  }
0x15: {  	[smem:$0x3FB4] =	sst s0;
	s0 =	simm.s32 @!p2 $0x0  }
0x16: {  	s3 =	sld [smem:$0x3FDB];
	s0 =	simm.s32 @p2 $0x1  }
0x17: {  	s4 =	simm.s32 $0x1BF5;
	[smem:$0x3FB6] =	sst s0  }
0x18: {  	s0 =	sld [smem:$0x3F99];
	_ =	swait.ge [sflag:s4], $0x0  }
0x19: {  	s7 =	sld [smem:$0x3F9A]  }
0x1a: {  	s8 =	sadd.s32 $0xFFFFE003, lr  }
0x1b: {  	s9 =	sadd.s32 $0xFFFFFEF7, lr;
	s5 =	simm.s32 $0xFFFFFFFF;
	p2 =	slt.u32 s8, $0xFFFFF086  }
0x1c: {  	p1 =	slt.u32 s9, $0xF7A;
	s5 =	simm.s32 @!p2 $0x0  }
0x1d: {  	s5 =	simm.s32 @p1 $0x1;
	p0 =	seq.s32 s7, s2  }
0x1e: {  	s7 =	smul.u32 @!p0 $0xF7A, s2;
	p2 =	seq.s32 @!p0 s5, $0x0  }
0x1f: {  	s9 =	smul.u32 $0xF7A, s1;
	s8 =	simm.s32 @!p0 $0x1BF5;
	p2 =	por !p2, p0  }
0x20: {  	[sflag:s8] =	ssyncset.s32 @!p0 $0xFFFFF086;
	s6 =	sadd.s32 @!p0 s3, s7;
	s7 =	simm.s32 @!p0 $0x108  }
0x21: {  	s3 =	sadd.s32 s3, s9;
	s6 =	sadd.s32 @!p0 $0x88, s6;
	s7 =	simm.s32 @p2 $0x1082  }
0x22: {  	[simem:s7], [sflag:s8] =	dma.local @!p0 [hbm:s6], $0xF7A  }
0x23: {  	s9 =	sor.u32 $0xD0000000, s2;
	s6 =	simm.s32 $0x108;
	_ =	swait.ge @!p0 [sflag:s8], $0x0  }
0x24: {  	s3 =	sadd.s32 $0x88, s3;
	s6 =	simm.s32 @!p1 $0x1082;
	[sflag:s4] =	ssyncset.s32 $0xFFFFF086  }
0x25: {  	[simem:s6], [sflag:s4] =	dma.local [hbm:s3], $0xF7A  }
0x26: {  	[smem:$0x3F9A] =	sst s1;
	(tag) =	ssettag s2;
	_ =	strace s9  }
0x27: {  	s1 =	sld [smem:$0x3FAA]  }
0x28: {  	s2 =	sld [smem:$0x3FAB]  }
0x29: {  	s4 =	sld [smem:$0x3FAD]  }
0x2a: {  	p0 =	seq.s32 s5, $0x0;
	s5 =	sld [smem:$0x3FAE]  }
0x2b: {  	s6 =	sld [smem:$0x3FAF]  }
0x2c: {  	s7 =	sld [smem:$0x3FB0]  }
0x2d: {  	s3 =	simm.s32 $0x108;
	s8 =	sld [smem:$0x3FB1]  }
0x2e: {  	s3 =	simm.s32 @!p0 $0x1082;
	s9 =	sld [smem:$0x3FB2]  }
0x2f: {  	lr =	sadd.s32 s0, s3;
	s0 =	sld [smem:$0x3FA9]  }
0x30: {  	s3 =	sld [smem:$0x3FAC]  }
0x31: {  	[smem:$0x3FB5] =	sst s10  }
0x32: {  	s10 =	sld [smem:$0x3FB3];
	_ =	sdelay $0x3  }
0x33: {  	p0 =	seq.s32 s10, $0x1;
	s10 =	sld [smem:$0x3FB5];
	_ =	sdelay $0x3  }
0x34: {  	[smem:$0x3FB5] =	sst s10  }
0x35: {  	s10 =	sld [smem:$0x3FB4];
	_ =	sdelay $0x3  }
0x36: {  	p1 =	seq.s32 s10, $0x1;
	s10 =	sld [smem:$0x3FB5];
	_ =	sdelay $0x3  }
0x37: {  	[smem:$0x3FB5] =	sst s10  }
0x38: {  	s10 =	sld [smem:$0x3FB6]  }
0x39: {  	_ = 	snop;
	(pc) =	sbr.ind lr, $3  }
0x3a: {  	_ = 	snop  }
0x3b: {  	_ = 	snop  }
0x3c: {  	p2 =	seq.s32 s10, $0x1;
	s10 =	sld [smem:$0x3FB5]  }
0x3d: {  	_ =	shalt  }
0x3e: {  	_ =	shalt  }
0x3f: {  	_ =	shalt  }
0x40: {  	_ =	shalt  }
0x41: {  	_ =	shalt  }
0x42: {  	_ =	shalt  }
0x43: {  	_ =	shalt  }
0x44: {  	_ =	shalt  }
0x45: {  	_ =	shalt  }
0x46: {  	_ =	shalt  }
0x47: {  	_ =	shalt  }
0x48: {  	_ =	shalt  }
0x49: {  	_ =	shalt  }
0x4a: {  	_ =	shalt  }
0x4b: {  	_ =	shalt  }
0x4c: {  	_ =	shalt  }
0x4d: {  	_ =	shalt  }
0x4e: {  	_ =	shalt  }
0x4f: {  	_ =	shalt  }
0x50: {  	_ =	shalt  }
0x51: {  	_ =	shalt  }
0x52: {  	_ =	shalt  }
0x53: {  	_ =	shalt  }
0x54: {  	_ =	shalt  }
0x55: {  	_ =	shalt  }
0x56: {  	_ =	shalt  }
0x57: {  	_ =	shalt  }
0x58: {  	_ =	shalt  }
0x59: {  	_ =	shalt  }
0x5a: {  	_ =	shalt  }
0x5b: {  	_ =	shalt  }
0x5c: {  	_ =	shalt  }
0x5d: {  	_ =	shalt  }
0x5e: {  	_ =	shalt  }
0x5f: {  	_ =	shalt  }
0x60: {  	_ =	shalt  }
0x61: {  	_ =	shalt  }
0x62: {  	_ =	shalt  }
0x63: {  	_ =	shalt  }
0x64: {  	_ =	shalt  }
0x65: {  	_ =	shalt  }
0x66: {  	_ =	shalt  }
0x67: {  	_ =	shalt  }
0x68: {  	_ =	shalt  }
0x69: {  	_ =	shalt  }
0x6a: {  	_ =	shalt  }
0x6b: {  	_ =	shalt  }
0x6c: {  	_ =	shalt  }
0x6d: {  	_ =	shalt  }
0x6e: {  	_ =	shalt  }
0x6f: {  	_ =	shalt  }
0x70: {  	_ =	shalt  }
0x71: {  	_ =	shalt  }
0x72: {  	_ =	shalt  }
0x73: {  	_ =	shalt  }
0x74: {  	_ =	shalt  }
0x75: {  	_ =	shalt  }
0x76: {  	_ =	shalt  }
0x77: {  	_ =	shalt  }
0x78: {  	_ =	shalt  }
0x79: {  	_ =	shalt  }
0x7a: {  	_ =	shalt  }
0x7b: {  	_ =	shalt  }
0x7c: {  	_ =	shalt  }
0x7d: {  	_ =	shalt  }
0x7e: {  	_ =	shalt  }
0x7f: {  	_ =	shalt  }
0x80: {  	_ =	shalt  }
0x81: {  	_ =	shalt  }
0x82: {  	_ =	shalt  }
0x83: {  	_ =	shalt  }
0x84: {  	_ =	shalt  }
0x85: {  	_ =	shalt  }
0x86: {  	_ =	shalt  }
0x87: {  	_ =	shalt  }
.Lfunc_end0:
.L_simem_size_0:
called_computation_lowered:
.L_overlay_start_0:
0x88: {  	s2 =	sld [smem:$0x3FD9]  }
0x89: {  	s3 =	sld [smem:$0x3FFE];
	_ =	sdelay $0x1  }
0x8a: {  	s1 =	srdreg.scid  }
0x8b: {  	s0 =	sand.u32 $0x1, s1  }
0x8c: {  	s16 =	sshll.u32 s0, $0xA;
	s2 =	sadd.s32 s3, s2  }
0x8d: {  	s2 =	sadd.s32 s2, s16  }
0x8e: {  	[smem:$0x3FC1] =	sst s2  }
0x8f: {  	_ = 	snop  }
0x90: {  	(tm) =	ssettm $0x1  }
0x91: {  	s17 =	sld [smem:$0x3FFB];
	_ =	sdelay $0x3  }
0x92: {  	_ =	strace s17  }
0x93: {  	s2 =	sld [smem:$0x3FFC];
	_ =	sdelay $0x3  }
0x94: {  	_ =	strace s2  }
0x95: {  	s2 =	sld [smem:$0x3FFD];
	_ =	sdelay $0x3  }
0x96: {  	_ =	strace s2  }
0x97: {  	_ =	strace $0x8FFFFFFF  }
0x98: {  	s18 =	sld [smem:$0x3FDB];
	_ =	sdelay $0x1  }
0x99: {  	s19 =	simm.s32 $_scs_section_size  }
0x9a: {  	s4 =	simm.s32 $_size__tile_overlayer_lowered;
	s5 =	simm.s32 $_tile_overlayer_lowered  }
0x9b: {  	s22 =	simm.s32 $0x1BFF;
	s21 =	sshll.u32 s5, $0x1;
	s2 =	sadd.s32 s19, s18  }
0x9c: {  	s6 =	simm.s32 $0x0;
	s20 =	sshll.u32 s4, $0x1;
	s4 =	sadd.s32 s21, s2  }
0x9d: {  	[timem:s6], [sflag:s22] =	dma.local [hbm:s4], s20  }
0x9e: {  	_ =	swait.ge [sflag:s22], s20  }
0x9f: {  	s3 =	ssub.s32 $0x0, s20;
	[sflag:s22] =	ssyncset.done $0x0  }
0xa0: {  	[sflag:s22] =	ssyncadd.s32 s3;
	_ =	sdelay $0x1  }
0xa1: {  	s23 =	simm.s32 $0x1B8B  }
0xa2: {  	_ =	swait.ge [sflag:s23], $0x1  }
0xa3: {  	[sflag:s23] =	ssyncset.done $0x0  }
0xa4: {  	s25 =	simm.s32 $0x1B8E;
	s24 =	sld [smem:$0x3FFE];
	[sflag:s23] =	ssyncadd.s32 $0xFFFFFFFF  }
0xa5: {  	s26 =	simm.s32 $execute0_lowered;
	[smem:$0x3FD2] =	sst s25  }
0xa6: {  	s4 =	sshll.u32 s26, $0x1;
	_ =	strace $0x80000046;
	[dreg:$0x1] =	wrdreg $0xFFFFFFFF  }
0xa7: {  	s28 =	simm.s32 $_size_execute0_lowered;
	s2 =	sadd.s32 s2, s4;
	[dreg:$0x0] =	wrdreg $0x0  }
0xa8: {  	s4 =	sshll.u32 s28, $0x1;
	[dreg:$0x2] =	wrdreg s2  }
0xa9: {  	[dreg:$0x3] =	wrdreg s4  }
0xaa: {  	[dreg:$0x4] =	wrdreg $0xC0  }
0xab: {  	_ =	task [dreg:s6], $0x5FFFF  }
0xac: {  	[dreg:$0x1] =	wrdreg $0xFFFFFFFF  }
0xad: {  	[dreg:$0x0] =	wrdreg $0x60  }
0xae: {  	[dreg:$0x2] =	wrdreg s24  }
0xaf: {  	[dreg:$0x3] =	wrdreg $0x9E800  }
0xb0: {  	[dreg:$0x4] =	wrdreg $0x9E900  }
0xb1: {  	[dreg:$0x5] =	wrdreg $0x9  }
0xb2: {  	_ =	task.clear_ibuf [dreg:s6], $0x6FFFF;
	_ =	strace $0x90000046  }
0xb3: {  	s29 =	simm.s32 $0x9;
	_ =	strace $0x80000048  }
0xb4: {  	_ =	swait.ge [sflag:s29], $0x1  }
0xb5: {  	[sflag:s29] =	ssyncadd.s32 $0xFFFFFFFF  }
0xb6: {  	_ =	strace $0x90000048  }
0xb7: {  	_ =	sfence  }
0xb8: {  	s30 =	sld [smem:$0x0];
	_ =	sdelay $0x2  }
0xb9: {  	s31 =	sshll.u32 s1, $0xD;
	s1 =	sshrl.u32 s1, $0x2  }
0xba: {  	s3 =	sand.u32 $0x4000, s31;
	s1 =	sadd.s32 s1, s30  }
0xbb: {  	s0 =	sor.u32 s3, s0;
	s1 =	sshll.u32 s1, $0x11  }
0xbc: {  	s0 =	sor.u32 s1, s0  }
0xbd: {  	s0 =	sadd.s32 $0x8F2B, s0  }
0xbe: {  	[sflag:s0] =	ssyncadd.remote.s32 $0x1  }
0xbf: {  	_ =	sfence.sel $0xFFFF  }
0xc0: {  	[dreg:$0x0] =	wrdreg $0xFFFFFFFF;
	(pc) =	sbr.abs _section_cstart, $3  }
0xc1: {  	[dreg:$0x1] =	wrdreg $0xFFFFFFFF  }
0xc2: {  	_ =	task.clear_ibuf [dreg:s6], $0x2FFFF;
	_ =	strace $0x9FFFFFFF  }
0xc3: {  	(tm) =	ssettm $0x7FFFFFFF  }
tec
execute0_lowered:
.L_overlay_start_1:
0x0: {  	(tag) =	ssettag $0x1  }
0x1: {  	s4 =	rddreg [dreg:$0x0];
	s1 =	srdreg.scid  }
0x2: {  	v0 =	vimm.s32 $0xEFCDAB89;
	s9 =	rddreg [dreg:$0x1];
	s0 =	stileid.u32;
	v1 =	vimm.s32 $0x67452301  }
0x3: {  	v2 =	vimm.s32 $0xDCFE98BA;
	s10 =	rddreg [dreg:$0x2];
	s3 =	simm.s32 $0x0;
	v4 =	vimm.s32 $0xBA98FEDC;
	s15 =	simm.s32 $0x7B80  }
0x4: {  	v5 =	vimm.s32 $0x32107654;
	v6 =	vimm.s32 $0xFEDCBA98;
	vm0 =	vmmov $0x1;
	s16 =	simm.s32 $0x8D00;
	s17 =	simm.s32 $0x0;
	s5 =	sand.u32 $0x1, s1  }
0x5: {  	vm1 =	vcmask $0x314;
	vm2 =	vcmask $0x714;
	vm3 =	vcmask $0xB14;
	s6 =	sand.u32 $0x1, s0;
	s2 =	sshrl.u32 s0, $0x1;
	[smem:$0x7FF] =	sst s3  }
0x6: {  	vm4 =	vcmask $0xF14;
	v9 =	vimm.s32 $0x4;
	v0 =	vunpack.c.l.s4.s8 v0;
	s30 =	sshll.u32 s0, $0x4;
	s1 =	sshll.u32 s5, $0x3;
	s11 =	smul.u32 $0xAC8, s6  }
0x7: {  	v1 =	vunpack.c.l.s4.s8 v1;
	v2 =	vunpack.c.l.s4.s8 v2;
	v4 =	vunpack.c.l.s4.s8 v4;
	s5 =	ssub.s32 $0x2, s5;
	s7 =	sor.u32 s2, s1;
	s2 =	smul.u32 $0x1140, s6  }
0x8: {  	v5 =	vunpack.c.l.s4.s8 v5;
	p0 =	seq.s32 s6, $0x0;
	v3 =	vunpack.c.0.s8.s32 v0;
	s1 =	rddreg [dreg:$0x3];
	v0 =	vimm.s32 $0x54761032;
	s8 =	smul.u32 $0x2280, s7  }
0x9: {  	v6 =	vunpack.c.l.s4.s8 v6;
	v1 =	vunpack.c.0.s8.s32 v1;
	_ =	strace $0x80000047;
	s29 =	sshrl.u32 s5, $0x1;
	s6 =	sadd.s32 s30, s9;
	v0 =	vunpack.c.l.s4.s8 v0  }
0xa: {  	v2 =	vunpack.c.0.s8.s32 v2;
	v4 =	vunpack.c.0.s8.s32 v4;
	v5 =	vunpack.c.0.s8.s32 v5;
	s7 =	smul.u32 $0x32, s7;
	s13 =	ssub.s32 s5, s29;
	s8 =	sadd.s32 s2, s8  }
0xb: {  	v6 =	vunpack.c.0.s8.s32 v6;
	s11 =	sadd.s32 s11, s4;
	s13 =	smax.u32 s13, $0x1;
	v7 =	vunpack.c.0.s8.s32 v0;
	v0 =	vimm.s32 $0x76543210;
	s8 =	sshrl.u32 s8, $0x3  }
0xc: {  	v3 =	vcombine.low v1, v3;
	v4 =	vcombine.low v5, v4;
	s7 =	sadd.s32 s7, s4;
	v8 =	vunpack.c.l.s4.s8 v0;
	s12 =	sadd.s32 s8, s4;
	s8 =	simm.s32 $0x1  }
0xd: {  	v1 =	vimm.s32 $0x0;
	v6 =	vand.u32 $0xF, v6;
	s5 =	sadd.s32 $0x3400, s7;
	s7 =	sadd.s32 s30, s10;
	v7 =	vcombine.low v7, v2;
	s8 =	simm.s32 @!p0 $0xFFFFFFF  }
0xe: {  	v0 =	vlaneseq.u32;
	v4 =	vand.u32 $0xF, v4;
	s4 =	sadd.s32 $0x1E00, s11;
	v5 =	vunpack.c.0.s8.s32 v8;
	s11 =	sadd.s32 $0x3800, s12;
	s14 =	sadd.s32 s0, s8  }
0xf: {  	v2 =	vand.u32 $0xF, v3;
	s12 =	sadd.s32 $0x7E00, s12;
	v8 =	vimm.s32 $0x3;
	s8 =	simm.s32 $0x1;
	v3 =	vand.u32 $0xF, v7;
	s31 =	sshll.u32 s14, $0x4  }
0x10: {  	v7 =	vimm.s32 $0x2;
	v5 =	vcombine.low v6, v5;
	s14 =	simm.s32 $0x5680;
	v6 =	vimm.s32 $0x1;
	s9 =	sadd.s32 s31, s9;
	s10 =	sadd.s32 s31, s10  }
.LBB2_1:
0x11: {  	[tilespmem:s3], [sflag:$0x1] =	stream.linear.gather [hbm4b:s4+s3], $0x5640, $0x38;
	[tilespmem:$0x9EA0] =	vst v63  }
0x12: {  	_ =	swait.ge [sflag:s8], $0x5640  }
0x13: {  	[sflag:s8] =	ssyncset.done $0x0  }
0x14: {  	[sflag:s8] =	ssyncadd.s32 $0xFFFFA9C0  }
0x15: {  	[tilespmem:s14], [sflag:$0x1] =	stream.linear.gather [hbm4b:s5+s3], $0x190, $0x38;
	[tilespmem:$0x9EA0] =	vst v63  }
0x16: {  	_ =	swait.ge [sflag:s8], $0x190  }
0x17: {  	[sflag:s8] =	ssyncset.done $0x0  }
0x18: {  	[sflag:s8] =	ssyncadd.s32 $0xFFFFFE70  }
0x19: {  	v10 =	vld [tilespmem:$0x5690]  }
0x1a: {  	v11 =	vld [tilespmem:$0x5770]  }
0x1b: {  	v12 =	vld [tilespmem:$0x56A0]  }
0x1c: {  	v13 =	vld [tilespmem:s3+$0x1140]  }
0x1d: {  	v14 =	vld [tilespmem:s3+$0x33C0]  }
0x1e: {  	v15 =	vld [tilespmem:$0x5780]  }
0x1f: {  	v16 =	vld [tilespmem:$0x57A0]  }
0x20: {  	v17 =	vld [tilespmem:$0x5790]  }
0x21: {  	v18 =	vld [tilespmem:$0x5680]  }
0x22: {  	v19 =	vld [tilespmem:$0x5750]  }
0x23: {  	v21 =	vld [tilespmem:s3+$0x0]  }
0x24: {  	v20 =	vld [tilespmem:$0x5700]  }
0x25: {  	v22 =	vld [tilespmem:$0x56F0]  }
0x26: {  	v23 =	vld [tilespmem:$0x57F0]  }
0x27: {  	v24 =	vld [tilespmem:$0x56E0]  }
0x28: {  	v25 =	vld [tilespmem:$0x5730]  }
0x29: {  	v27 =	vld [tilespmem:$0x56B0]  }
0x2a: {  	s18 =	sand.u32 $0x1FF0, s3;
	v34 =	vld [tilespmem:$0x56D0];
	v28 =	vmin.f32 v16, v14  }
0x2b: {  	v60 =	vld [tilespmem:s18+$0x2280];
	v29 =	vmax.f32 v18, v21;
	v30 =	vmax.f32 v11, v21;
	v11 =	vsub.f32 v17, v11  }
0x2c: {  	v32 =	vmin.f32 v20, v14;
	v33 =	vmin.f32 v19, v14;
	v16 =	vsub.f32 v16, v15  }
0x2d: {  	v35 =	vmax.f32 v24, v13;
	v20 =	vsub.f32 v20, v24;
	v36 =	vmax.f32 v10, v13  }
0x2e: {  	v26 =	vld [tilespmem:$0x57D0];
	v19 =	vsub.f32 v19, v25;
	v37 =	vmin.f32 v23, v14;
	v25 =	vmax.f32 v25, v13  }
0x2f: {  	v14 =	vmin.f32 v27, v14;
	v18 =	vsub.f32 v12, v18;
	v10 =	vsub.f32 v27, v10  }
0x30: {  	v27 =	vmax.f32 v34, v21;
	v34 =	vsub.f32 v22, v34;
	v12 =	vmin.f32 v12, v60  }
0x31: {  	v22 =	vmin.f32 v22, v60;
	v32 =	vsub.f32 v32, v35;
	v25 =	vsub.f32 v33, v25  }
0x32: {  	v62 =	vld [tilespmem:s18+$0x4500];
	v12 =	vsub.f32 v12, v29;
	v14 =	vsub.f32 v14, v36;
	v11 =	vmul.f32 v16, v11  }
0x33: {  	v16 =	vsub.f32 v23, v26;
	v26 =	vmax.f32 v26, v13;
	v13 =	vmax.f32 v15, v13  }
0x34: {  	v31 =	vld [tilespmem:$0x57C0];
	v15 =	vmin.f32 v17, v60;
	v17 =	vsub.f32 v22, v27;
	v10 =	vmul.f32 v10, v18  }
0x35: {  	v63 =	vld [tilespmem:$0x5740];
	v18 =	vmul.f32 v20, v34;
	v23 =	vmax.f32 v32, $0.0e+00;
	v26 =	vsub.f32 v37, v26  }
0x36: {  	v22 =	vld [tilespmem:$0x5720];
	v13 =	vsub.f32 v28, v13;
	v14 =	vmax.f32 v14, $0.0e+00;
	v12 =	vmax.f32 v12, $0.0e+00  }
0x37: {  	v24 =	vld [tilespmem:$0x57E0];
	v12 =	vmul.f32 v14, v12;
	v10 =	vadd.f32 v10, v62;
	v14 =	vsub.f32 v15, v30  }
0x38: {  	v17 =	vmax.f32 v17, $0.0e+00;
	v15 =	vadd.f32 v18, v62;
	v11 =	vadd.f32 v11, v62  }
0x39: {  	v13 =	vmax.f32 v13, $0.0e+00;
	v10 =	vsub.f32 v10, v12;
	v14 =	vmax.f32 v14, $0.0e+00  }
0x3a: {  	v18 =	vmul.f32 v23, v17;
	v23 =	vmin.f32 v63, v60;
	v20 =	vmul.f32 v13, v14  }
0x3b: {  	v13 =	vsub.f32 v63, v22;
	(erf) = vrcp.f32 v10;
	v10 =	vmax.f32 v22, v21  }
0x3c: {  	v61 =	vmax.f32 v31, v21;
	v31 =	vsub.f32 v24, v31;
	v10 =	vsub.f32 v23, v10  }
0x3d: {  	v17 =	vmax.f32 v25, $0.0e+00;
	v14 =	vmin.f32 v24, v60;
	v13 =	vmul.f32 v19, v13  }
0x3e: {  	v15 =	vsub.f32 v15, v18;
	v14 =	vsub.f32 v14, v61;
	v10 =	vmax.f32 v10, $0.0e+00  }
0x3f: {  	v11 =	vsub.f32 v11, v20;
	v23 =	vmul.f32 v17, v10;
	v10 =	vadd.f32 v13, v62  }
0x40: {  	v16 =	vmul.f32 v16, v31;
	(erf) = vrcp.f32 v15;
	v15 =	vmax.f32 v26, $0.0e+00  }
0x41: {  	(erf) = vrcp.f32 v11;
	v11 =	vmax.f32 v14, $0.0e+00;
	v10 =	vsub.f32 v10, v23  }
0x42: {  	v13 =	vadd.f32 v16, v62;
	v21 =	vmul.f32 v15, v11  }
0x43: {  	(erf) = vrcp.f32 v10  }
0x44: {  	v11 =	vsub.f32 v13, v21;
	_ =	sdelay $0x1  }
0x45: {  	v10 =	vpop (erf);
	(erf) = vrcp.f32 v11  }
0x46: {  	v19 =	vimm.s32 $0x2280;
	v14 =	vimm.s32 $0x2280;
	v16 =	vimm.f32 $-1.000000000e+00  }
0x47: {  	s20 =	simm.s32 $0x6A00;
	v17 =	vimm.s32 $0x2280;
	v15 =	vimm.s32 $0x2280;
	v13 =	vimm.f32 $-1.000000000e+00  }
0x48: {  	s21 =	simm.s32 $0x10;
	s22 =	simm.s32 $0x5890;
	s24 =	simm.s32 $0x0;
	v11 =	vimm.f32 $-1.000000000e+00;
	v22 =	vmul.f32 v10, v12;
	v10 =	vpop (erf);
	v12 =	vimm.s32 $0x2280  }
0x49: {  	s23 =	simm.s32 $0x0;
	s19 =	simm.s32 $0x6A00;
	s18 =	simm.s32 $0x5880;
	v24 =	vmul.f32 v10, v18;
	v10 =	vimm.f32 $-1.000000000e+00;
	v25 =	vpop (erf);
	v18 =	vimm.f32 $-1.000000000e+00  }
.LBB2_2:
0x4a: {  	s24 =	sadd.s32 s24, s2;
	vm5 =	vgt.f32 v22, $-1.000000000e+00;
	s20 =	sadd.s32 $0x10, s20;
	s23 =	sadd.s32 $0x10, s23  }
0x4b: {  	p0 =	sne.s32 s21, $0x1130;
	v26 =	vor.u32 s24, v0;
	v27 =	vnsel vm5, $0xBF800000, v22;
	vm5 =	vgt.f32 v24, v16;
	v28 =	vpop (erf);
	s24 =	smov.u32 s21;
	s21 =	sadd.s32 $0x10, s21  }
0x4c: {  	vm6 =	vgt.f32 v24, v27;
	v17 =	vsel vm5, v26, v17;
	v23 =	vmul.f32 v28, v23  }
0x4d: {  	v16 =	vsel vm5, v24, v16;
	v27 =	vsel vm6, v24, v27  }
0x4e: {  	v20 =	vmul.f32 v25, v20;
	vm5 =	vgt.f32 v23, v27;
	vm7 =	vgt.f32 v23, v11;
	v24 =	vpop (erf)  }
0x4f: {  	v25 =	vsel vm6, $0x1, v1;
	v27 =	vsel vm5, v23, v27;
	v15 =	vsel vm7, v26, v15  }
0x50: {  	vm8 =	vgt.f32 v20, v13;
	v21 =	vmul.f32 v24, v21;
	vm6 =	vgt.f32 v20, v27  }
0x51: {  	v14 =	vsel vm8, v26, v14;
	v13 =	vsel vm8, v20, v13;
	v24 =	vsel vm6, v20, v27  }
0x52: {  	v20 =	vsel vm5, $0x2, v25;
	vm8 =	vgt.f32 v21, v10;
	vm5 =	vgt.f32 v21, v24  }
0x53: {  	v20 =	vsel vm6, $0x3, v20;
	v12 =	vsel vm8, v26, v12;
	v24 =	vsel vm5, v21, v24  }
0x54: {  	v10 =	vsel vm8, v21, v10;
	v20 =	vsel vm5, $0x4, v20;
	[tilespmem:s18+$0x0] =	vst v24;
	s18 =	smov.u32 s22  }
0x55: {  	v11 =	vsel vm7, v23, v11;
	[tilespmem:s19+$0x0] =	vst v20;
	s19 =	smov.u32 s20  }
0x56: {  	vm5 =	vgt.f32 v22, v18;
	v20 =	vld [tilespmem:$0x5690]  }
0x57: {  	v19 =	vsel vm5, v26, v19;
	v18 =	vsel vm5, v22, v18;
	v21 =	vld [tilespmem:$0x5770]  }
0x58: {  	v22 =	vld [tilespmem:$0x56A0]  }
0x59: {  	v23 =	vld [tilespmem:s23+$0x1140]  }
0x5a: {  	v24 =	vld [tilespmem:s23+$0x33C0]  }
0x5b: {  	v25 =	vld [tilespmem:$0x5780]  }
0x5c: {  	v26 =	vld [tilespmem:$0x57A0]  }
0x5d: {  	v27 =	vld [tilespmem:$0x5790]  }
0x5e: {  	v28 =	vld [tilespmem:$0x5680]  }
0x5f: {  	v29 =	vld [tilespmem:$0x5750]  }
0x60: {  	v30 =	vld [tilespmem:s23+$0x0]  }
0x61: {  	v31 =	vld [tilespmem:$0x5700];
	v32 =	vmin.f32 v26, v24  }
0x62: {  	v33 =	vld [tilespmem:$0x56F0]  }
0x63: {  	v34 =	vld [tilespmem:$0x57F0]  }
0x64: {  	s25 =	sand.u32 $0x1FF0, s24;
	v35 =	vld [tilespmem:$0x56E0]  }
0x65: {  	v36 =	vmax.f32 v28, v30;
	v37 =	vld [tilespmem:$0x5730];
	v38 =	vmax.f32 v21, v30  }
0x66: {  	v39 =	vld [tilespmem:$0x57D0]  }
0x67: {  	v21 =	vsub.f32 v27, v21;
	v40 =	vld [tilespmem:$0x56B0]  }
0x68: {  	v26 =	vsub.f32 v26, v25;
	v42 =	vmin.f32 v29, v24;
	v41 =	vmin.f32 v31, v24;
	v43 =	vld [tilespmem:$0x57C0]  }
0x69: {  	v44 =	vmax.f32 v20, v23;
	v45 =	vld [tilespmem:$0x56D0];
	v46 =	vmax.f32 v35, v23;
	v31 =	vsub.f32 v31, v35  }
0x6a: {  	v35 =	vsub.f32 v41, v46;
	v29 =	vsub.f32 v29, v37;
	v41 =	vld [tilespmem:$0x57E0];
	v46 =	vmin.f32 v34, v24  }
0x6b: {  	v21 =	vmul.f32 v26, v21;
	v47 =	vld [tilespmem:s25+$0x2280];
	v26 =	vsub.f32 v34, v39  }
0x6c: {  	v37 =	vmax.f32 v37, v23;
	v34 =	vmax.f32 v35, $0.0e+00;
	v35 =	vld [tilespmem:$0x5720]  }
0x6d: {  	v28 =	vsub.f32 v22, v28;
	v24 =	vmin.f32 v40, v24;
	v48 =	vld [tilespmem:$0x5740];
	v49 =	vmax.f32 v43, v30  }
0x6e: {  	v20 =	vsub.f32 v40, v20;
	v50 =	vld [tilespmem:s25+$0x4500];
	v40 =	vmax.f32 v45, v30;
	v45 =	vsub.f32 v33, v45  }
0x6f: {  	v37 =	vsub.f32 v42, v37;
	v39 =	vmax.f32 v39, v23;
	v42 =	vsub.f32 v41, v43  }
0x70: {  	v39 =	vsub.f32 v46, v39;
	v22 =	vmin.f32 v22, v47;
	v33 =	vmin.f32 v33, v47  }
0x71: {  	v23 =	vmax.f32 v25, v23;
	v22 =	vsub.f32 v22, v36;
	v36 =	vmax.f32 v37, $0.0e+00  }
0x72: {  	v23 =	vsub.f32 v32, v23;
	v27 =	vmin.f32 v27, v47;
	v25 =	vmin.f32 v48, v47  }
0x73: {  	v32 =	vsub.f32 v33, v40;
	v30 =	vmax.f32 v35, v30;
	v33 =	vmin.f32 v41, v47  }
0x74: {  	v24 =	vsub.f32 v24, v44;
	v31 =	vmul.f32 v31, v45;
	v35 =	vsub.f32 v48, v35  }
0x75: {  	v23 =	vmax.f32 v23, $0.0e+00;
	v33 =	vsub.f32 v33, v49;
	v32 =	vmax.f32 v32, $0.0e+00  }
0x76: {  	v20 =	vmul.f32 v20, v28;
	v24 =	vmax.f32 v24, $0.0e+00;
	v27 =	vsub.f32 v27, v38  }
0x77: {  	v22 =	vmax.f32 v22, $0.0e+00;
	v28 =	vadd.f32 v31, v50;
	v31 =	vmax.f32 v39, $0.0e+00  }
0x78: {  	v20 =	vadd.f32 v20, v50;
	v22 =	vmul.f32 v24, v22;
	v24 =	vmul.f32 v26, v42  }
0x79: {  	v25 =	vsub.f32 v25, v30;
	v27 =	vmax.f32 v27, $0.0e+00;
	v26 =	vmul.f32 v34, v32  }
0x7a: {  	v29 =	vmul.f32 v29, v35;
	v30 =	vsub.f32 v20, v22;
	v24 =	vadd.f32 v24, v50  }
0x7b: {  	v21 =	vadd.f32 v21, v50;
	v25 =	vmax.f32 v25, $0.0e+00;
	v20 =	vmul.f32 v23, v27  }
0x7c: {  	v27 =	vsub.f32 v28, v26;
	v23 =	vmul.f32 v36, v25  }
0x7d: {  	v25 =	vadd.f32 v29, v50;
	v21 =	vsub.f32 v21, v20;
	(erf) = vrcp.f32 v30  }
0x7e: {  	(erf) = vrcp.f32 v27  }
0x7f: {  	v25 =	vsub.f32 v25, v23;
	v27 =	vmax.f32 v33, $0.0e+00;
	(erf) = vrcp.f32 v21  }
0x80: {  	v21 =	vmul.f32 v31, v27  }
0x81: {  	(erf) = vrcp.f32 v25  }
0x82: {  	v24 =	vsub.f32 v24, v21;
	_ =	sdelay $0x1  }
.Ltmp0:
0x83: {  	(erf) = vrcp.f32 v24;
	(pc) =	sbr.rel @p0 .LBB2_2-.Ltmp0, $4  }
0x84: {  	_ = 	snop  }
0x85: {  	v24 =	vpop (erf)  }
0x86: {  	v22 =	vmul.f32 v24, v22;
	v24 =	vpop (erf)  }
0x87: {  	s22 =	sadd.s32 $0x10, s22;
	v24 =	vmul.f32 v24, v26;
	v25 =	vpop (erf)  }
0x88: {  	s20 =	sadd.s32 s24, s2;
	vm5 =	vgt.f32 v22, $-1.000000000e+00;
	vm6 =	vgt.f32 v22, v18;
	v20 =	vmul.f32 v25, v20  }
0x89: {  	v26 =	vor.u32 s20, v0;
	v27 =	vnsel vm5, $0xBF800000, v22;
	v18 =	vsel vm6, v22, v18  }
0x8a: {  	vm5 =	vgt.f32 v24, v16;
	v22 =	vpop (erf);
	v19 =	vsel vm6, v26, v19;
	v28 =	vperm.xlane v18, v2  }
0x8b: {  	v22 =	vmul.f32 v22, v23;
	vm7 =	vgt.f32 v24, v27;
	v17 =	vsel vm5, v26, v17  }
0x8c: {  	v16 =	vsel vm5, v24, v16;
	v29 =	vperm.xlane v19, v2;
	v23 =	vsel vm7, v24, v27  }
0x8d: {  	v51 =	vsel vm7, $0x1, v1;
	v53 =	vperm.xlane v16, v2;
	v54 =	vperm.xlane v17, v2  }
0x8e: {  	vm6 =	veq.f32 v28, v18;
	vm5 =	vgt.f32 v28, v18;
	vm9 =	vgt.f32 v22, v23;
	v52 =	vpop (erf)  }
0x8f: {  	vm8 =	vlt.s32 v29, v19;
	v23 =	vsel vm9, v22, v23;
	v21 =	vmul.f32 v52, v21  }
0x90: {  	vm8 =	vmand vm6, vm8;
	vm6 =	vgt.f32 v22, v11;
	vm7 =	vgt.f32 v20, v23  }
0x91: {  	vm5 =	vmor vm5, vm8;
	v15 =	vsel vm6, v26, v15;
	v23 =	vsel vm7, v20, v23  }
0x92: {  	v11 =	vsel vm6, v22, v11;
	v18 =	vsel vm5, v28, v18;
	v19 =	vsel vm5, v29, v19  }
0x93: {  	vm5 =	vgt.f32 v20, v13;
	v57 =	vperm.xlane v11, v2;
	v58 =	vperm.xlane v15, v2  }
0x94: {  	v49 =	vperm.xlane v18, v3;
	v50 =	vperm.xlane v19, v3;
	v14 =	vsel vm5, v26, v14  }
0x95: {  	v20 =	vsel vm5, v20, v13;
	v13 =	vsel vm9, $0x2, v51;
	vm9 =	vgt.f32 v21, v23  }
0x96: {  	vm5 =	vgt.f32 v21, v10;
	vm8 =	veq.f32 v49, v18;
	vm10 =	vlt.s32 v50, v19  }
0x97: {  	v13 =	vsel vm7, $0x3, v13;
	vm11 =	vgt.f32 v49, v18;
	vm8 =	vmand vm8, vm10  }
0x98: {  	v26 =	vsel vm5, v26, v12;
	v12 =	vsel vm9, v21, v23;
	vm8 =	vmor vm11, vm8  }
0x99: {  	v10 =	vsel vm5, v21, v10;
	vm10 =	vlt.s32 v54, v17;
	v18 =	vsel vm8, v49, v18  }
0x9a: {  	v19 =	vsel vm8, v50, v19;
	vm8 =	veq.f32 v53, v16;
	v24 =	vperm.xlane v18, v4  }
0x9b: {  	v55 =	vperm.xlane v19, v4;
	vm8 =	vmand vm8, vm10;
	vm10 =	vgt.f32 v53, v16  }
0x9c: {  	v60 =	vperm.xlane v20, v2;
	v61 =	vperm.xlane v14, v2;
	vm8 =	vmor vm10, vm8  }
0x9d: {  	vm7 =	veq.f32 v24, v18;
	vm11 =	vlt.s32 v55, v19;
	v16 =	vsel vm8, v53, v16  }
0x9e: {  	vm10 =	vgt.f32 v24, v18;
	v17 =	vsel vm8, v54, v17;
	vm7 =	vmand vm7, vm11  }
0x9f: {  	v23 =	vperm.xlane v16, v3;
	v56 =	vperm.xlane v17, v3;
	vm7 =	vmor vm10, vm7  }
0xa0: {  	v13 =	vsel vm9, $0x4, v13;
	vm10 =	vgt.f32 v57, v11;
	v18 =	vsel vm7, v24, v18  }
0xa1: {  	v19 =	vsel vm7, v55, v19;
	vm6 =	veq.f32 v23, v16;
	vm7 =	vlt.s32 v56, v17  }
0xa2: {  	vm8 =	vgt.f32 v23, v16;
	v22 =	vperm.xlane v18, v5;
	vm6 =	vmand vm6, vm7  }
0xa3: {  	v28 =	vperm.xlane v19, v5;
	vm6 =	vmor vm8, vm6;
	vm8 =	vlt.s32 v58, v15  }
0xa4: {  	v16 =	vsel vm6, v23, v16;
	v17 =	vsel vm6, v56, v17;
	vm6 =	veq.f32 v57, v11  }
0xa5: {  	vm7 =	veq.f32 v22, v18;
	vm9 =	vlt.s32 v28, v19;
	vm6 =	vmand vm6, vm8  }
0xa6: {  	v23 =	vperm.xlane v16, v4;
	v25 =	vperm.xlane v17, v4;
	vm6 =	vmor vm10, vm6  }
0xa7: {  	vm7 =	vmand vm7, vm9;
	vm8 =	vgt.f32 v22, v18;
	v11 =	vsel vm6, v57, v11  }
0xa8: {  	v15 =	vsel vm6, v58, v15;
	vm6 =	veq.f32 v23, v16;
	vm9 =	vlt.s32 v25, v17  }
0xa9: {  	vm7 =	vmor vm8, vm7;
	vm8 =	vgt.f32 v23, v16;
	vm6 =	vmand vm6, vm9  }
0xaa: {  	v24 =	vperm.xlane v11, v3;
	v27 =	vperm.xlane v15, v3;
	vm6 =	vmor vm8, vm6  }
0xab: {  	v62 =	vperm.xlane v26, v2;
	v18 =	vsel vm7, v22, v18;
	v16 =	vsel vm6, v23, v16  }
0xac: {  	v17 =	vsel vm6, v25, v17;
	vm5 =	veq.f32 v24, v11;
	vm6 =	vlt.s32 v27, v15  }
0xad: {  	v19 =	vsel vm7, v28, v19;
	vm8 =	vgt.f32 v24, v11;
	vm5 =	vmand vm5, vm6  }
0xae: {  	v18 =	vnsel vm0, $0xBF800000, v18;
	v21 =	vperm.xlane v16, v5;
	vm5 =	vmor vm8, vm5  }
0xaf: {  	v22 =	vperm.xlane v17, v5;
	v11 =	vsel vm5, v24, v11;
	v15 =	vsel vm5, v27, v15  }
0xb0: {  	v19 =	vnsel vm0, $0x2280, v19;
	v23 =	vperm.xlane v11, v4;
	v59 =	vperm.xlane v15, v4  }
0xb1: {  	vm6 =	veq.f32 v21, v16;
	vm5 =	vlt.s32 v22, v17;
	vm7 =	vgt.f32 v21, v16  }
0xb2: {  	vm5 =	vmand vm6, vm5;
	vm8 =	veq.f32 v23, v11;
	vm9 =	vlt.s32 v59, v15  }
0xb3: {  	vm5 =	vmor vm7, vm5;
	vm6 =	vgt.f32 v23, v11;
	vm8 =	vmand vm8, vm9  }
0xb4: {  	vm7 =	veq.f32 v60, v20;
	v16 =	vsel vm5, v21, v16;
	vm6 =	vmor vm6, vm8  }
0xb5: {  	v17 =	vsel vm5, v22, v17;
	vm8 =	vlt.s32 v61, v14;
	v11 =	vsel vm6, v23, v11  }
0xb6: {  	v15 =	vsel vm6, v59, v15;
	vm6 =	vgt.f32 v60, v20;
	vm7 =	vmand vm7, vm8  }
0xb7: {  	v22 =	vperm.xlane v10, v2;
	v16 =	vsel vm1, v18, v16;
	vm6 =	vmor vm6, vm7  }
0xb8: {  	v23 =	vperm.xlane v11, v5;
	v24 =	vperm.xlane v15, v5;
	v20 =	vsel vm6, v60, v20  }
0xb9: {  	vm8 =	vlt.s32 v62, v26;
	v14 =	vsel vm6, v61, v14;
	v21 =	vperm.xlane v20, v3  }
0xba: {  	vm5 =	veq.f32 v23, v11;
	vm7 =	vlt.s32 v24, v15;
	v18 =	vperm.xlane v14, v3  }
0xbb: {  	vm5 =	vmand vm5, vm7;
	vm7 =	veq.f32 v22, v10;
	vm6 =	veq.f32 v21, v20  }
0xbc: {  	vm9 =	vlt.s32 v18, v14;
	vm7 =	vmand vm7, vm8;
	vm8 =	vgt.f32 v22, v10  }
0xbd: {  	vm6 =	vmand vm6, vm9;
	vm9 =	vgt.f32 v23, v11;
	vm7 =	vmor vm8, vm7  }
0xbe: {  	vm8 =	vgt.f32 v21, v20;
	v10 =	vsel vm7, v22, v10;
	v22 =	vsel vm7, v62, v26  }
0xbf: {  	vm6 =	vmor vm8, vm6;
	v63 =	vperm.xlane v10, v3;
	v26 =	vperm.xlane v22, v3  }
0xc0: {  	v17 =	vsel vm1, v19, v17;
	vm5 =	vmor vm9, vm5;
	v19 =	vsel vm6, v21, v20  }
0xc1: {  	v14 =	vsel vm6, v18, v14;
	vm6 =	veq.f32 v63, v10;
	vm7 =	vlt.s32 v26, v22  }
0xc2: {  	v18 =	vperm.xlane v19, v4;
	vm8 =	vgt.f32 v63, v10;
	vm6 =	vmand vm6, vm7  }
0xc3: {  	v11 =	vsel vm5, v23, v11;
	v20 =	vperm.xlane v14, v4;
	vm6 =	vmor vm8, vm6  }
0xc4: {  	vm7 =	veq.f32 v18, v19;
	v10 =	vsel vm6, v63, v10;
	v21 =	vsel vm6, v26, v22  }
0xc5: {  	vm6 =	vlt.s32 v20, v14;
	v22 =	vperm.xlane v10, v4;
	v23 =	vperm.xlane v21, v4  }
0xc6: {  	v15 =	vsel vm5, v24, v15;
	vm5 =	vgt.f32 v18, v19;
	vm6 =	vmand vm7, vm6  }
0xc7: {  	vm5 =	vmor vm5, vm6;
	vm6 =	veq.f32 v22, v10;
	vm7 =	vlt.s32 v23, v21  }
0xc8: {  	v18 =	vsel vm5, v18, v19;
	vm8 =	vgt.f32 v22, v10;
	vm6 =	vmand vm6, vm7  }
0xc9: {  	v14 =	vsel vm5, v20, v14;
	v19 =	vperm.xlane v18, v5;
	vm5 =	vmor vm8, vm6  }
0xca: {  	v20 =	vperm.xlane v14, v5;
	v10 =	vsel vm5, v22, v10;
	v21 =	vsel vm5, v23, v21  }
0xcb: {  	v11 =	vsel vm2, v16, v11;
	v16 =	vperm.xlane v10, v5;
	v22 =	vperm.xlane v21, v5  }
0xcc: {  	vm5 =	vgt.f32 v19, v18;
	vm6 =	veq.f32 v19, v18;
	vm7 =	vlt.s32 v20, v14  }
0xcd: {  	vm6 =	vmand vm6, vm7;
	vm7 =	veq.f32 v16, v10;
	vm8 =	vlt.s32 v22, v21  }
0xce: {  	vm5 =	vmor vm5, vm6;
	vm6 =	vgt.f32 v16, v10;
	vm7 =	vmand vm7, vm8  }
0xcf: {  	v15 =	vsel vm2, v17, v15;
	v17 =	vsel vm5, v19, v18;
	vm6 =	vmor vm6, vm7  }
0xd0: {  	[tilespmem:s18+$0x0] =	vst v12;
	v12 =	vsel vm5, v20, v14;
	v11 =	vsel vm3, v11, v17;
	v10 =	vsel vm6, v16, v10  }
0xd1: {  	[tilespmem:s19+$0x0] =	vst v13;
	v12 =	vsel vm3, v15, v12;
	v13 =	vsel vm6, v22, v21;
	v10 =	vsel vm4, v11, v10  }
0xd2: {  	v11 =	vsel vm4, v12, v13;
	[tilespmem:$0x7B80] =	vst v10  }
0xd3: {  	[tilespmem:$0x8D00] =	vst v11  }
0xd4: {  	[spmem:s6] =	stream.linear.scatter [tilespmem:s15], [sflag:$0x1], $0x10, $0x38;
	[tilespmem:$0x9EA0] =	vst v63  }
0xd5: {  	_ =	swait.ge [sflag:s8], $0x10  }
0xd6: {  	[sflag:s8] =	ssyncset.done $0x0  }
0xd7: {  	[sflag:s8] =	ssyncadd.s32 $0xFFFFFFF0  }
0xd8: {  	[spmem:s7] =	stream.linear.scatter [tilespmem:s16], [sflag:$0x1], $0x10, $0x38;
	[tilespmem:$0x9EA0] =	vst v63  }
0xd9: {  	_ =	swait.ge [sflag:s8], $0x10  }
0xda: {  	[sflag:s8] =	ssyncset.done $0x0  }
0xdb: {  	[sflag:s8] =	ssyncadd.s32 $0xFFFFFFF0  }
0xdc: {  	[bflag:$0x0] =	sbarrier.arrive $0xFFFF  }
0xdd: {  	[tilespmem:s15], [sflag:$0x1] =	stream.linear.gather [spmem:s9], $0x10, $0x38;
	[tilespmem:$0x9EA0] =	vst v63  }
0xde: {  	_ =	swait.ge [sflag:s8], $0x10  }
0xdf: {  	[sflag:s8] =	ssyncset.done $0x0  }
0xe0: {  	[sflag:s8] =	ssyncadd.s32 $0xFFFFFFF0  }
0xe1: {  	[tilespmem:s16], [sflag:$0x1] =	stream.linear.gather [spmem:s10], $0x10, $0x38;
	[tilespmem:$0x9EA0] =	vst v63  }
0xe2: {  	_ =	swait.ge [sflag:s8], $0x10  }
0xe3: {  	[sflag:s8] =	ssyncset.done $0x0  }
0xe4: {  	[sflag:s8] =	ssyncadd.s32 $0xFFFFFFF0  }
0xe5: {  	v12 =	vld [tilespmem:$0x7B80]  }
0xe6: {  	v13 =	vld [tilespmem:$0x8D00];
	_ =	sdelay $0x4  }
0xe7: {  	vm5 =	veq.f32 v12, v10;
	vm6 =	vlt.s32 v13, v11  }
0xe8: {  	s18 =	simm.s32 $0x0;
	vm7 =	vgt.f32 v12, v10;
	vm5 =	vmand vm5, vm6  }
0xe9: {  	v12 =	vld [tilespmem:s18+$0x6A00];
	vm5 =	vmor vm7, vm5  }
0xea: {  	v13 =	vsel vm5, v13, v11  }
0xeb: {  	v19 =	vperm.xlane v13, v1;
	v20 =	vperm.xlane v13, v6  }
0xec: {  	v22 =	vor.u32 s2, v0  }
0xed: {  	v16 =	vperm.xlane v13, v7;
	vm5 =	veq.s32 v22, v19;
	vm6 =	veq.s32 v22, v20  }
0xee: {  	v10 =	vld [tilespmem:$0x56C0];
	v17 =	vperm.xlane v13, v8;
	vm6 =	vmmov vm6;
	v14 =	vsel vm5, $0x0, v12  }
0xef: {  	v11 =	vld [tilespmem:$0x5710];
	v18 =	vperm.xlane v13, v9;
	vm8 =	veq.s32 v22, v16;
	v14 =	vsel vm6, $0x1, v14  }
0xf0: {  	v13 =	vld [tilespmem:$0x57B0];
	vm10 =	veq.s32 v22, v17;
	v15 =	vsel vm8, $0x2, v14  }
0xf1: {  	s20 =	sadd.s32 $0x10, s2;
	vm7 =	vgt.u32 v22, $0x221B;
	vm11 =	veq.s32 v22, v18;
	v22 =	vld [tilespmem:s18+$0x5880];
	v21 =	vsel vm10, $0x3, v15  }
0xf2: {  	v12 =	vld [tilespmem:$0x5760];
	vm9 =	vmmov vm5;
	v15 =	vor.u32 s20, v0;
	v21 =	vsel vm11, $0x4, v21  }
0xf3: {  	s21 =	simm.s32 $0x80;
	s19 =	simm.s32 $0x10;
	v14 =	vld [tilespmem:$0x5800];
	vm5 =	veq.s32 v15, v19;
	vm12 =	veq.s32 v15, v20;
	vm13 =	veq.s32 v21, $0x0;
	[tilespmem:s18+$0x8D00] =	vst v21  }
.LBB2_4:
0xf4: {  	vm10 =	vmor vm11, vm10;
	v24 =	vnsel vm13, $0x0, v10  }
0xf5: {  	p0 =	sne.s32 s21, $0x44C0;
	v23 =	vld [tilespmem:s19+$0x6A00];
	vm11 =	veq.s32 v21, $0x1;
	vm13 =	vmmov vm6;
	vm6 =	vmmov vm12  }
0xf6: {  	vm8 =	vmor vm10, vm8;
	v24 =	vsel vm11, v11, v24;
	vm10 =	veq.s32 v21, $0x2  }
0xf7: {  	vm8 =	vmor vm8, vm13;
	v24 =	vsel vm10, v12, v24;
	vm10 =	veq.s32 v21, $0x3  }
0xf8: {  	vm8 =	vmor vm8, vm9;
	v24 =	vsel vm10, v13, v24;
	vm9 =	veq.s32 v21, $0x4  }
0xf9: {  	v21 =	vsel vm9, v14, v24;
	vm9 =	vlt.f32 v22, $5.000000000e-01;
	vm8 =	vmneg vm8  }
0xfa: {  	v22 =	vsel vm5, $0x0, v23;
	vm9 =	vmand vm8, vm9;
	v21 =	vadd.f32 $1.000000000e+00, v21  }
.Ltmp1:
0xfb: {  	vm8 =	veq.s32 v15, v16;
	v22 =	vsel vm6, $0x1, v22;
	vm7 =	vmor vm7, vm9;
	(pc) =	sbr.rel @p0 .LBB2_4-.Ltmp1, $4  }
0xfc: {  	vm10 =	veq.s32 v15, v17;
	v22 =	vsel vm8, $0x2, v22;
	v21 =	vsel vm7, $0x0, v21  }
0xfd: {  	s20 =	sadd.s32 $0x10, s20;
	vm11 =	veq.s32 v15, v18;
	vm9 =	vmmov vm5;
	v22 =	vsel vm10, $0x3, v22;
	[tilespmem:s18+$0x7B80] =	vst v21;
	s18 =	smov.u32 s19  }
0xfe: {  	vm7 =	vgt.u32 v15, $0x221B;
	v15 =	vor.u32 s20, v0;
	v21 =	vsel vm11, $0x4, v22  }
0xff: {  	s19 =	sshra.s32 s21, $0x2;
	vm5 =	veq.s32 v15, v19;
	vm12 =	veq.s32 v15, v20;
	s21 =	sadd.s32 $0x40, s21;
	v22 =	vld [tilespmem:s18+$0x5880];
	vm13 =	veq.s32 v21, $0x0;
	[tilespmem:s18+$0x8D00] =	vst v21  }
0x100: {  	vm10 =	vmor vm11, vm10  }
0x101: {  	v19 =	vld [tilespmem:s19+$0x6A00];
	v20 =	vnsel vm13, $0x0, v10;
	vm15 =	veq.s32 v21, $0x1;
	vm6 =	vmmov vm6  }
0x102: {  	vm13 =	veq.s32 v21, $0x2;
	vm14 =	veq.s32 v21, $0x3;
	vm8 =	vmor vm10, vm8  }
0x103: {  	v20 =	vsel vm15, v11, v20;
	vm10 =	vmmov vm12;
	vm15 =	veq.s32 v21, $0x4  }
0x104: {  	vm6 =	vmor vm8, vm6;
	v20 =	vsel vm13, v12, v20;
	vm13 =	veq.s32 v15, v16  }
0x105: {  	vm6 =	vmor vm6, vm9;
	v20 =	vsel vm14, v13, v20;
	vm12 =	vlt.f32 v22, $5.000000000e-01  }
0x106: {  	vm6 =	vmneg vm6;
	v20 =	vsel vm15, v14, v20;
	v19 =	vsel vm5, $0x0, v19  }
0x107: {  	vm6 =	vmand vm6, vm12;
	v20 =	vadd.f32 $1.000000000e+00, v20;
	v19 =	vsel vm10, $0x1, v19  }
0x108: {  	vm6 =	vmor vm7, vm6;
	vm7 =	veq.s32 v15, v17;
	v16 =	vsel vm13, $0x2, v19  }
0x109: {  	v63 =	vsel vm6, $0x0, v20;
	vm6 =	veq.s32 v15, v18;
	v16 =	vsel vm7, $0x3, v16  }
0x10a: {  	[tilespmem:s18+$0x7B80] =	vst v63;
	v16 =	vsel vm6, $0x4, v16  }
0x10b: {  	vm15 =	vmmov vm10;
	vm5 =	vmmov vm5;
	v17 =	vld [tilespmem:s19+$0x5880];
	vm14 =	veq.s32 v16, $0x0  }
0x10c: {  	vm6 =	vmor vm6, vm7;
	vm7 =	veq.s32 v16, $0x1;
	v10 =	vnsel vm14, $0x0, v10  }
0x10d: {  	vm6 =	vmor vm6, vm13;
	v10 =	vsel vm7, v11, v10;
	vm7 =	veq.s32 v16, $0x2  }
0x10e: {  	vm6 =	vmor vm6, vm15;
	v10 =	vsel vm7, v12, v10;
	vm7 =	veq.s32 v16, $0x3  }
0x10f: {  	vm5 =	vmor vm6, vm5;
	vm6 =	veq.s32 v16, $0x4;
	v10 =	vsel vm7, v13, v10  }
0x110: {  	vm5 =	vmneg vm5;
	v10 =	vsel vm6, v14, v10;
	vm6 =	vlt.f32 v17, $5.000000000e-01  }
0x111: {  	vm7 =	vgt.u32 v15, $0x221B;
	vm5 =	vmand vm5, vm6;
	v10 =	vadd.f32 $1.000000000e+00, v10  }
0x112: {  	vm5 =	vmor vm7, vm5  }
0x113: {  	[tilespmem:s19+$0x8D00] =	vst v16;
	v10 =	vsel vm5, $0x0, v10  }
0x114: {  	[tilespmem:s19+$0x7B80] =	vst v10  }
0x115: {  	[hbm4b:s11+s3] =	stream.linear.scatter [tilespmem:s15], [sflag:$0x1], $0x1140, $0x38;
	[tilespmem:$0x9EA0] =	vst v63  }
0x116: {  	s17 =	sadd.s32 $0x1, s17;
	_ =	swait.ge [sflag:s8], $0x1140  }
0x117: {  	p0 =	sne.s32 s17, s13;
	[sflag:s8] =	ssyncset.done $0x0  }
.Ltmp2:
0x118: {  	[sflag:s8] =	ssyncadd.s32 $0xFFFFEEC0;
	(pc) =	sbr.rel @p0 .LBB2_1-.Ltmp2, $4  }
0x119: {  	[hbm4b:s12+s3] =	stream.linear.scatter [tilespmem:s16], [sflag:$0x1], $0x1140, $0x38;
	[tilespmem:$0x9EA0] =	vst v63  }
0x11a: {  	_ =	swait.ge [sflag:s8], $0x1140  }
0x11b: {  	[sflag:s8] =	ssyncset.done $0x0  }
0x11c: {  	[sflag:s8] =	ssyncadd.s32 $0xFFFFEEC0  }
0x11d: {  	_ =	sfence.sel $0x180000  }
0x11e: {  	[bflag:$0x0] =	sbarrier.arrive $0xFFFF  }
0x11f: {  	p0 =	sne.s32 s0, $0x0;
	_ =	strace $0x90000047  }
0x120: {  	s0 =	sadd.s32 @!p0 $0x100000, s1;
	[bflag:$0x2] =	sbarrier.arrive $0xFFFF  }
0x121: {  	[sflag:s0] =	ssyncadd.tile.s32 @!p0 $0x1;
	_ =	shalt  }
.Lfunc_end2:
_tile_overlayer_lowered:
.L_overlay_start_2:
0x122: {  	(tag) =	ssettag $0x2  }
0x123: {  	s0 =	rddreg [dreg:$0x0];
	s2 =	stileid.u32  }
0x124: {  	s1 =	rddreg [dreg:$0x1];
	p0 =	sne.s32 s2, $0x0  }
0x125: {  	s3 =	rddreg [dreg:$0x2];
	[bflag:$0x3] =	sbarrier.arrive $0xFFFF;
	s2 =	simm.s32 @!p0 $0x1C01  }
0x126: {  	[timem:s3], [sflag:s2] =	dma.local @!p0 [hbm:s0], s1  }
0x127: {  	s0 =	simm.s32 @!p0 $0x1  }
0x128: {  	_ =	swait.ge @!p0 [sflag:s0], s1  }
0x129: {  	s1 =	ssub.s32 @!p0 $0x0, s1;
	[sflag:s0] =	ssyncset.done @!p0 $0x0  }
0x12a: {  	[sflag:s0] =	ssyncadd.s32 @!p0 s1  }
0x12b: {  	[bflag:$0x3] =	sbarrier.arrive $0xFFFF  }
0x12c: {  	_ =	shalt  }

</sc_bundles>
